<compile_context>
chip_gen: v7x
topology: tpu7x:2x2x1
jax: 0.10.2.dev20260603
libtpu: 0.0.44.dev20260713+nightly
codegen_flags: <defaults>
</compile_context>

<pallas_src>
import jax
import jax.numpy as jnp
from jax import lax
from jax.experimental import pallas as pl
from jax.experimental.pallas import tpu as pltpu
from jax.experimental.pallas import tpu_sc as plsc

B = 4096
LT = 50
LG = 20
D = 32
NC = 2
NS = 16
NW = NC * NS
BPW = B // NW
NBUF = 8

_MESH = plsc.VectorSubcoreMesh(
    core_axis_name="c", subcore_axis_name="s", num_cores=NC, num_subcores=NS
)


def _sc_idemb_body(uT_hbm, mT_hbm, uid_hbm, mid_hbm, u_out, m_out,
                   idx_v, rows_v, *ring):
    bufs, sems = ring[:NBUF], ring[NBUF:]
    wid = lax.axis_index("s") * NC + lax.axis_index("c")
    base = wid * BPW
    lane = lax.iota(jnp.int32, 16)

    def gather_table(tabT_hbm, ids_hbm, out_hbm):
        pltpu.sync_copy(ids_hbm.at[pl.ds(base, BPW)], idx_v)

        def jof(i):
            c = idx_v[pl.ds(pl.multiple_of((i >> 4) << 4, 16), 16)]
            return jnp.sum(jnp.where(lane == (i & 15), c, 0))

        def fetch(i, buf, sem):
            j = jof(jnp.minimum(i, BPW - 1))
            jb = pl.multiple_of((j >> 7) << 7, 128)
            pltpu.async_copy(tabT_hbm.at[:, pl.ds(jb, 128)], buf, sem)

        def extract(i, buf):
            j = jof(i)
            jm = jnp.broadcast_to(j & 127, (16,))
            rows_v[i, pl.ds(0, 16)] = plsc.load_gather(buf, [lane, jm])
            rows_v[i, pl.ds(16, 16)] = plsc.load_gather(buf, [lane + 16, jm])

        for b in range(NBUF):
            fetch(b, bufs[b], sems[b])

        @pl.loop(0, BPW, step=NBUF)
        def _blk(i):
            for b in range(NBUF):
                pltpu.make_async_copy(
                    tabT_hbm.at[:, pl.ds(0, 128)], bufs[b], sems[b]).wait()
                extract(i + b, bufs[b])
                fetch(i + b + NBUF, bufs[b], sems[b])

        for b in range(NBUF):
            pltpu.make_async_copy(
                tabT_hbm.at[:, pl.ds(0, 128)], bufs[b], sems[b]).wait()

        pltpu.sync_copy(rows_v, out_hbm.at[pl.ds(base, BPW)])

    gather_table(uT_hbm, uid_hbm, u_out)
    gather_table(mT_hbm, mid_hbm, m_out)


@jax.jit
def _sc_idemb(uT, mT, user_id, movie_id):
    f32 = jnp.float32
    return pl.kernel(
        _sc_idemb_body,
        out_type=[
            jax.ShapeDtypeStruct((B, D), f32),
            jax.ShapeDtypeStruct((B, D), f32),
        ],
        mesh=_MESH,
        compiler_params=pltpu.CompilerParams(
            use_tc_tiling_on_sc=True, needs_layout_passes=False),
        scratch_types=[
            pltpu.VMEM((BPW,), jnp.int32),
            pltpu.VMEM((BPW, D), f32),
        ] + [pltpu.VMEM((D, 128), f32) for _ in range(NBUF)]
          + [pltpu.SemaphoreType.DMA for _ in range(NBUF)],
    )(uT, mT, user_id, movie_id)


NPB = 5


def _sc_pool_body(tagT_hbm, genT_hbm, tag_tab, gen_tab,
                  tsum_out, gsum_out, acc_v, *rest):
    wid = lax.axis_index("s") * NC + lax.axis_index("c")
    base = wid * BPW
    bufs = rest[:NPB]
    tidx_v, gidx_v, sa = rest[NPB], rest[NPB + 1], rest[NPB + 2]
    sems = rest[NPB + 3:]

    def pooled_sum(idsT_hbm, L, table, out_hbm, lidx_v):
        pltpu.sync_copy(idsT_hbm.at[:, pl.ds(base, BPW)], lidx_v)

        def fetch(l, buf, sem):
            pltpu.async_copy(
                table.at[lidx_v.at[jnp.minimum(l, L - 1)]], buf, sem)

        def wait(buf, sem):
            pltpu.make_async_copy(table.at[lidx_v.at[0]], buf, sem).wait()

        def accum(buf):
            @pl.loop(0, BPW, unroll=8)
            def _acc(r):
                plsc.addupdate(acc_v.at[r, pl.ds(0, 16)], buf[r, pl.ds(0, 16)])
                plsc.addupdate(acc_v.at[r, pl.ds(16, 16)], buf[r, pl.ds(16, 16)])

        P = (L - 1) // NPB
        R = (L - 1) - NPB * P

        da = pltpu.async_copy(table.at[lidx_v.at[0]], acc_v, sa)
        for b in range(NPB):
            fetch(1 + b, bufs[b], sems[b])
        da.wait()

        @pl.loop(0, P)
        def _round(t):
            for b in range(NPB):
                l = NPB * t + 1 + b
                wait(bufs[b], sems[b])
                accum(bufs[b])
                fetch(l + NPB, bufs[b], sems[b])

        for b in range(NPB):
            wait(bufs[b], sems[b])
            if b < R:
                accum(bufs[b])

        pltpu.sync_copy(acc_v, out_hbm.at[pl.ds(base, BPW)])

    pooled_sum(tagT_hbm, LT, tag_tab, tsum_out, tidx_v)
    pooled_sum(genT_hbm, LG, gen_tab, gsum_out, gidx_v)


@jax.jit
def _sc_pool(tagT, genT, tag_table, genre_table):
    f32 = jnp.float32
    return pl.kernel(
        _sc_pool_body,
        out_type=[
            jax.ShapeDtypeStruct((B, D), f32),
            jax.ShapeDtypeStruct((B, D), f32),
        ],
        mesh=_MESH,
        compiler_params=pltpu.CompilerParams(
            use_tc_tiling_on_sc=False, needs_layout_passes=False),
        scratch_types=[pltpu.VMEM((BPW, D), f32) for _ in range(NPB + 1)] + [
            pltpu.VMEM((LT, BPW), jnp.int32),
            pltpu.VMEM((LG, BPW), jnp.int32),
        ] + [pltpu.SemaphoreType.DMA for _ in range(NPB + 1)],
    )(tagT, genT, tag_table, genre_table)


def _tc_body(uemb_ref, tsum_ref, tagT_ref, iemb_ref, gsum_ref, genT_ref,
             trow0_ref, grow0_ref,
             uW1_ref, uB1_ref, uW2_ref, uB2_ref,
             iW1_ref, iB1_ref, iW2_ref, iB2_ref, out_ref):
    def pooled(sum_ref, idsT_ref, row0_ref, L):
        ids = idsT_ref[...]
        nnz = jnp.sum((ids != 0).astype(jnp.float32), axis=0).reshape(B, 1)
        fallback = jnp.min(nnz) == 0.0
        denom = jnp.where(fallback, float(L), jnp.maximum(nnz, 1.0))
        eff = jnp.where(fallback, sum_ref[...],
                        sum_ref[...] - (float(L) - nnz) * row0_ref[...])
        return eff / denom

    tpool = pooled(tsum_ref, tagT_ref, trow0_ref, LT)
    gpool = pooled(gsum_ref, genT_ref, grow0_ref, LG)

    def mlp(x, W1, b1, W2, b2):
        h = jnp.maximum(
            jnp.dot(x, W1, preferred_element_type=jnp.float32) + b1, 0.0)
        return jnp.dot(h, W2, preferred_element_type=jnp.float32) + b2

    user_in = jnp.concatenate([uemb_ref[...], tpool], axis=1)
    item_in = jnp.concatenate([iemb_ref[...], gpool], axis=1)
    uvec = mlp(user_in, uW1_ref[...], uB1_ref[...], uW2_ref[...], uB2_ref[...])
    ivec = mlp(item_in, iW1_ref[...], iB1_ref[...], iW2_ref[...], iB2_ref[...])
    out_ref[...] = jnp.sum(uvec * ivec, axis=1)


@jax.jit
def _tc_towers(uemb, tsum, tagT, iemb, gsum, genT, trow0, grow0,
               uW1, uB1, uW2, uB2, iW1, iB1, iW2, iB2):
    return pl.pallas_call(
        _tc_body,
        out_shape=jax.ShapeDtypeStruct((B,), jnp.float32),
    )(uemb, tsum, tagT, iemb, gsum, genT, trow0, grow0,
      uW1, uB1, uW2, uB2, iW1, iB1, iW2, iB2)


def kernel(user_id, tag_input_ids, movie_id, genre_input_ids,
           user_table, movie_table, tag_table, genre_table,
           uW1, uB1, uW2, uB2, iW1, iB1, iW2, iB2):
    user_id = user_id.astype(jnp.int32)
    movie_id = movie_id.astype(jnp.int32)
    tagT = tag_input_ids.astype(jnp.int32).T
    genT = genre_input_ids.astype(jnp.int32).T

    uemb, iemb = _sc_idemb(user_table.T, movie_table.T, user_id, movie_id)
    tagT_b, genT_b, uemb, iemb = lax.optimization_barrier(
        (tagT, genT, uemb, iemb))
    tag_lin = tag_table.reshape(25000, 128).reshape(100000, D)
    gen_lin = genre_table.reshape(250, 128).reshape(1000, D)
    tsum, gsum = _sc_pool(tagT_b, genT_b, tag_lin, gen_lin)

    return _tc_towers(
        uemb, tsum, tagT, iemb, gsum, genT,
        tag_table[0:1], genre_table[0:1],
        uW1, uB1.reshape(1, -1), uW2, uB2.reshape(1, -1),
        iW1, iB1.reshape(1, -1), iW2, iB2.reshape(1, -1))

# --- scband reference (transcript-rebuilt; emitter-appended) ---
"""Pipeline reference for scband-two-tower-27015344291964 (READ-ONLY COPY).

The authoritative reference and input builder live on the scoring server;
editing this copy changes nothing except your own understanding.
"""

import jax, jax.numpy as jnp
import numpy as np

B = 4096
LT = 50
LG = 20
VU = 1000000
VI = 1000000
VT = 100000
VG = 1000
D = 32


def _xavier(key, fan_in, fan_out):
    limit = float(np.sqrt(6.0 / (fan_in + fan_out)))
    return jax.random.uniform(key, (fan_in, fan_out), minval=-limit, maxval=limit, dtype=jnp.float32)


def setup_inputs(seed: int = 0) -> dict:
    key = jax.random.key(seed)
    ks = jax.random.split(key, 16)
    user_id = jax.random.randint(ks[0], (B,), 0, VU)
    tag_input_ids = jax.random.randint(ks[1], (B, LT), 0, VT)
    movie_id = jax.random.randint(ks[2], (B,), 0, VI)
    genre_input_ids = jax.random.randint(ks[3], (B, LG), 0, VG)
    user_table = jax.random.normal(ks[4], (VU, D), dtype=jnp.float32) * 0.1
    user_table = user_table.at[0].set(0.0)
    movie_table = jax.random.normal(ks[5], (VI, D), dtype=jnp.float32) * 0.1
    movie_table = movie_table.at[0].set(0.0)
    tag_table = jax.random.normal(ks[6], (VT, D), dtype=jnp.float32) * 0.1
    genre_table = jax.random.normal(ks[7], (VG, D), dtype=jnp.float32) * 0.1
    uW1 = _xavier(ks[8], 2 * D, 64)
    uB1 = jnp.zeros((64,), dtype=jnp.float32)
    uW2 = _xavier(ks[9], 64, 32)
    uB2 = jnp.zeros((32,), dtype=jnp.float32)
    iW1 = _xavier(ks[10], 2 * D, 64)
    iB1 = jnp.zeros((64,), dtype=jnp.float32)
    iW2 = _xavier(ks[11], 64, 32)
    iB2 = jnp.zeros((32,), dtype=jnp.float32)
    return {
        'user_id': user_id, 'tag_input_ids': tag_input_ids,
        'movie_id': movie_id, 'genre_input_ids': genre_input_ids,
        'user_table': user_table, 'movie_table': movie_table,
        'tag_table': tag_table, 'genre_table': genre_table,
        'uW1': uW1, 'uB1': uB1, 'uW2': uW2, 'uB2': uB2,
        'iW1': iW1, 'iB1': iB1, 'iW2': iW2, 'iB2': iB2,
    }


def _masked_mean_pool(table, ids):
    emb = jnp.take(table, ids, axis=0)
    mask = (ids != 0).astype(jnp.float32)
    msum = jnp.sum(mask, axis=-1, keepdims=True)
    mask = jnp.where(jnp.min(msum) == 0, jnp.ones_like(mask), mask)
    w = mask / jnp.sum(mask, axis=-1, keepdims=True)
    return jnp.sum(emb * w[..., None], axis=-2)


def _mlp(x, W1, b1, W2, b2):
    h = jnp.maximum(x @ W1 + b1, 0.0)  # ReLU; dropout is identity at eval
    return h @ W2 + b2


def reference(user_id, tag_input_ids, movie_id, genre_input_ids,
              user_table, movie_table, tag_table, genre_table,
              uW1, uB1, uW2, uB2, iW1, iB1, iW2, iB2):
    u_id_emb = jnp.take(user_table, user_id, axis=0)
    u_tag_emb = _masked_mean_pool(tag_table, tag_input_ids)
    user_vec = _mlp(jnp.concatenate([u_id_emb, u_tag_emb], axis=-1), uW1, uB1, uW2, uB2)
    i_id_emb = jnp.take(movie_table, movie_id, axis=0)
    i_genre_emb = _masked_mean_pool(genre_table, genre_input_ids)
    item_vec = _mlp(jnp.concatenate([i_id_emb, i_genre_emb], axis=-1), iW1, iB1, iW2, iB2)
    score = jnp.sum(user_vec * item_vec, axis=1)
    return score

if __name__ == "__main__":
    import jax
    _d = setup_inputs()
    print(jax.jit(kernel)(*tuple(_d.values())))

</pallas_src>

<mosaic_0001>
#map = affine_map<(d0, d1) -> (0, 0)>
#map1 = affine_map<(d0, d1) -> (0)>
module attributes {stable_mosaic.version = 14 : i64} {
  func.func @_sc_idemb_body(%arg0: i32, %arg1: i32, %arg2: memref<32x1000000xf32, #tpu.memory_space<hbm>>, %arg3: memref<32x1000000xf32, #tpu.memory_space<hbm>>, %arg4: memref<4096xi32, #tpu.memory_space<hbm>>, %arg5: memref<4096xi32, #tpu.memory_space<hbm>>, %arg6: memref<4096x32xf32, #tpu.memory_space<hbm>>, %arg7: memref<4096x32xf32, #tpu.memory_space<hbm>>, %arg8: memref<128xi32, #tpu.memory_space<vmem>>, %arg9: memref<128x32xf32, #tpu.memory_space<vmem>>, %arg10: memref<32x128xf32, #tpu.memory_space<vmem>>, %arg11: memref<32x128xf32, #tpu.memory_space<vmem>>, %arg12: memref<32x128xf32, #tpu.memory_space<vmem>>, %arg13: memref<32x128xf32, #tpu.memory_space<vmem>>, %arg14: memref<32x128xf32, #tpu.memory_space<vmem>>, %arg15: memref<32x128xf32, #tpu.memory_space<vmem>>, %arg16: memref<32x128xf32, #tpu.memory_space<vmem>>, %arg17: memref<32x128xf32, #tpu.memory_space<vmem>>, %arg18: memref<!tpu.dma_semaphore, #tpu.memory_space<semaphore_mem>>, %arg19: memref<!tpu.dma_semaphore, #tpu.memory_space<semaphore_mem>>, %arg20: memref<!tpu.dma_semaphore, #tpu.memory_space<semaphore_mem>>, %arg21: memref<!tpu.dma_semaphore, #tpu.memory_space<semaphore_mem>>, %arg22: memref<!tpu.dma_semaphore, #tpu.memory_space<semaphore_mem>>, %arg23: memref<!tpu.dma_semaphore, #tpu.memory_space<semaphore_mem>>, %arg24: memref<!tpu.dma_semaphore, #tpu.memory_space<semaphore_mem>>, %arg25: memref<!tpu.dma_semaphore, #tpu.memory_space<semaphore_mem>>) attributes {dimension_semantics = [#tpu.dimension_semantics<core_parallel>, #tpu.dimension_semantics<subcore_parallel>], iteration_bounds = array<i64: 2, 16>, scalar_prefetch = 0 : i64, scratch_operands = 18 : i64, tpu.core_type = #tpu.core_type<sc_vector_subcore>, window_params = [{transform_indices = #map}, {transform_indices = #map}, {transform_indices = #map1}, {transform_indices = #map1}, {transform_indices = #map}, {transform_indices = #map}]} {
    %mul3A = arith.constant 2 : i32
    %mul3A_0 = arith.muli %arg1, %mul3A : i32
    %add3A = arith.addi %mul3A_0, %arg0 : i32
    %mul3A_1 = arith.constant 128 : i32
    %mul3A_2 = arith.muli %add3A, %mul3A_1 : i32
    %iota3A = tpu.iota {dimensions = array<i32: 0>} : vector<16xi32>
    "tpu.region"() ({
      %run_scoped3A = tpu.sem_alloc : memref<!tpu.dma_semaphore, #tpu.memory_space<semaphore_mem>>
      %dma_start3A_575 = tpu.memref_slice %arg4[%mul3A_2] : memref<4096xi32, #tpu.memory_space<hbm>> -> memref<128xi32, #tpu.memory_space<hbm>>
      %dma_start3A_576 = tpu.memref_slice %arg4[%mul3A_2] : memref<4096xi32, #tpu.memory_space<hbm>> -> memref<128xi32, #tpu.memory_space<hbm>>
      tpu.enqueue_dma source(%dma_start3A_576 : memref<128xi32, #tpu.memory_space<hbm>>) target(%arg8 : memref<128xi32, #tpu.memory_space<vmem>>) target_semaphore(%run_scoped3A : memref<!tpu.dma_semaphore, #tpu.memory_space<semaphore_mem>>)
      %dma_wait3A_577 = tpu.memref_slice %arg4[%mul3A_2] : memref<4096xi32, #tpu.memory_space<hbm>> -> memref<128xi32, #tpu.memory_space<hbm>>
      %dma_wait3A_578 = tpu.memref_slice %arg4[%mul3A_2] : memref<4096xi32, #tpu.memory_space<hbm>> -> memref<128xi32, #tpu.memory_space<hbm>>
      tpu.wait_dma2 semaphore(%run_scoped3A : memref<!tpu.dma_semaphore, #tpu.memory_space<semaphore_mem>>) src(%dma_wait3A_578 : memref<128xi32, #tpu.memory_space<hbm>>) dst(%arg8 : memref<128xi32, #tpu.memory_space<vmem>>)
      tpu.yield
    }) : () -> ()
    %min3A = arith.constant 0 : i32
    %min3A_3 = arith.constant 127 : i32
    %min3A_4 = arith.minsi %min3A, %min3A_3 : i32
    %shift_right_arithmetic3A = arith.constant 4 : i32
    %shift_right_arithmetic3A_5 = arith.shrsi %min3A_4, %shift_right_arithmetic3A : i32
    %shift_left3A = arith.constant 4 : i32
    %shift_left3A_6 = arith.shli %shift_right_arithmetic3A_5, %shift_left3A : i32
    %multiple_of3A = tpu.assume_multiple %shift_left3A_6, 16 : i32
    %get3A = arith.index_cast %multiple_of3A : i32 to index
    %get3A_7 = tpu.vector_load %arg8[%get3A] {strides = array<i32>} : memref<128xi32, #tpu.memory_space<vmem>>, vector<16xi32>,
    %and3A = arith.constant 15 : i32
    %and3A_8 = arith.andi %min3A_4, %and3A : i32
    %eq3A = vector.broadcast %and3A_8 : i32 to vector<16xi32>
    %eq3A_9 = arith.cmpi eq, %iota3A, %eq3A : vector<16xi32>
    %jit3A = arith.constant 0 : i32
    %broadcast_in_dim3A = vector.broadcast %jit3A : i32 to vector<16xi32>
    %select_n3A = arith.select %eq3A_9, %get3A_7, %broadcast_in_dim3A : vector<16xi1>, vector<16xi32>
    %reduce_sum3A = arith.constant true
    %reduce_sum3A_10 = vector.broadcast %reduce_sum3A : i1 to vector<16xi1>
    %reduce_sum3A_11 = tpu.scan <sum>, %select_n3A masked %reduce_sum3A_10 : vector<16xi32>, vector<16xi1> -> vector<16xi32>
    %reduce_sum3A_12 = vector.extract %reduce_sum3A_11[15] : i32 from vector<16xi32>
    %shift_right_arithmetic3A_13 = arith.constant 7 : i32
    %shift_right_arithmetic3A_14 = arith.shrsi %reduce_sum3A_12, %shift_right_arithmetic3A_13 : i32
    %shift_left3A_15 = arith.constant 7 : i32
    %shift_left3A_16 = arith.shli %shift_right_arithmetic3A_14, %shift_left3A_15 : i32
    %multiple_of3A_17 = tpu.assume_multiple %shift_left3A_16, 128 : i32
    %dma_start3A = arith.constant 0 : i32
    %dma_start3A_18 = tpu.memref_slice %arg2[%dma_start3A, %multiple_of3A_17] : memref<32x1000000xf32, #tpu.memory_space<hbm>> -> memref<32x128xf32, #tpu.memory_space<hbm>>
    %dma_start3A_19 = arith.constant 0 : i32
    %dma_start3A_20 = tpu.memref_slice %arg2[%dma_start3A_19, %multiple_of3A_17] : memref<32x1000000xf32, #tpu.memory_space<hbm>> -> memref<32x128xf32, #tpu.memory_space<hbm>>
    tpu.enqueue_dma source(%dma_start3A_20 : memref<32x128xf32, #tpu.memory_space<hbm>>) target(%arg10 : memref<32x128xf32, #tpu.memory_space<vmem>>) target_semaphore(%arg18 : memref<!tpu.dma_semaphore, #tpu.memory_space<semaphore_mem>>)
    %min3A_21 = arith.constant 1 : i32
    %min3A_22 = arith.constant 127 : i32
    %min3A_23 = arith.minsi %min3A_21, %min3A_22 : i32
    %shift_right_arithmetic3A_24 = arith.constant 4 : i32
    %shift_right_arithmetic3A_25 = arith.shrsi %min3A_23, %shift_right_arithmetic3A_24 : i32
    %shift_left3A_26 = arith.constant 4 : i32
    %shift_left3A_27 = arith.shli %shift_right_arithmetic3A_25, %shift_left3A_26 : i32
    %multiple_of3A_28 = tpu.assume_multiple %shift_left3A_27, 16 : i32
    %get3A_29 = arith.index_cast %multiple_of3A_28 : i32 to index
    %get3A_30 = tpu.vector_load %arg8[%get3A_29] {strides = array<i32>} : memref<128xi32, #tpu.memory_space<vmem>>, vector<16xi32>,
    %and3A_31 = arith.constant 15 : i32
    %and3A_32 = arith.andi %min3A_23, %and3A_31 : i32
    %eq3A_33 = vector.broadcast %and3A_32 : i32 to vector<16xi32>
    %eq3A_34 = arith.cmpi eq, %iota3A, %eq3A_33 : vector<16xi32>
    %jit3A_35 = arith.constant 0 : i32
    %broadcast_in_dim3A_36 = vector.broadcast %jit3A_35 : i32 to vector<16xi32>
    %select_n3A_37 = arith.select %eq3A_34, %get3A_30, %broadcast_in_dim3A_36 : vector<16xi1>, vector<16xi32>
    %reduce_sum3A_38 = arith.constant true
    %reduce_sum3A_39 = vector.broadcast %reduce_sum3A_38 : i1 to vector<16xi1>
    %reduce_sum3A_40 = tpu.scan <sum>, %select_n3A_37 masked %reduce_sum3A_39 : vector<16xi32>, vector<16xi1> -> vector<16xi32>
    %reduce_sum3A_41 = vector.extract %reduce_sum3A_40[15] : i32 from vector<16xi32>
    %shift_right_arithmetic3A_42 = arith.constant 7 : i32
    %shift_right_arithmetic3A_43 = arith.shrsi %reduce_sum3A_41, %shift_right_arithmetic3A_42 : i32
    %shift_left3A_44 = arith.constant 7 : i32
    %shift_left3A_45 = arith.shli %shift_right_arithmetic3A_43, %shift_left3A_44 : i32
    %multiple_of3A_46 = tpu.assume_multiple %shift_left3A_45, 128 : i32
    %dma_start3A_47 = arith.constant 0 : i32
    %dma_start3A_48 = tpu.memref_slice %arg2[%dma_start3A_47, %multiple_of3A_46] : memref<32x1000000xf32, #tpu.memory_space<hbm>> -> memref<32x128xf32, #tpu.memory_space<hbm>>
    %dma_start3A_49 = arith.constant 0 : i32
    %dma_start3A_50 = tpu.memref_slice %arg2[%dma_start3A_49, %multiple_of3A_46] : memref<32x1000000xf32, #tpu.memory_space<hbm>> -> memref<32x128xf32, #tpu.memory_space<hbm>>
    tpu.enqueue_dma source(%dma_start3A_50 : memref<32x128xf32, #tpu.memory_space<hbm>>) target(%arg11 : memref<32x128xf32, #tpu.memory_space<vmem>>) target_semaphore(%arg19 : memref<!tpu.dma_semaphore, #tpu.memory_space<semaphore_mem>>)
    %min3A_51 = arith.constant 2 : i32
    %min3A_52 = arith.constant 127 : i32
    %min3A_53 = arith.minsi %min3A_51, %min3A_52 : i32
    %shift_right_arithmetic3A_54 = arith.constant 4 : i32
    %shift_right_arithmetic3A_55 = arith.shrsi %min3A_53, %shift_right_arithmetic3A_54 : i32
    %shift_left3A_56 = arith.constant 4 : i32
    %shift_left3A_57 = arith.shli %shift_right_arithmetic3A_55, %shift_left3A_56 : i32
    %multiple_of3A_58 = tpu.assume_multiple %shift_left3A_57, 16 : i32
    %get3A_59 = arith.index_cast %multiple_of3A_58 : i32 to index
    %get3A_60 = tpu.vector_load %arg8[%get3A_59] {strides = array<i32>} : memref<128xi32, #tpu.memory_space<vmem>>, vector<16xi32>,
    %and3A_61 = arith.constant 15 : i32
    %and3A_62 = arith.andi %min3A_53, %and3A_61 : i32
    %eq3A_63 = vector.broadcast %and3A_62 : i32 to vector<16xi32>
    %eq3A_64 = arith.cmpi eq, %iota3A, %eq3A_63 : vector<16xi32>
    %jit3A_65 = arith.constant 0 : i32
    %broadcast_in_dim3A_66 = vector.broadcast %jit3A_65 : i32 to vector<16xi32>
    %select_n3A_67 = arith.select %eq3A_64, %get3A_60, %broadcast_in_dim3A_66 : vector<16xi1>, vector<16xi32>
    %reduce_sum3A_68 = arith.constant true
    %reduce_sum3A_69 = vector.broadcast %reduce_sum3A_68 : i1 to vector<16xi1>
    %reduce_sum3A_70 = tpu.scan <sum>, %select_n3A_67 masked %reduce_sum3A_69 : vector<16xi32>, vector<16xi1> -> vector<16xi32>
    %reduce_sum3A_71 = vector.extract %reduce_sum3A_70[15] : i32 from vector<16xi32>
    %shift_right_arithmetic3A_72 = arith.constant 7 : i32
    %shift_right_arithmetic3A_73 = arith.shrsi %reduce_sum3A_71, %shift_right_arithmetic3A_72 : i32
    %shift_left3A_74 = arith.constant 7 : i32
    %shift_left3A_75 = arith.shli %shift_right_arithmetic3A_73, %shift_left3A_74 : i32
    %multiple_of3A_76 = tpu.assume_multiple %shift_left3A_75, 128 : i32
    %dma_start3A_77 = arith.constant 0 : i32
    %dma_start3A_78 = tpu.memref_slice %arg2[%dma_start3A_77, %multiple_of3A_76] : memref<32x1000000xf32, #tpu.memory_space<hbm>> -> memref<32x128xf32, #tpu.memory_space<hbm>>
    %dma_start3A_79 = arith.constant 0 : i32
    %dma_start3A_80 = tpu.memref_slice %arg2[%dma_start3A_79, %multiple_of3A_76] : memref<32x1000000xf32, #tpu.memory_space<hbm>> -> memref<32x128xf32, #tpu.memory_space<hbm>>
    tpu.enqueue_dma source(%dma_start3A_80 : memref<32x128xf32, #tpu.memory_space<hbm>>) target(%arg12 : memref<32x128xf32, #tpu.memory_space<vmem>>) target_semaphore(%arg20 : memref<!tpu.dma_semaphore, #tpu.memory_space<semaphore_mem>>)
    %min3A_81 = arith.constant 3 : i32
    %min3A_82 = arith.constant 127 : i32
    %min3A_83 = arith.minsi %min3A_81, %min3A_82 : i32
    %shift_right_arithmetic3A_84 = arith.constant 4 : i32
    %shift_right_arithmetic3A_85 = arith.shrsi %min3A_83, %shift_right_arithmetic3A_84 : i32
    %shift_left3A_86 = arith.constant 4 : i32
    %shift_left3A_87 = arith.shli %shift_right_arithmetic3A_85, %shift_left3A_86 : i32
    %multiple_of3A_88 = tpu.assume_multiple %shift_left3A_87, 16 : i32
    %get3A_89 = arith.index_cast %multiple_of3A_88 : i32 to index
    %get3A_90 = tpu.vector_load %arg8[%get3A_89] {strides = array<i32>} : memref<128xi32, #tpu.memory_space<vmem>>, vector<16xi32>,
    %and3A_91 = arith.constant 15 : i32
    %and3A_92 = arith.andi %min3A_83, %and3A_91 : i32
    %eq3A_93 = vector.broadcast %and3A_92 : i32 to vector<16xi32>
    %eq3A_94 = arith.cmpi eq, %iota3A, %eq3A_93 : vector<16xi32>
    %jit3A_95 = arith.constant 0 : i32
    %broadcast_in_dim3A_96 = vector.broadcast %jit3A_95 : i32 to vector<16xi32>
    %select_n3A_97 = arith.select %eq3A_94, %get3A_90, %broadcast_in_dim3A_96 : vector<16xi1>, vector<16xi32>
    %reduce_sum3A_98 = arith.constant true
    %reduce_sum3A_99 = vector.broadcast %reduce_sum3A_98 : i1 to vector<16xi1>
    %reduce_sum3A_100 = tpu.scan <sum>, %select_n3A_97 masked %reduce_sum3A_99 : vector<16xi32>, vector<16xi1> -> vector<16xi32>
    %reduce_sum3A_101 = vector.extract %reduce_sum3A_100[15] : i32 from vector<16xi32>
    %shift_right_arithmetic3A_102 = arith.constant 7 : i32
    %shift_right_arithmetic3A_103 = arith.shrsi %reduce_sum3A_101, %shift_right_arithmetic3A_102 : i32
    %shift_left3A_104 = arith.constant 7 : i32
    %shift_left3A_105 = arith.shli %shift_right_arithmetic3A_103, %shift_left3A_104 : i32
    %multiple_of3A_106 = tpu.assume_multiple %shift_left3A_105, 128 : i32
    %dma_start3A_107 = arith.constant 0 : i32
    %dma_start3A_108 = tpu.memref_slice %arg2[%dma_start3A_107, %multiple_of3A_106] : memref<32x1000000xf32, #tpu.memory_space<hbm>> -> memref<32x128xf32, #tpu.memory_space<hbm>>
    %dma_start3A_109 = arith.constant 0 : i32
    %dma_start3A_110 = tpu.memref_slice %arg2[%dma_start3A_109, %multiple_of3A_106] : memref<32x1000000xf32, #tpu.memory_space<hbm>> -> memref<32x128xf32, #tpu.memory_space<hbm>>
    tpu.enqueue_dma source(%dma_start3A_110 : memref<32x128xf32, #tpu.memory_space<hbm>>) target(%arg13 : memref<32x128xf32, #tpu.memory_space<vmem>>) target_semaphore(%arg21 : memref<!tpu.dma_semaphore, #tpu.memory_space<semaphore_mem>>)
    %min3A_111 = arith.constant 4 : i32
    %min3A_112 = arith.constant 127 : i32
    %min3A_113 = arith.minsi %min3A_111, %min3A_112 : i32
    %shift_right_arithmetic3A_114 = arith.constant 4 : i32
    %shift_right_arithmetic3A_115 = arith.shrsi %min3A_113, %shift_right_arithmetic3A_114 : i32
    %shift_left3A_116 = arith.constant 4 : i32
    %shift_left3A_117 = arith.shli %shift_right_arithmetic3A_115, %shift_left3A_116 : i32
    %multiple_of3A_118 = tpu.assume_multiple %shift_left3A_117, 16 : i32
    %get3A_119 = arith.index_cast %multiple_of3A_118 : i32 to index
    %get3A_120 = tpu.vector_load %arg8[%get3A_119] {strides = array<i32>} : memref<128xi32, #tpu.memory_space<vmem>>, vector<16xi32>,
    %and3A_121 = arith.constant 15 : i32
    %and3A_122 = arith.andi %min3A_113, %and3A_121 : i32
    %eq3A_123 = vector.broadcast %and3A_122 : i32 to vector<16xi32>
    %eq3A_124 = arith.cmpi eq, %iota3A, %eq3A_123 : vector<16xi32>
    %jit3A_125 = arith.constant 0 : i32
    %broadcast_in_dim3A_126 = vector.broadcast %jit3A_125 : i32 to vector<16xi32>
    %select_n3A_127 = arith.select %eq3A_124, %get3A_120, %broadcast_in_dim3A_126 : vector<16xi1>, vector<16xi32>
    %reduce_sum3A_128 = arith.constant true
    %reduce_sum3A_129 = vector.broadcast %reduce_sum3A_128 : i1 to vector<16xi1>
    %reduce_sum3A_130 = tpu.scan <sum>, %select_n3A_127 masked %reduce_sum3A_129 : vector<16xi32>, vector<16xi1> -> vector<16xi32>
    %reduce_sum3A_131 = vector.extract %reduce_sum3A_130[15] : i32 from vector<16xi32>
    %shift_right_arithmetic3A_132 = arith.constant 7 : i32
    %shift_right_arithmetic3A_133 = arith.shrsi %reduce_sum3A_131, %shift_right_arithmetic3A_132 : i32
    %shift_left3A_134 = arith.constant 7 : i32
    %shift_left3A_135 = arith.shli %shift_right_arithmetic3A_133, %shift_left3A_134 : i32
    %multiple_of3A_136 = tpu.assume_multiple %shift_left3A_135, 128 : i32
    %dma_start3A_137 = arith.constant 0 : i32
    %dma_start3A_138 = tpu.memref_slice %arg2[%dma_start3A_137, %multiple_of3A_136] : memref<32x1000000xf32, #tpu.memory_space<hbm>> -> memref<32x128xf32, #tpu.memory_space<hbm>>
    %dma_start3A_139 = arith.constant 0 : i32
    %dma_start3A_140 = tpu.memref_slice %arg2[%dma_start3A_139, %multiple_of3A_136] : memref<32x1000000xf32, #tpu.memory_space<hbm>> -> memref<32x128xf32, #tpu.memory_space<hbm>>
    tpu.enqueue_dma source(%dma_start3A_140 : memref<32x128xf32, #tpu.memory_space<hbm>>) target(%arg14 : memref<32x128xf32, #tpu.memory_space<vmem>>) target_semaphore(%arg22 : memref<!tpu.dma_semaphore, #tpu.memory_space<semaphore_mem>>)
    %min3A_141 = arith.constant 5 : i32
    %min3A_142 = arith.constant 127 : i32
    %min3A_143 = arith.minsi %min3A_141, %min3A_142 : i32
    %shift_right_arithmetic3A_144 = arith.constant 4 : i32
    %shift_right_arithmetic3A_145 = arith.shrsi %min3A_143, %shift_right_arithmetic3A_144 : i32
    %shift_left3A_146 = arith.constant 4 : i32
    %shift_left3A_147 = arith.shli %shift_right_arithmetic3A_145, %shift_left3A_146 : i32
    %multiple_of3A_148 = tpu.assume_multiple %shift_left3A_147, 16 : i32
    %get3A_149 = arith.index_cast %multiple_of3A_148 : i32 to index
    %get3A_150 = tpu.vector_load %arg8[%get3A_149] {strides = array<i32>} : memref<128xi32, #tpu.memory_space<vmem>>, vector<16xi32>,
    %and3A_151 = arith.constant 15 : i32
    %and3A_152 = arith.andi %min3A_143, %and3A_151 : i32
    %eq3A_153 = vector.broadcast %and3A_152 : i32 to vector<16xi32>
    %eq3A_154 = arith.cmpi eq, %iota3A, %eq3A_153 : vector<16xi32>
    %jit3A_155 = arith.constant 0 : i32
    %broadcast_in_dim3A_156 = vector.broadcast %jit3A_155 : i32 to vector<16xi32>
    %select_n3A_157 = arith.select %eq3A_154, %get3A_150, %broadcast_in_dim3A_156 : vector<16xi1>, vector<16xi32>
    %reduce_sum3A_158 = arith.constant true
    %reduce_sum3A_159 = vector.broadcast %reduce_sum3A_158 : i1 to vector<16xi1>
    %reduce_sum3A_160 = tpu.scan <sum>, %select_n3A_157 masked %reduce_sum3A_159 : vector<16xi32>, vector<16xi1> -> vector<16xi32>
    %reduce_sum3A_161 = vector.extract %reduce_sum3A_160[15] : i32 from vector<16xi32>
    %shift_right_arithmetic3A_162 = arith.constant 7 : i32
    %shift_right_arithmetic3A_163 = arith.shrsi %reduce_sum3A_161, %shift_right_arithmetic3A_162 : i32
    %shift_left3A_164 = arith.constant 7 : i32
    %shift_left3A_165 = arith.shli %shift_right_arithmetic3A_163, %shift_left3A_164 : i32
    %multiple_of3A_166 = tpu.assume_multiple %shift_left3A_165, 128 : i32
    %dma_start3A_167 = arith.constant 0 : i32
    %dma_start3A_168 = tpu.memref_slice %arg2[%dma_start3A_167, %multiple_of3A_166] : memref<32x1000000xf32, #tpu.memory_space<hbm>> -> memref<32x128xf32, #tpu.memory_space<hbm>>
    %dma_start3A_169 = arith.constant 0 : i32
    %dma_start3A_170 = tpu.memref_slice %arg2[%dma_start3A_169, %multiple_of3A_166] : memref<32x1000000xf32, #tpu.memory_space<hbm>> -> memref<32x128xf32, #tpu.memory_space<hbm>>
    tpu.enqueue_dma source(%dma_start3A_170 : memref<32x128xf32, #tpu.memory_space<hbm>>) target(%arg15 : memref<32x128xf32, #tpu.memory_space<vmem>>) target_semaphore(%arg23 : memref<!tpu.dma_semaphore, #tpu.memory_space<semaphore_mem>>)
    %min3A_171 = arith.constant 6 : i32
    %min3A_172 = arith.constant 127 : i32
    %min3A_173 = arith.minsi %min3A_171, %min3A_172 : i32
    %shift_right_arithmetic3A_174 = arith.constant 4 : i32
    %shift_right_arithmetic3A_175 = arith.shrsi %min3A_173, %shift_right_arithmetic3A_174 : i32
    %shift_left3A_176 = arith.constant 4 : i32
    %shift_left3A_177 = arith.shli %shift_right_arithmetic3A_175, %shift_left3A_176 : i32
    %multiple_of3A_178 = tpu.assume_multiple %shift_left3A_177, 16 : i32
    %get3A_179 = arith.index_cast %multiple_of3A_178 : i32 to index
    %get3A_180 = tpu.vector_load %arg8[%get3A_179] {strides = array<i32>} : memref<128xi32, #tpu.memory_space<vmem>>, vector<16xi32>,
    %and3A_181 = arith.constant 15 : i32
    %and3A_182 = arith.andi %min3A_173, %and3A_181 : i32
    %eq3A_183 = vector.broadcast %and3A_182 : i32 to vector<16xi32>
    %eq3A_184 = arith.cmpi eq, %iota3A, %eq3A_183 : vector<16xi32>
    %jit3A_185 = arith.constant 0 : i32
    %broadcast_in_dim3A_186 = vector.broadcast %jit3A_185 : i32 to vector<16xi32>
    %select_n3A_187 = arith.select %eq3A_184, %get3A_180, %broadcast_in_dim3A_186 : vector<16xi1>, vector<16xi32>
    %reduce_sum3A_188 = arith.constant true
    %reduce_sum3A_189 = vector.broadcast %reduce_sum3A_188 : i1 to vector<16xi1>
    %reduce_sum3A_190 = tpu.scan <sum>, %select_n3A_187 masked %reduce_sum3A_189 : vector<16xi32>, vector<16xi1> -> vector<16xi32>
    %reduce_sum3A_191 = vector.extract %reduce_sum3A_190[15] : i32 from vector<16xi32>
    %shift_right_arithmetic3A_192 = arith.constant 7 : i32
    %shift_right_arithmetic3A_193 = arith.shrsi %reduce_sum3A_191, %shift_right_arithmetic3A_192 : i32
    %shift_left3A_194 = arith.constant 7 : i32
    %shift_left3A_195 = arith.shli %shift_right_arithmetic3A_193, %shift_left3A_194 : i32
    %multiple_of3A_196 = tpu.assume_multiple %shift_left3A_195, 128 : i32
    %dma_start3A_197 = arith.constant 0 : i32
    %dma_start3A_198 = tpu.memref_slice %arg2[%dma_start3A_197, %multiple_of3A_196] : memref<32x1000000xf32, #tpu.memory_space<hbm>> -> memref<32x128xf32, #tpu.memory_space<hbm>>
    %dma_start3A_199 = arith.constant 0 : i32
    %dma_start3A_200 = tpu.memref_slice %arg2[%dma_start3A_199, %multiple_of3A_196] : memref<32x1000000xf32, #tpu.memory_space<hbm>> -> memref<32x128xf32, #tpu.memory_space<hbm>>
    tpu.enqueue_dma source(%dma_start3A_200 : memref<32x128xf32, #tpu.memory_space<hbm>>) target(%arg16 : memref<32x128xf32, #tpu.memory_space<vmem>>) target_semaphore(%arg24 : memref<!tpu.dma_semaphore, #tpu.memory_space<semaphore_mem>>)
    %min3A_201 = arith.constant 7 : i32
    %min3A_202 = arith.constant 127 : i32
    %min3A_203 = arith.minsi %min3A_201, %min3A_202 : i32
    %shift_right_arithmetic3A_204 = arith.constant 4 : i32
    %shift_right_arithmetic3A_205 = arith.shrsi %min3A_203, %shift_right_arithmetic3A_204 : i32
    %shift_left3A_206 = arith.constant 4 : i32
    %shift_left3A_207 = arith.shli %shift_right_arithmetic3A_205, %shift_left3A_206 : i32
    %multiple_of3A_208 = tpu.assume_multiple %shift_left3A_207, 16 : i32
    %get3A_209 = arith.index_cast %multiple_of3A_208 : i32 to index
    %get3A_210 = tpu.vector_load %arg8[%get3A_209] {strides = array<i32>} : memref<128xi32, #tpu.memory_space<vmem>>, vector<16xi32>,
    %and3A_211 = arith.constant 15 : i32
    %and3A_212 = arith.andi %min3A_203, %and3A_211 : i32
    %eq3A_213 = vector.broadcast %and3A_212 : i32 to vector<16xi32>
    %eq3A_214 = arith.cmpi eq, %iota3A, %eq3A_213 : vector<16xi32>
    %jit3A_215 = arith.constant 0 : i32
    %broadcast_in_dim3A_216 = vector.broadcast %jit3A_215 : i32 to vector<16xi32>
    %select_n3A_217 = arith.select %eq3A_214, %get3A_210, %broadcast_in_dim3A_216 : vector<16xi1>, vector<16xi32>
    %reduce_sum3A_218 = arith.constant true
    %reduce_sum3A_219 = vector.broadcast %reduce_sum3A_218 : i1 to vector<16xi1>
    %reduce_sum3A_220 = tpu.scan <sum>, %select_n3A_217 masked %reduce_sum3A_219 : vector<16xi32>, vector<16xi1> -> vector<16xi32>
    %reduce_sum3A_221 = vector.extract %reduce_sum3A_220[15] : i32 from vector<16xi32>
    %shift_right_arithmetic3A_222 = arith.constant 7 : i32
    %shift_right_arithmetic3A_223 = arith.shrsi %reduce_sum3A_221, %shift_right_arithmetic3A_222 : i32
    %shift_left3A_224 = arith.constant 7 : i32
    %shift_left3A_225 = arith.shli %shift_right_arithmetic3A_223, %shift_left3A_224 : i32
    %multiple_of3A_226 = tpu.assume_multiple %shift_left3A_225, 128 : i32
    %dma_start3A_227 = arith.constant 0 : i32
    %dma_start3A_228 = tpu.memref_slice %arg2[%dma_start3A_227, %multiple_of3A_226] : memref<32x1000000xf32, #tpu.memory_space<hbm>> -> memref<32x128xf32, #tpu.memory_space<hbm>>
    %dma_start3A_229 = arith.constant 0 : i32
    %dma_start3A_230 = tpu.memref_slice %arg2[%dma_start3A_229, %multiple_of3A_226] : memref<32x1000000xf32, #tpu.memory_space<hbm>> -> memref<32x128xf32, #tpu.memory_space<hbm>>
    tpu.enqueue_dma source(%dma_start3A_230 : memref<32x128xf32, #tpu.memory_space<hbm>>) target(%arg17 : memref<32x128xf32, #tpu.memory_space<vmem>>) target_semaphore(%arg25 : memref<!tpu.dma_semaphore, #tpu.memory_space<semaphore_mem>>)
    %scan3A = arith.constant 0 : i32
    %scan3A_231 = arith.constant 16 : i32
    %scan3A_232 = arith.addi %scan3A, %scan3A_231 : i32
    %scan3A_233 = arith.constant 1 : i32
    scf.for %scan3A_575 = %scan3A to %scan3A_232 step %scan3A_233  : i32 {
      %mul3A_576 = arith.constant 8 : i32
      %mul3A_577 = arith.muli %scan3A_575, %mul3A_576 : i32
      %add3A_578 = arith.constant 0 : i32
      %add3A_579 = arith.addi %add3A_578, %mul3A_577 : i32
      %dma_wait3A_580 = arith.constant 0 : i32
      %dma_wait3A_581 = arith.constant 0 : i32
      %dma_wait3A_582 = tpu.memref_slice %arg2[%dma_wait3A_580, %dma_wait3A_581] : memref<32x1000000xf32, #tpu.memory_space<hbm>> -> memref<32x128xf32, #tpu.memory_space<hbm>>
      %dma_wait3A_583 = arith.constant 0 : i32
      %dma_wait3A_584 = arith.constant 0 : i32
      %dma_wait3A_585 = tpu.memref_slice %arg2[%dma_wait3A_583, %dma_wait3A_584] : memref<32x1000000xf32, #tpu.memory_space<hbm>> -> memref<32x128xf32, #tpu.memory_space<hbm>>
      tpu.wait_dma2 semaphore(%arg18 : memref<!tpu.dma_semaphore, #tpu.memory_space<semaphore_mem>>) src(%dma_wait3A_585 : memref<32x128xf32, #tpu.memory_space<hbm>>) dst(%arg10 : memref<32x128xf32, #tpu.memory_space<vmem>>)
      %add3A_586 = arith.constant 0 : i32
      %add3A_587 = arith.addi %add3A_579, %add3A_586 : i32
      %shift_right_arithmetic3A_588 = arith.constant 4 : i32
      %shift_right_arithmetic3A_589 = arith.shrsi %add3A_587, %shift_right_arithmetic3A_588 : i32
      %shift_left3A_590 = arith.constant 4 : i32
      %shift_left3A_591 = arith.shli %shift_right_arithmetic3A_589, %shift_left3A_590 : i32
      %multiple_of3A_592 = tpu.assume_multiple %shift_left3A_591, 16 : i32
      %get3A_593 = arith.index_cast %multiple_of3A_592 : i32 to index
      %get3A_594 = tpu.vector_load %arg8[%get3A_593] {strides = array<i32>} : memref<128xi32, #tpu.memory_space<vmem>>, vector<16xi32>,
      %and3A_595 = arith.constant 15 : i32
      %and3A_596 = arith.andi %add3A_587, %and3A_595 : i32
      %eq3A_597 = vector.broadcast %and3A_596 : i32 to vector<16xi32>
      %eq3A_598 = arith.cmpi eq, %iota3A, %eq3A_597 : vector<16xi32>
      %jit3A_599 = arith.constant 0 : i32
      %broadcast_in_dim3A_600 = vector.broadcast %jit3A_599 : i32 to vector<16xi32>
      %select_n3A_601 = arith.select %eq3A_598, %get3A_594, %broadcast_in_dim3A_600 : vector<16xi1>, vector<16xi32>
      %reduce_sum3A_602 = arith.constant true
      %reduce_sum3A_603 = vector.broadcast %reduce_sum3A_602 : i1 to vector<16xi1>
      %reduce_sum3A_604 = tpu.scan <sum>, %select_n3A_601 masked %reduce_sum3A_603 : vector<16xi32>, vector<16xi1> -> vector<16xi32>
      %reduce_sum3A_605 = vector.extract %reduce_sum3A_604[15] : i32 from vector<16xi32>
      %and3A_606 = arith.constant 127 : i32
      %and3A_607 = arith.andi %reduce_sum3A_605, %and3A_606 : i32
      %broadcast_in_dim3A_608 = vector.broadcast %and3A_607 : i32 to vector<16xi32>
      %gather3A = tpu.vector_load_idx %arg10[%iota3A, %broadcast_in_dim3A_608] : memref<32x128xf32, #tpu.memory_space<vmem>>[vector<16xi32>, vector<16xi32>], vector<16xf32>,
      %swap3A = arith.index_cast %add3A_587 : i32 to index
      %swap3A_609 = arith.constant 0 : index
      %swap3A_610 = tpu.vector_load %arg9[%swap3A, %swap3A_609] {strides = array<i32>} : memref<128x32xf32, #tpu.memory_space<vmem>>, vector<16xf32>,
      tpu.vector_store %arg9[%swap3A, %swap3A_609], %gather3A {strides = array<i32>} : memref<128x32xf32, #tpu.memory_space<vmem>>, vector<16xf32>,
      %add3A_611 = arith.constant 16 : i32
      %add3A_612 = vector.broadcast %add3A_611 : i32 to vector<16xi32>
      %add3A_613 = arith.addi %iota3A, %add3A_612 : vector<16xi32>
      %gather3A_614 = tpu.vector_load_idx %arg10[%add3A_613, %broadcast_in_dim3A_608] : memref<32x128xf32, #tpu.memory_space<vmem>>[vector<16xi32>, vector<16xi32>], vector<16xf32>,
      %swap3A_615 = arith.index_cast %add3A_587 : i32 to index
      %swap3A_616 = arith.constant 16 : index
      %swap3A_617 = tpu.vector_load %arg9[%swap3A_615, %swap3A_616] {strides = array<i32>} : memref<128x32xf32, #tpu.memory_space<vmem>>, vector<16xf32>,
      tpu.vector_store %arg9[%swap3A_615, %swap3A_616], %gather3A_614 {strides = array<i32>} : memref<128x32xf32, #tpu.memory_space<vmem>>, vector<16xf32>,
      %add3A_618 = arith.constant 0 : i32
      %add3A_619 = arith.addi %add3A_579, %add3A_618 : i32
      %add3A_620 = arith.constant 8 : i32
      %add3A_621 = arith.addi %add3A_619, %add3A_620 : i32
      %min3A_622 = arith.constant 127 : i32
      %min3A_623 = arith.minsi %add3A_621, %min3A_622 : i32
      %shift_right_arithmetic3A_624 = arith.constant 4 : i32
      %shift_right_arithmetic3A_625 = arith.shrsi %min3A_623, %shift_right_arithmetic3A_624 : i32
      %shift_left3A_626 = arith.constant 4 : i32
      %shift_left3A_627 = arith.shli %shift_right_arithmetic3A_625, %shift_left3A_626 : i32
      %multiple_of3A_628 = tpu.assume_multiple %shift_left3A_627, 16 : i32
      %get3A_629 = arith.index_cast %multiple_of3A_628 : i32 to index
      %get3A_630 = tpu.vector_load %arg8[%get3A_629] {strides = array<i32>} : memref<128xi32, #tpu.memory_space<vmem>>, vector<16xi32>,
      %and3A_631 = arith.constant 15 : i32
      %and3A_632 = arith.andi %min3A_623, %and3A_631 : i32
      %eq3A_633 = vector.broadcast %and3A_632 : i32 to vector<16xi32>
      %eq3A_634 = arith.cmpi eq, %iota3A, %eq3A_633 : vector<16xi32>
      %jit3A_635 = arith.constant 0 : i32
      %broadcast_in_dim3A_636 = vector.broadcast %jit3A_635 : i32 to vector<16xi32>
      %select_n3A_637 = arith.select %eq3A_634, %get3A_630, %broadcast_in_dim3A_636 : vector<16xi1>, vector<16xi32>
      %reduce_sum3A_638 = arith.constant true
      %reduce_sum3A_639 = vector.broadcast %reduce_sum3A_638 : i1 to vector<16xi1>
      %reduce_sum3A_640 = tpu.scan <sum>, %select_n3A_637 masked %reduce_sum3A_639 : vector<16xi32>, vector<16xi1> -> vector<16xi32>
      %reduce_sum3A_641 = vector.extract %reduce_sum3A_640[15] : i32 from vector<16xi32>
      %shift_right_arithmetic3A_642 = arith.constant 7 : i32
      %shift_right_arithmetic3A_643 = arith.shrsi %reduce_sum3A_641, %shift_right_arithmetic3A_642 : i32
      %shift_left3A_644 = arith.constant 7 : i32
      %shift_left3A_645 = arith.shli %shift_right_arithmetic3A_643, %shift_left3A_644 : i32
      %multiple_of3A_646 = tpu.assume_multiple %shift_left3A_645, 128 : i32
      %dma_start3A_647 = arith.constant 0 : i32
      %dma_start3A_648 = tpu.memref_slice %arg2[%dma_start3A_647, %multiple_of3A_646] : memref<32x1000000xf32, #tpu.memory_space<hbm>> -> memref<32x128xf32, #tpu.memory_space<hbm>>
      %dma_start3A_649 = arith.constant 0 : i32
      %dma_start3A_650 = tpu.memref_slice %arg2[%dma_start3A_649, %multiple_of3A_646] : memref<32x1000000xf32, #tpu.memory_space<hbm>> -> memref<32x128xf32, #tpu.memory_space<hbm>>
      tpu.enqueue_dma source(%dma_start3A_650 : memref<32x128xf32, #tpu.memory_space<hbm>>) target(%arg10 : memref<32x128xf32, #tpu.memory_space<vmem>>) target_semaphore(%arg18 : memref<!tpu.dma_semaphore, #tpu.memory_space<semaphore_mem>>)
      %dma_wait3A_651 = arith.constant 0 : i32
      %dma_wait3A_652 = arith.constant 0 : i32
      %dma_wait3A_653 = tpu.memref_slice %arg2[%dma_wait3A_651, %dma_wait3A_652] : memref<32x1000000xf32, #tpu.memory_space<hbm>> -> memref<32x128xf32, #tpu.memory_space<hbm>>
      %dma_wait3A_654 = arith.constant 0 : i32
      %dma_wait3A_655 = arith.constant 0 : i32
      %dma_wait3A_656 = tpu.memref_slice %arg2[%dma_wait3A_654, %dma_wait3A_655] : memref<32x1000000xf32, #tpu.memory_space<hbm>> -> memref<32x128xf32, #tpu.memory_space<hbm>>
      tpu.wait_dma2 semaphore(%arg19 : memref<!tpu.dma_semaphore, #tpu.memory_space<semaphore_mem>>) src(%dma_wait3A_656 : memref<32x128xf32, #tpu.memory_space<hbm>>) dst(%arg11 : memref<32x128xf32, #tpu.memory_space<vmem>>)
      %add3A_657 = arith.constant 1 : i32
      %add3A_658 = arith.addi %add3A_579, %add3A_657 : i32
      %shift_right_arithmetic3A_659 = arith.constant 4 : i32
      %shift_right_arithmetic3A_660 = arith.shrsi %add3A_658, %shift_right_arithmetic3A_659 : i32
      %shift_left3A_661 = arith.constant 4 : i32
      %shift_left3A_662 = arith.shli %shift_right_arithmetic3A_660, %shift_left3A_661 : i32
      %multiple_of3A_663 = tpu.assume_multiple %shift_left3A_662, 16 : i32
      %get3A_664 = arith.index_cast %multiple_of3A_663 : i32 to index
      %get3A_665 = tpu.vector_load %arg8[%get3A_664] {strides = array<i32>} : memref<128xi32, #tpu.memory_space<vmem>>, vector<16xi32>,
      %and3A_666 = arith.constant 15 : i32
      %and3A_667 = arith.andi %add3A_658, %and3A_666 : i32
      %eq3A_668 = vector.broadcast %and3A_667 : i32 to vector<16xi32>
      %eq3A_669 = arith.cmpi eq, %iota3A, %eq3A_668 : vector<16xi32>
      %jit3A_670 = arith.constant 0 : i32
      %broadcast_in_dim3A_671 = vector.broadcast %jit3A_670 : i32 to vector<16xi32>
      %select_n3A_672 = arith.select %eq3A_669, %get3A_665, %broadcast_in_dim3A_671 : vector<16xi1>, vector<16xi32>
      %reduce_sum3A_673 = arith.constant true
      %reduce_sum3A_674 = vector.broadcast %reduce_sum3A_673 : i1 to vector<16xi1>
      %reduce_sum3A_675 = tpu.scan <sum>, %select_n3A_672 masked %reduce_sum3A_674 : vector<16xi32>, vector<16xi1> -> vector<16xi32>
      %reduce_sum3A_676 = vector.extract %reduce_sum3A_675[15] : i32 from vector<16xi32>
      %and3A_677 = arith.constant 127 : i32
      %and3A_678 = arith.andi %reduce_sum3A_676, %and3A_677 : i32
      %broadcast_in_dim3A_679 = vector.broadcast %and3A_678 : i32 to vector<16xi32>
      %gather3A_680 = tpu.vector_load_idx %arg11[%iota3A, %broadcast_in_dim3A_679] : memref<32x128xf32, #tpu.memory_space<vmem>>[vector<16xi32>, vector<16xi32>], vector<16xf32>,
      %swap3A_681 = arith.index_cast %add3A_658 : i32 to index
      %swap3A_682 = arith.constant 0 : index
      %swap3A_683 = tpu.vector_load %arg9[%swap3A_681, %swap3A_682] {strides = array<i32>} : memref<128x32xf32, #tpu.memory_space<vmem>>, vector<16xf32>,
      tpu.vector_store %arg9[%swap3A_681, %swap3A_682], %gather3A_680 {strides = array<i32>} : memref<128x32xf32, #tpu.memory_space<vmem>>, vector<16xf32>,
      %add3A_684 = arith.constant 16 : i32
      %add3A_685 = vector.broadcast %add3A_684 : i32 to vector<16xi32>
      %add3A_686 = arith.addi %iota3A, %add3A_685 : vector<16xi32>
      %gather3A_687 = tpu.vector_load_idx %arg11[%add3A_686, %broadcast_in_dim3A_679] : memref<32x128xf32, #tpu.memory_space<vmem>>[vector<16xi32>, vector<16xi32>], vector<16xf32>,
      %swap3A_688 = arith.index_cast %add3A_658 : i32 to index
      %swap3A_689 = arith.constant 16 : index
      %swap3A_690 = tpu.vector_load %arg9[%swap3A_688, %swap3A_689] {strides = array<i32>} : memref<128x32xf32, #tpu.memory_space<vmem>>, vector<16xf32>,
      tpu.vector_store %arg9[%swap3A_688, %swap3A_689], %gather3A_687 {strides = array<i32>} : memref<128x32xf32, #tpu.memory_space<vmem>>, vector<16xf32>,
      %add3A_691 = arith.constant 1 : i32
      %add3A_692 = arith.addi %add3A_579, %add3A_691 : i32
      %add3A_693 = arith.constant 8 : i32
      %add3A_694 = arith.addi %add3A_692, %add3A_693 : i32
      %min3A_695 = arith.constant 127 : i32
      %min3A_696 = arith.minsi %add3A_694, %min3A_695 : i32
      %shift_right_arithmetic3A_697 = arith.constant 4 : i32
      %shift_right_arithmetic3A_698 = arith.shrsi %min3A_696, %shift_right_arithmetic3A_697 : i32
      %shift_left3A_699 = arith.constant 4 : i32
      %shift_left3A_700 = arith.shli %shift_right_arithmetic3A_698, %shift_left3A_699 : i32
      %multiple_of3A_701 = tpu.assume_multiple %shift_left3A_700, 16 : i32
      %get3A_702 = arith.index_cast %multiple_of3A_701 : i32 to index
      %get3A_703 = tpu.vector_load %arg8[%get3A_702] {strides = array<i32>} : memref<128xi32, #tpu.memory_space<vmem>>, vector<16xi32>,
      %and3A_704 = arith.constant 15 : i32
      %and3A_705 = arith.andi %min3A_696, %and3A_704 : i32
      %eq3A_706 = vector.broadcast %and3A_705 : i32 to vector<16xi32>
      %eq3A_707 = arith.cmpi eq, %iota3A, %eq3A_706 : vector<16xi32>
      %jit3A_708 = arith.constant 0 : i32
      %broadcast_in_dim3A_709 = vector.broadcast %jit3A_708 : i32 to vector<16xi32>
      %select_n3A_710 = arith.select %eq3A_707, %get3A_703, %broadcast_in_dim3A_709 : vector<16xi1>, vector<16xi32>
      %reduce_sum3A_711 = arith.constant true
      %reduce_sum3A_712 = vector.broadcast %reduce_sum3A_711 : i1 to vector<16xi1>
      %reduce_sum3A_713 = tpu.scan <sum>, %select_n3A_710 masked %reduce_sum3A_712 : vector<16xi32>, vector<16xi1> -> vector<16xi32>
      %reduce_sum3A_714 = vector.extract %reduce_sum3A_713[15] : i32 from vector<16xi32>
      %shift_right_arithmetic3A_715 = arith.constant 7 : i32
      %shift_right_arithmetic3A_716 = arith.shrsi %reduce_sum3A_714, %shift_right_arithmetic3A_715 : i32
      %shift_left3A_717 = arith.constant 7 : i32
      %shift_left3A_718 = arith.shli %shift_right_arithmetic3A_716, %shift_left3A_717 : i32
      %multiple_of3A_719 = tpu.assume_multiple %shift_left3A_718, 128 : i32
      %dma_start3A_720 = arith.constant 0 : i32
      %dma_start3A_721 = tpu.memref_slice %arg2[%dma_start3A_720, %multiple_of3A_719] : memref<32x1000000xf32, #tpu.memory_space<hbm>> -> memref<32x128xf32, #tpu.memory_space<hbm>>
      %dma_start3A_722 = arith.constant 0 : i32
      %dma_start3A_723 = tpu.memref_slice %arg2[%dma_start3A_722, %multiple_of3A_719] : memref<32x1000000xf32, #tpu.memory_space<hbm>> -> memref<32x128xf32, #tpu.memory_space<hbm>>
      tpu.enqueue_dma source(%dma_start3A_723 : memref<32x128xf32, #tpu.memory_space<hbm>>) target(%arg11 : memref<32x128xf32, #tpu.memory_space<vmem>>) target_semaphore(%arg19 : memref<!tpu.dma_semaphore, #tpu.memory_space<semaphore_mem>>)
      %dma_wait3A_724 = arith.constant 0 : i32
      %dma_wait3A_725 = arith.constant 0 : i32
      %dma_wait3A_726 = tpu.memref_slice %arg2[%dma_wait3A_724, %dma_wait3A_725] : memref<32x1000000xf32, #tpu.memory_space<hbm>> -> memref<32x128xf32, #tpu.memory_space<hbm>>
      %dma_wait3A_727 = arith.constant 0 : i32
      %dma_wait3A_728 = arith.constant 0 : i32
      %dma_wait3A_729 = tpu.memref_slice %arg2[%dma_wait3A_727, %dma_wait3A_728] : memref<32x1000000xf32, #tpu.memory_space<hbm>> -> memref<32x128xf32, #tpu.memory_space<hbm>>
      tpu.wait_dma2 semaphore(%arg20 : memref<!tpu.dma_semaphore, #tpu.memory_space<semaphore_mem>>) src(%dma_wait3A_729 : memref<32x128xf32, #tpu.memory_space<hbm>>) dst(%arg12 : memref<32x128xf32, #tpu.memory_space<vmem>>)
      %add3A_730 = arith.constant 2 : i32
      %add3A_731 = arith.addi %add3A_579, %add3A_730 : i32
      %shift_right_arithmetic3A_732 = arith.constant 4 : i32
      %shift_right_arithmetic3A_733 = arith.shrsi %add3A_731, %shift_right_arithmetic3A_732 : i32
      %shift_left3A_734 = arith.constant 4 : i32
      %shift_left3A_735 = arith.shli %shift_right_arithmetic3A_733, %shift_left3A_734 : i32
      %multiple_of3A_736 = tpu.assume_multiple %shift_left3A_735, 16 : i32
      %get3A_737 = arith.index_cast %multiple_of3A_736 : i32 to index
      %get3A_738 = tpu.vector_load %arg8[%get3A_737] {strides = array<i32>} : memref<128xi32, #tpu.memory_space<vmem>>, vector<16xi32>,
      %and3A_739 = arith.constant 15 : i32
      %and3A_740 = arith.andi %add3A_731, %and3A_739 : i32
      %eq3A_741 = vector.broadcast %and3A_740 : i32 to vector<16xi32>
      %eq3A_742 = arith.cmpi eq, %iota3A, %eq3A_741 : vector<16xi32>
      %jit3A_743 = arith.constant 0 : i32
      %broadcast_in_dim3A_744 = vector.broadcast %jit3A_743 : i32 to vector<16xi32>
      %select_n3A_745 = arith.select %eq3A_742, %get3A_738, %broadcast_in_dim3A_744 : vector<16xi1>, vector<16xi32>
      %reduce_sum3A_746 = arith.constant true
      %reduce_sum3A_747 = vector.broadcast %reduce_sum3A_746 : i1 to vector<16xi1>
      %reduce_sum3A_748 = tpu.scan <sum>, %select_n3A_745 masked %reduce_sum3A_747 : vector<16xi32>, vector<16xi1> -> vector<16xi32>
      %reduce_sum3A_749 = vector.extract %reduce_sum3A_748[15] : i32 from vector<16xi32>
      %and3A_750 = arith.constant 127 : i32
      %and3A_751 = arith.andi %reduce_sum3A_749, %and3A_750 : i32
      %broadcast_in_dim3A_752 = vector.broadcast %and3A_751 : i32 to vector<16xi32>
      %gather3A_753 = tpu.vector_load_idx %arg12[%iota3A, %broadcast_in_dim3A_752] : memref<32x128xf32, #tpu.memory_space<vmem>>[vector<16xi32>, vector<16xi32>], vector<16xf32>,
      %swap3A_754 = arith.index_cast %add3A_731 : i32 to index
      %swap3A_755 = arith.constant 0 : index
      %swap3A_756 = tpu.vector_load %arg9[%swap3A_754, %swap3A_755] {strides = array<i32>} : memref<128x32xf32, #tpu.memory_space<vmem>>, vector<16xf32>,
      tpu.vector_store %arg9[%swap3A_754, %swap3A_755], %gather3A_753 {strides = array<i32>} : memref<128x32xf32, #tpu.memory_space<vmem>>, vector<16xf32>,
      %add3A_757 = arith.constant 16 : i32
      %add3A_758 = vector.broadcast %add3A_757 : i32 to vector<16xi32>
      %add3A_759 = arith.addi %iota3A, %add3A_758 : vector<16xi32>
      %gather3A_760 = tpu.vector_load_idx %arg12[%add3A_759, %broadcast_in_dim3A_752] : memref<32x128xf32, #tpu.memory_space<vmem>>[vector<16xi32>, vector<16xi32>], vector<16xf32>,
      %swap3A_761 = arith.index_cast %add3A_731 : i32 to index
      %swap3A_762 = arith.constant 16 : index
      %swap3A_763 = tpu.vector_load %arg9[%swap3A_761, %swap3A_762] {strides = array<i32>} : memref<128x32xf32, #tpu.memory_space<vmem>>, vector<16xf32>,
      tpu.vector_store %arg9[%swap3A_761, %swap3A_762], %gather3A_760 {strides = array<i32>} : memref<128x32xf32, #tpu.memory_space<vmem>>, vector<16xf32>,
      %add3A_764 = arith.constant 2 : i32
      %add3A_765 = arith.addi %add3A_579, %add3A_764 : i32
      %add3A_766 = arith.constant 8 : i32
      %add3A_767 = arith.addi %add3A_765, %add3A_766 : i32
      %min3A_768 = arith.constant 127 : i32
      %min3A_769 = arith.minsi %add3A_767, %min3A_768 : i32
      %shift_right_arithmetic3A_770 = arith.constant 4 : i32
      %shift_right_arithmetic3A_771 = arith.shrsi %min3A_769, %shift_right_arithmetic3A_770 : i32
      %shift_left3A_772 = arith.constant 4 : i32
      %shift_left3A_773 = arith.shli %shift_right_arithmetic3A_771, %shift_left3A_772 : i32
      %multiple_of3A_774 = tpu.assume_multiple %shift_left3A_773, 16 : i32
      %get3A_775 = arith.index_cast %multiple_of3A_774 : i32 to index
      %get3A_776 = tpu.vector_load %arg8[%get3A_775] {strides = array<i32>} : memref<128xi32, #tpu.memory_space<vmem>>, vector<16xi32>,
      %and3A_777 = arith.constant 15 : i32
      %and3A_778 = arith.andi %min3A_769, %and3A_777 : i32
      %eq3A_779 = vector.broadcast %and3A_778 : i32 to vector<16xi32>
      %eq3A_780 = arith.cmpi eq, %iota3A, %eq3A_779 : vector<16xi32>
      %jit3A_781 = arith.constant 0 : i32
      %broadcast_in_dim3A_782 = vector.broadcast %jit3A_781 : i32 to vector<16xi32>
      %select_n3A_783 = arith.select %eq3A_780, %get3A_776, %broadcast_in_dim3A_782 : vector<16xi1>, vector<16xi32>
      %reduce_sum3A_784 = arith.constant true
      %reduce_sum3A_785 = vector.broadcast %reduce_sum3A_784 : i1 to vector<16xi1>
      %reduce_sum3A_786 = tpu.scan <sum>, %select_n3A_783 masked %reduce_sum3A_785 : vector<16xi32>, vector<16xi1> -> vector<16xi32>
      %reduce_sum3A_787 = vector.extract %reduce_sum3A_786[15] : i32 from vector<16xi32>
      %shift_right_arithmetic3A_788 = arith.constant 7 : i32
      %shift_right_arithmetic3A_789 = arith.shrsi %reduce_sum3A_787, %shift_right_arithmetic3A_788 : i32
      %shift_left3A_790 = arith.constant 7 : i32
      %shift_left3A_791 = arith.shli %shift_right_arithmetic3A_789, %shift_left3A_790 : i32
      %multiple_of3A_792 = tpu.assume_multiple %shift_left3A_791, 128 : i32
      %dma_start3A_793 = arith.constant 0 : i32
      %dma_start3A_794 = tpu.memref_slice %arg2[%dma_start3A_793, %multiple_of3A_792] : memref<32x1000000xf32, #tpu.memory_space<hbm>> -> memref<32x128xf32, #tpu.memory_space<hbm>>
      %dma_start3A_795 = arith.constant 0 : i32
      %dma_start3A_796 = tpu.memref_slice %arg2[%dma_start3A_795, %multiple_of3A_792] : memref<32x1000000xf32, #tpu.memory_space<hbm>> -> memref<32x128xf32, #tpu.memory_space<hbm>>
      tpu.enqueue_dma source(%dma_start3A_796 : memref<32x128xf32, #tpu.memory_space<hbm>>) target(%arg12 : memref<32x128xf32, #tpu.memory_space<vmem>>) target_semaphore(%arg20 : memref<!tpu.dma_semaphore, #tpu.memory_space<semaphore_mem>>)
      %dma_wait3A_797 = arith.constant 0 : i32
      %dma_wait3A_798 = arith.constant 0 : i32
      %dma_wait3A_799 = tpu.memref_slice %arg2[%dma_wait3A_797, %dma_wait3A_798] : memref<32x1000000xf32, #tpu.memory_space<hbm>> -> memref<32x128xf32, #tpu.memory_space<hbm>>
      %dma_wait3A_800 = arith.constant 0 : i32
      %dma_wait3A_801 = arith.constant 0 : i32
      %dma_wait3A_802 = tpu.memref_slice %arg2[%dma_wait3A_800, %dma_wait3A_801] : memref<32x1000000xf32, #tpu.memory_space<hbm>> -> memref<32x128xf32, #tpu.memory_space<hbm>>
      tpu.wait_dma2 semaphore(%arg21 : memref<!tpu.dma_semaphore, #tpu.memory_space<semaphore_mem>>) src(%dma_wait3A_802 : memref<32x128xf32, #tpu.memory_space<hbm>>) dst(%arg13 : memref<32x128xf32, #tpu.memory_space<vmem>>)
      %add3A_803 = arith.constant 3 : i32
      %add3A_804 = arith.addi %add3A_579, %add3A_803 : i32
      %shift_right_arithmetic3A_805 = arith.constant 4 : i32
      %shift_right_arithmetic3A_806 = arith.shrsi %add3A_804, %shift_right_arithmetic3A_805 : i32
      %shift_left3A_807 = arith.constant 4 : i32
      %shift_left3A_808 = arith.shli %shift_right_arithmetic3A_806, %shift_left3A_807 : i32
      %multiple_of3A_809 = tpu.assume_multiple %shift_left3A_808, 16 : i32
      %get3A_810 = arith.index_cast %multiple_of3A_809 : i32 to index
      %get3A_811 = tpu.vector_load %arg8[%get3A_810] {strides = array<i32>} : memref<128xi32, #tpu.memory_space<vmem>>, vector<16xi32>,
      %and3A_812 = arith.constant 15 : i32
      %and3A_813 = arith.andi %add3A_804, %and3A_812 : i32
      %eq3A_814 = vector.broadcast %and3A_813 : i32 to vector<16xi32>
      %eq3A_815 = arith.cmpi eq, %iota3A, %eq3A_814 : vector<16xi32>
      %jit3A_816 = arith.constant 0 : i32
      %broadcast_in_dim3A_817 = vector.broadcast %jit3A_816 : i32 to vector<16xi32>
      %select_n3A_818 = arith.select %eq3A_815, %get3A_811, %broadcast_in_dim3A_817 : vector<16xi1>, vector<16xi32>
      %reduce_sum3A_819 = arith.constant true
      %reduce_sum3A_820 = vector.broadcast %reduce_sum3A_819 : i1 to vector<16xi1>
      %reduce_sum3A_821 = tpu.scan <sum>, %select_n3A_818 masked %reduce_sum3A_820 : vector<16xi32>, vector<16xi1> -> vector<16xi32>
      %reduce_sum3A_822 = vector.extract %reduce_sum3A_821[15] : i32 from vector<16xi32>
      %and3A_823 = arith.constant 127 : i32
      %and3A_824 = arith.andi %reduce_sum3A_822, %and3A_823 : i32
      %broadcast_in_dim3A_825 = vector.broadcast %and3A_824 : i32 to vector<16xi32>
      %gather3A_826 = tpu.vector_load_idx %arg13[%iota3A, %broadcast_in_dim3A_825] : memref<32x128xf32, #tpu.memory_space<vmem>>[vector<16xi32>, vector<16xi32>], vector<16xf32>,
      %swap3A_827 = arith.index_cast %add3A_804 : i32 to index
      %swap3A_828 = arith.constant 0 : index
      %swap3A_829 = tpu.vector_load %arg9[%swap3A_827, %swap3A_828] {strides = array<i32>} : memref<128x32xf32, #tpu.memory_space<vmem>>, vector<16xf32>,
      tpu.vector_store %arg9[%swap3A_827, %swap3A_828], %gather3A_826 {strides = array<i32>} : memref<128x32xf32, #tpu.memory_space<vmem>>, vector<16xf32>,
      %add3A_830 = arith.constant 16 : i32
      %add3A_831 = vector.broadcast %add3A_830 : i32 to vector<16xi32>
      %add3A_832 = arith.addi %iota3A, %add3A_831 : vector<16xi32>
      %gather3A_833 = tpu.vector_load_idx %arg13[%add3A_832, %broadcast_in_dim3A_825] : memref<32x128xf32, #tpu.memory_space<vmem>>[vector<16xi32>, vector<16xi32>], vector<16xf32>,
      %swap3A_834 = arith.index_cast %add3A_804 : i32 to index
      %swap3A_835 = arith.constant 16 : index
      %swap3A_836 = tpu.vector_load %arg9[%swap3A_834, %swap3A_835] {strides = array<i32>} : memref<128x32xf32, #tpu.memory_space<vmem>>, vector<16xf32>,
      tpu.vector_store %arg9[%swap3A_834, %swap3A_835], %gather3A_833 {strides = array<i32>} : memref<128x32xf32, #tpu.memory_space<vmem>>, vector<16xf32>,
      %add3A_837 = arith.constant 3 : i32
      %add3A_838 = arith.addi %add3A_579, %add3A_837 : i32
      %add3A_839 = arith.constant 8 : i32
      %add3A_840 = arith.addi %add3A_838, %add3A_839 : i32
      %min3A_841 = arith.constant 127 : i32
      %min3A_842 = arith.minsi %add3A_840, %min3A_841 : i32
      %shift_right_arithmetic3A_843 = arith.constant 4 : i32
      %shift_right_arithmetic3A_844 = arith.shrsi %min3A_842, %shift_right_arithmetic3A_843 : i32
      %shift_left3A_845 = arith.constant 4 : i32
      %shift_left3A_846 = arith.shli %shift_right_arithmetic3A_844, %shift_left3A_845 : i32
      %multiple_of3A_847 = tpu.assume_multiple %shift_left3A_846, 16 : i32
      %get3A_848 = arith.index_cast %multiple_of3A_847 : i32 to index
      %get3A_849 = tpu.vector_load %arg8[%get3A_848] {strides = array<i32>} : memref<128xi32, #tpu.memory_space<vmem>>, vector<16xi32>,
      %and3A_850 = arith.constant 15 : i32
      %and3A_851 = arith.andi %min3A_842, %and3A_850 : i32
      %eq3A_852 = vector.broadcast %and3A_851 : i32 to vector<16xi32>
      %eq3A_853 = arith.cmpi eq, %iota3A, %eq3A_852 : vector<16xi32>
      %jit3A_854 = arith.constant 0 : i32
      %broadcast_in_dim3A_855 = vector.broadcast %jit3A_854 : i32 to vector<16xi32>
      %select_n3A_856 = arith.select %eq3A_853, %get3A_849, %broadcast_in_dim3A_855 : vector<16xi1>, vector<16xi32>
      %reduce_sum3A_857 = arith.constant true
      %reduce_sum3A_858 = vector.broadcast %reduce_sum3A_857 : i1 to vector<16xi1>
      %reduce_sum3A_859 = tpu.scan <sum>, %select_n3A_856 masked %reduce_sum3A_858 : vector<16xi32>, vector<16xi1> -> vector<16xi32>
      %reduce_sum3A_860 = vector.extract %reduce_sum3A_859[15] : i32 from vector<16xi32>
      %shift_right_arithmetic3A_861 = arith.constant 7 : i32
      %shift_right_arithmetic3A_862 = arith.shrsi %reduce_sum3A_860, %shift_right_arithmetic3A_861 : i32
      %shift_left3A_863 = arith.constant 7 : i32
      %shift_left3A_864 = arith.shli %shift_right_arithmetic3A_862, %shift_left3A_863 : i32
      %multiple_of3A_865 = tpu.assume_multiple %shift_left3A_864, 128 : i32
      %dma_start3A_866 = arith.constant 0 : i32
      %dma_start3A_867 = tpu.memref_slice %arg2[%dma_start3A_866, %multiple_of3A_865] : memref<32x1000000xf32, #tpu.memory_space<hbm>> -> memref<32x128xf32, #tpu.memory_space<hbm>>
      %dma_start3A_868 = arith.constant 0 : i32
      %dma_start3A_869 = tpu.memref_slice %arg2[%dma_start3A_868, %multiple_of3A_865] : memref<32x1000000xf32, #tpu.memory_space<hbm>> -> memref<32x128xf32, #tpu.memory_space<hbm>>
      tpu.enqueue_dma source(%dma_start3A_869 : memref<32x128xf32, #tpu.memory_space<hbm>>) target(%arg13 : memref<32x128xf32, #tpu.memory_space<vmem>>) target_semaphore(%arg21 : memref<!tpu.dma_semaphore, #tpu.memory_space<semaphore_mem>>)
      %dma_wait3A_870 = arith.constant 0 : i32
      %dma_wait3A_871 = arith.constant 0 : i32
      %dma_wait3A_872 = tpu.memref_slice %arg2[%dma_wait3A_870, %dma_wait3A_871] : memref<32x1000000xf32, #tpu.memory_space<hbm>> -> memref<32x128xf32, #tpu.memory_space<hbm>>
      %dma_wait3A_873 = arith.constant 0 : i32
      %dma_wait3A_874 = arith.constant 0 : i32
      %dma_wait3A_875 = tpu.memref_slice %arg2[%dma_wait3A_873, %dma_wait3A_874] : memref<32x1000000xf32, #tpu.memory_space<hbm>> -> memref<32x128xf32, #tpu.memory_space<hbm>>
      tpu.wait_dma2 semaphore(%arg22 : memref<!tpu.dma_semaphore, #tpu.memory_space<semaphore_mem>>) src(%dma_wait3A_875 : memref<32x128xf32, #tpu.memory_space<hbm>>) dst(%arg14 : memref<32x128xf32, #tpu.memory_space<vmem>>)
      %add3A_876 = arith.constant 4 : i32
      %add3A_877 = arith.addi %add3A_579, %add3A_876 : i32
      %shift_right_arithmetic3A_878 = arith.constant 4 : i32
      %shift_right_arithmetic3A_879 = arith.shrsi %add3A_877, %shift_right_arithmetic3A_878 : i32
      %shift_left3A_880 = arith.constant 4 : i32
      %shift_left3A_881 = arith.shli %shift_right_arithmetic3A_879, %shift_left3A_880 : i32
      %multiple_of3A_882 = tpu.assume_multiple %shift_left3A_881, 16 : i32
      %get3A_883 = arith.index_cast %multiple_of3A_882 : i32 to index
      %get3A_884 = tpu.vector_load %arg8[%get3A_883] {strides = array<i32>} : memref<128xi32, #tpu.memory_space<vmem>>, vector<16xi32>,
      %and3A_885 = arith.constant 15 : i32
      %and3A_886 = arith.andi %add3A_877, %and3A_885 : i32
      %eq3A_887 = vector.broadcast %and3A_886 : i32 to vector<16xi32>
      %eq3A_888 = arith.cmpi eq, %iota3A, %eq3A_887 : vector<16xi32>
      %jit3A_889 = arith.constant 0 : i32
      %broadcast_in_dim3A_890 = vector.broadcast %jit3A_889 : i32 to vector<16xi32>
      %select_n3A_891 = arith.select %eq3A_888, %get3A_884, %broadcast_in_dim3A_890 : vector<16xi1>, vector<16xi32>
      %reduce_sum3A_892 = arith.constant true
      %reduce_sum3A_893 = vector.broadcast %reduce_sum3A_892 : i1 to vector<16xi1>
      %reduce_sum3A_894 = tpu.scan <sum>, %select_n3A_891 masked %reduce_sum3A_893 : vector<16xi32>, vector<16xi1> -> vector<16xi32>
      %reduce_sum3A_895 = vector.extract %reduce_sum3A_894[15] : i32 from vector<16xi32>
      %and3A_896 = arith.constant 127 : i32
      %and3A_897 = arith.andi %reduce_sum3A_895, %and3A_896 : i32
      %broadcast_in_dim3A_898 = vector.broadcast %and3A_897 : i32 to vector<16xi32>
      %gather3A_899 = tpu.vector_load_idx %arg14[%iota3A, %broadcast_in_dim3A_898] : memref<32x128xf32, #tpu.memory_space<vmem>>[vector<16xi32>, vector<16xi32>], vector<16xf32>,
      %swap3A_900 = arith.index_cast %add3A_877 : i32 to index
      %swap3A_901 = arith.constant 0 : index
      %swap3A_902 = tpu.vector_load %arg9[%swap3A_900, %swap3A_901] {strides = array<i32>} : memref<128x32xf32, #tpu.memory_space<vmem>>, vector<16xf32>,
      tpu.vector_store %arg9[%swap3A_900, %swap3A_901], %gather3A_899 {strides = array<i32>} : memref<128x32xf32, #tpu.memory_space<vmem>>, vector<16xf32>,
      %add3A_903 = arith.constant 16 : i32
      %add3A_904 = vector.broadcast %add3A_903 : i32 to vector<16xi32>
      %add3A_905 = arith.addi %iota3A, %add3A_904 : vector<16xi32>
      %gather3A_906 = tpu.vector_load_idx %arg14[%add3A_905, %broadcast_in_dim3A_898] : memref<32x128xf32, #tpu.memory_space<vmem>>[vector<16xi32>, vector<16xi32>], vector<16xf32>,
      %swap3A_907 = arith.index_cast %add3A_877 : i32 to index
      %swap3A_908 = arith.constant 16 : index
      %swap3A_909 = tpu.vector_load %arg9[%swap3A_907, %swap3A_908] {strides = array<i32>} : memref<128x32xf32, #tpu.memory_space<vmem>>, vector<16xf32>,
      tpu.vector_store %arg9[%swap3A_907, %swap3A_908], %gather3A_906 {strides = array<i32>} : memref<128x32xf32, #tpu.memory_space<vmem>>, vector<16xf32>,
      %add3A_910 = arith.constant 4 : i32
      %add3A_911 = arith.addi %add3A_579, %add3A_910 : i32
      %add3A_912 = arith.constant 8 : i32
      %add3A_913 = arith.addi %add3A_911, %add3A_912 : i32
      %min3A_914 = arith.constant 127 : i32
      %min3A_915 = arith.minsi %add3A_913, %min3A_914 : i32
      %shift_right_arithmetic3A_916 = arith.constant 4 : i32
      %shift_right_arithmetic3A_917 = arith.shrsi %min3A_915, %shift_right_arithmetic3A_916 : i32
      %shift_left3A_918 = arith.constant 4 : i32
      %shift_left3A_919 = arith.shli %shift_right_arithmetic3A_917, %shift_left3A_918 : i32
      %multiple_of3A_920 = tpu.assume_multiple %shift_left3A_919, 16 : i32
      %get3A_921 = arith.index_cast %multiple_of3A_920 : i32 to index
      %get3A_922 = tpu.vector_load %arg8[%get3A_921] {strides = array<i32>} : memref<128xi32, #tpu.memory_space<vmem>>, vector<16xi32>,
      %and3A_923 = arith.constant 15 : i32
      %and3A_924 = arith.andi %min3A_915, %and3A_923 : i32
      %eq3A_925 = vector.broadcast %and3A_924 : i32 to vector<16xi32>
      %eq3A_926 = arith.cmpi eq, %iota3A, %eq3A_925 : vector<16xi32>
      %jit3A_927 = arith.constant 0 : i32
      %broadcast_in_dim3A_928 = vector.broadcast %jit3A_927 : i32 to vector<16xi32>
      %select_n3A_929 = arith.select %eq3A_926, %get3A_922, %broadcast_in_dim3A_928 : vector<16xi1>, vector<16xi32>
      %reduce_sum3A_930 = arith.constant true
      %reduce_sum3A_931 = vector.broadcast %reduce_sum3A_930 : i1 to vector<16xi1>
      %reduce_sum3A_932 = tpu.scan <sum>, %select_n3A_929 masked %reduce_sum3A_931 : vector<16xi32>, vector<16xi1> -> vector<16xi32>
      %reduce_sum3A_933 = vector.extract %reduce_sum3A_932[15] : i32 from vector<16xi32>
      %shift_right_arithmetic3A_934 = arith.constant 7 : i32
      %shift_right_arithmetic3A_935 = arith.shrsi %reduce_sum3A_933, %shift_right_arithmetic3A_934 : i32
      %shift_left3A_936 = arith.constant 7 : i32
      %shift_left3A_937 = arith.shli %shift_right_arithmetic3A_935, %shift_left3A_936 : i32
      %multiple_of3A_938 = tpu.assume_multiple %shift_left3A_937, 128 : i32
      %dma_start3A_939 = arith.constant 0 : i32
      %dma_start3A_940 = tpu.memref_slice %arg2[%dma_start3A_939, %multiple_of3A_938] : memref<32x1000000xf32, #tpu.memory_space<hbm>> -> memref<32x128xf32, #tpu.memory_space<hbm>>
      %dma_start3A_941 = arith.constant 0 : i32
      %dma_start3A_942 = tpu.memref_slice %arg2[%dma_start3A_941, %multiple_of3A_938] : memref<32x1000000xf32, #tpu.memory_space<hbm>> -> memref<32x128xf32, #tpu.memory_space<hbm>>
      tpu.enqueue_dma source(%dma_start3A_942 : memref<32x128xf32, #tpu.memory_space<hbm>>) target(%arg14 : memref<32x128xf32, #tpu.memory_space<vmem>>) target_semaphore(%arg22 : memref<!tpu.dma_semaphore, #tpu.memory_space<semaphore_mem>>)
      %dma_wait3A_943 = arith.constant 0 : i32
      %dma_wait3A_944 = arith.constant 0 : i32
      %dma_wait3A_945 = tpu.memref_slice %arg2[%dma_wait3A_943, %dma_wait3A_944] : memref<32x1000000xf32, #tpu.memory_space<hbm>> -> memref<32x128xf32, #tpu.memory_space<hbm>>
      %dma_wait3A_946 = arith.constant 0 : i32
      %dma_wait3A_947 = arith.constant 0 : i32
      %dma_wait3A_948 = tpu.memref_slice %arg2[%dma_wait3A_946, %dma_wait3A_947] : memref<32x1000000xf32, #tpu.memory_space<hbm>> -> memref<32x128xf32, #tpu.memory_space<hbm>>
      tpu.wait_dma2 semaphore(%arg23 : memref<!tpu.dma_semaphore, #tpu.memory_space<semaphore_mem>>) src(%dma_wait3A_948 : memref<32x128xf32, #tpu.memory_space<hbm>>) dst(%arg15 : memref<32x128xf32, #tpu.memory_space<vmem>>)
      %add3A_949 = arith.constant 5 : i32
      %add3A_950 = arith.addi %add3A_579, %add3A_949 : i32
      %shift_right_arithmetic3A_951 = arith.constant 4 : i32
      %shift_right_arithmetic3A_952 = arith.shrsi %add3A_950, %shift_right_arithmetic3A_951 : i32
      %shift_left3A_953 = arith.constant 4 : i32
      %shift_left3A_954 = arith.shli %shift_right_arithmetic3A_952, %shift_left3A_953 : i32
      %multiple_of3A_955 = tpu.assume_multiple %shift_left3A_954, 16 : i32
      %get3A_956 = arith.index_cast %multiple_of3A_955 : i32 to index
      %get3A_957 = tpu.vector_load %arg8[%get3A_956] {strides = array<i32>} : memref<128xi32, #tpu.memory_space<vmem>>, vector<16xi32>,
      %and3A_958 = arith.constant 15 : i32
      %and3A_959 = arith.andi %add3A_950, %and3A_958 : i32
      %eq3A_960 = vector.broadcast %and3A_959 : i32 to vector<16xi32>
      %eq3A_961 = arith.cmpi eq, %iota3A, %eq3A_960 : vector<16xi32>
      %jit3A_962 = arith.constant 0 : i32
      %broadcast_in_dim3A_963 = vector.broadcast %jit3A_962 : i32 to vector<16xi32>
      %select_n3A_964 = arith.select %eq3A_961, %get3A_957, %broadcast_in_dim3A_963 : vector<16xi1>, vector<16xi32>
      %reduce_sum3A_965 = arith.constant true
      %reduce_sum3A_966 = vector.broadcast %reduce_sum3A_965 : i1 to vector<16xi1>
      %reduce_sum3A_967 = tpu.scan <sum>, %select_n3A_964 masked %reduce_sum3A_966 : vector<16xi32>, vector<16xi1> -> vector<16xi32>
      %reduce_sum3A_968 = vector.extract %reduce_sum3A_967[15] : i32 from vector<16xi32>
      %and3A_969 = arith.constant 127 : i32
      %and3A_970 = arith.andi %reduce_sum3A_968, %and3A_969 : i32
      %broadcast_in_dim3A_971 = vector.broadcast %and3A_970 : i32 to vector<16xi32>
      %gather3A_972 = tpu.vector_load_idx %arg15[%iota3A, %broadcast_in_dim3A_971] : memref<32x128xf32, #tpu.memory_space<vmem>>[vector<16xi32>, vector<16xi32>], vector<16xf32>,
      %swap3A_973 = arith.index_cast %add3A_950 : i32 to index
      %swap3A_974 = arith.constant 0 : index
      %swap3A_975 = tpu.vector_load %arg9[%swap3A_973, %swap3A_974] {strides = array<i32>} : memref<128x32xf32, #tpu.memory_space<vmem>>, vector<16xf32>,
      tpu.vector_store %arg9[%swap3A_973, %swap3A_974], %gather3A_972 {strides = array<i32>} : memref<128x32xf32, #tpu.memory_space<vmem>>, vector<16xf32>,
      %add3A_976 = arith.constant 16 : i32
      %add3A_977 = vector.broadcast %add3A_976 : i32 to vector<16xi32>
      %add3A_978 = arith.addi %iota3A, %add3A_977 : vector<16xi32>
      %gather3A_979 = tpu.vector_load_idx %arg15[%add3A_978, %broadcast_in_dim3A_971] : memref<32x128xf32, #tpu.memory_space<vmem>>[vector<16xi32>, vector<16xi32>], vector<16xf32>,
      %swap3A_980 = arith.index_cast %add3A_950 : i32 to index
      %swap3A_981 = arith.constant 16 : index
      %swap3A_982 = tpu.vector_load %arg9[%swap3A_980, %swap3A_981] {strides = array<i32>} : memref<128x32xf32, #tpu.memory_space<vmem>>, vector<16xf32>,
      tpu.vector_store %arg9[%swap3A_980, %swap3A_981], %gather3A_979 {strides = array<i32>} : memref<128x32xf32, #tpu.memory_space<vmem>>, vector<16xf32>,
      %add3A_983 = arith.constant 5 : i32
      %add3A_984 = arith.addi %add3A_579, %add3A_983 : i32
      %add3A_985 = arith.constant 8 : i32
      %add3A_986 = arith.addi %add3A_984, %add3A_985 : i32
      %min3A_987 = arith.constant 127 : i32
      %min3A_988 = arith.minsi %add3A_986, %min3A_987 : i32
      %shift_right_arithmetic3A_989 = arith.constant 4 : i32
      %shift_right_arithmetic3A_990 = arith.shrsi %min3A_988, %shift_right_arithmetic3A_989 : i32
      %shift_left3A_991 = arith.constant 4 : i32
      %shift_left3A_992 = arith.shli %shift_right_arithmetic3A_990, %shift_left3A_991 : i32
      %multiple_of3A_993 = tpu.assume_multiple %shift_left3A_992, 16 : i32
      %get3A_994 = arith.index_cast %multiple_of3A_993 : i32 to index
      %get3A_995 = tpu.vector_load %arg8[%get3A_994] {strides = array<i32>} : memref<128xi32, #tpu.memory_space<vmem>>, vector<16xi32>,
      %and3A_996 = arith.constant 15 : i32
      %and3A_997 = arith.andi %min3A_988, %and3A_996 : i32
      %eq3A_998 = vector.broadcast %and3A_997 : i32 to vector<16xi32>
      %eq3A_999 = arith.cmpi eq, %iota3A, %eq3A_998 : vector<16xi32>
      %jit3A_1000 = arith.constant 0 : i32
      %broadcast_in_dim3A_1001 = vector.broadcast %jit3A_1000 : i32 to vector<16xi32>
      %select_n3A_1002 = arith.select %eq3A_999, %get3A_995, %broadcast_in_dim3A_1001 : vector<16xi1>, vector<16xi32>
      %reduce_sum3A_1003 = arith.constant true
      %reduce_sum3A_1004 = vector.broadcast %reduce_sum3A_1003 : i1 to vector<16xi1>
      %reduce_sum3A_1005 = tpu.scan <sum>, %select_n3A_1002 masked %reduce_sum3A_1004 : vector<16xi32>, vector<16xi1> -> vector<16xi32>
      %reduce_sum3A_1006 = vector.extract %reduce_sum3A_1005[15] : i32 from vector<16xi32>
      %shift_right_arithmetic3A_1007 = arith.constant 7 : i32
      %shift_right_arithmetic3A_1008 = arith.shrsi %reduce_sum3A_1006, %shift_right_arithmetic3A_1007 : i32
      %shift_left3A_1009 = arith.constant 7 : i32
      %shift_left3A_1010 = arith.shli %shift_right_arithmetic3A_1008, %shift_left3A_1009 : i32
      %multiple_of3A_1011 = tpu.assume_multiple %shift_left3A_1010, 128 : i32
      %dma_start3A_1012 = arith.constant 0 : i32
      %dma_start3A_1013 = tpu.memref_slice %arg2[%dma_start3A_1012, %multiple_of3A_1011] : memref<32x1000000xf32, #tpu.memory_space<hbm>> -> memref<32x128xf32, #tpu.memory_space<hbm>>
      %dma_start3A_1014 = arith.constant 0 : i32
      %dma_start3A_1015 = tpu.memref_slice %arg2[%dma_start3A_1014, %multiple_of3A_1011] : memref<32x1000000xf32, #tpu.memory_space<hbm>> -> memref<32x128xf32, #tpu.memory_space<hbm>>
      tpu.enqueue_dma source(%dma_start3A_1015 : memref<32x128xf32, #tpu.memory_space<hbm>>) target(%arg15 : memref<32x128xf32, #tpu.memory_space<vmem>>) target_semaphore(%arg23 : memref<!tpu.dma_semaphore, #tpu.memory_space<semaphore_mem>>)
      %dma_wait3A_1016 = arith.constant 0 : i32
      %dma_wait3A_1017 = arith.constant 0 : i32
      %dma_wait3A_1018 = tpu.memref_slice %arg2[%dma_wait3A_1016, %dma_wait3A_1017] : memref<32x1000000xf32, #tpu.memory_space<hbm>> -> memref<32x128xf32, #tpu.memory_space<hbm>>
      %dma_wait3A_1019 = arith.constant 0 : i32
      %dma_wait3A_1020 = arith.constant 0 : i32
      %dma_wait3A_1021 = tpu.memref_slice %arg2[%dma_wait3A_1019, %dma_wait3A_1020] : memref<32x1000000xf32, #tpu.memory_space<hbm>> -> memref<32x128xf32, #tpu.memory_space<hbm>>
      tpu.wait_dma2 semaphore(%arg24 : memref<!tpu.dma_semaphore, #tpu.memory_space<semaphore_mem>>) src(%dma_wait3A_1021 : memref<32x128xf32, #tpu.memory_space<hbm>>) dst(%arg16 : memref<32x128xf32, #tpu.memory_space<vmem>>)
      %add3A_1022 = arith.constant 6 : i32
      %add3A_1023 = arith.addi %add3A_579, %add3A_1022 : i32
      %shift_right_arithmetic3A_1024 = arith.constant 4 : i32
      %shift_right_arithmetic3A_1025 = arith.shrsi %add3A_1023, %shift_right_arithmetic3A_1024 : i32
      %shift_left3A_1026 = arith.constant 4 : i32
      %shift_left3A_1027 = arith.shli %shift_right_arithmetic3A_1025, %shift_left3A_1026 : i32
      %multiple_of3A_1028 = tpu.assume_multiple %shift_left3A_1027, 16 : i32
      %get3A_1029 = arith.index_cast %multiple_of3A_1028 : i32 to index
      %get3A_1030 = tpu.vector_load %arg8[%get3A_1029] {strides = array<i32>} : memref<128xi32, #tpu.memory_space<vmem>>, vector<16xi32>,
      %and3A_1031 = arith.constant 15 : i32
      %and3A_1032 = arith.andi %add3A_1023, %and3A_1031 : i32
      %eq3A_1033 = vector.broadcast %and3A_1032 : i32 to vector<16xi32>
      %eq3A_1034 = arith.cmpi eq, %iota3A, %eq3A_1033 : vector<16xi32>
      %jit3A_1035 = arith.constant 0 : i32
      %broadcast_in_dim3A_1036 = vector.broadcast %jit3A_1035 : i32 to vector<16xi32>
      %select_n3A_1037 = arith.select %eq3A_1034, %get3A_1030, %broadcast_in_dim3A_1036 : vector<16xi1>, vector<16xi32>
      %reduce_sum3A_1038 = arith.constant true
      %reduce_sum3A_1039 = vector.broadcast %reduce_sum3A_1038 : i1 to vector<16xi1>
      %reduce_sum3A_1040 = tpu.scan <sum>, %select_n3A_1037 masked %reduce_sum3A_1039 : vector<16xi32>, vector<16xi1> -> vector<16xi32>
      %reduce_sum3A_1041 = vector.extract %reduce_sum3A_1040[15] : i32 from vector<16xi32>
      %and3A_1042 = arith.constant 127 : i32
      %and3A_1043 = arith.andi %reduce_sum3A_1041, %and3A_1042 : i32
      %broadcast_in_dim3A_1044 = vector.broadcast %and3A_1043 : i32 to vector<16xi32>
      %gather3A_1045 = tpu.vector_load_idx %arg16[%iota3A, %broadcast_in_dim3A_1044] : memref<32x128xf32, #tpu.memory_space<vmem>>[vector<16xi32>, vector<16xi32>], vector<16xf32>,
      %swap3A_1046 = arith.index_cast %add3A_1023 : i32 to index
      %swap3A_1047 = arith.constant 0 : index
      %swap3A_1048 = tpu.vector_load %arg9[%swap3A_1046, %swap3A_1047] {strides = array<i32>} : memref<128x32xf32, #tpu.memory_space<vmem>>, vector<16xf32>,
      tpu.vector_store %arg9[%swap3A_1046, %swap3A_1047], %gather3A_1045 {strides = array<i32>} : memref<128x32xf32, #tpu.memory_space<vmem>>, vector<16xf32>,
      %add3A_1049 = arith.constant 16 : i32
      %add3A_1050 = vector.broadcast %add3A_1049 : i32 to vector<16xi32>
      %add3A_1051 = arith.addi %iota3A, %add3A_1050 : vector<16xi32>
      %gather3A_1052 = tpu.vector_load_idx %arg16[%add3A_1051, %broadcast_in_dim3A_1044] : memref<32x128xf32, #tpu.memory_space<vmem>>[vector<16xi32>, vector<16xi32>], vector<16xf32>,
      %swap3A_1053 = arith.index_cast %add3A_1023 : i32 to index
      %swap3A_1054 = arith.constant 16 : index
      %swap3A_1055 = tpu.vector_load %arg9[%swap3A_1053, %swap3A_1054] {strides = array<i32>} : memref<128x32xf32, #tpu.memory_space<vmem>>, vector<16xf32>,
      tpu.vector_store %arg9[%swap3A_1053, %swap3A_1054], %gather3A_1052 {strides = array<i32>} : memref<128x32xf32, #tpu.memory_space<vmem>>, vector<16xf32>,
      %add3A_1056 = arith.constant 6 : i32
      %add3A_1057 = arith.addi %add3A_579, %add3A_1056 : i32
      %add3A_1058 = arith.constant 8 : i32
      %add3A_1059 = arith.addi %add3A_1057, %add3A_1058 : i32
      %min3A_1060 = arith.constant 127 : i32
      %min3A_1061 = arith.minsi %add3A_1059, %min3A_1060 : i32
      %shift_right_arithmetic3A_1062 = arith.constant 4 : i32
      %shift_right_arithmetic3A_1063 = arith.shrsi %min3A_1061, %shift_right_arithmetic3A_1062 : i32
      %shift_left3A_1064 = arith.constant 4 : i32
      %shift_left3A_1065 = arith.shli %shift_right_arithmetic3A_1063, %shift_left3A_1064 : i32
      %multiple_of3A_1066 = tpu.assume_multiple %shift_left3A_1065, 16 : i32
      %get3A_1067 = arith.index_cast %multiple_of3A_1066 : i32 to index
      %get3A_1068 = tpu.vector_load %arg8[%get3A_1067] {strides = array<i32>} : memref<128xi32, #tpu.memory_space<vmem>>, vector<16xi32>,
      %and3A_1069 = arith.constant 15 : i32
      %and3A_1070 = arith.andi %min3A_1061, %and3A_1069 : i32
      %eq3A_1071 = vector.broadcast %and3A_1070 : i32 to vector<16xi32>
      %eq3A_1072 = arith.cmpi eq, %iota3A, %eq3A_1071 : vector<16xi32>
      %jit3A_1073 = arith.constant 0 : i32
      %broadcast_in_dim3A_1074 = vector.broadcast %jit3A_1073 : i32 to vector<16xi32>
      %select_n3A_1075 = arith.select %eq3A_1072, %get3A_1068, %broadcast_in_dim3A_1074 : vector<16xi1>, vector<16xi32>
      %reduce_sum3A_1076 = arith.constant true
      %reduce_sum3A_1077 = vector.broadcast %reduce_sum3A_1076 : i1 to vector<16xi1>
      %reduce_sum3A_1078 = tpu.scan <sum>, %select_n3A_1075 masked %reduce_sum3A_1077 : vector<16xi32>, vector<16xi1> -> vector<16xi32>
      %reduce_sum3A_1079 = vector.extract %reduce_sum3A_1078[15] : i32 from vector<16xi32>
      %shift_right_arithmetic3A_1080 = arith.constant 7 : i32
      %shift_right_arithmetic3A_1081 = arith.shrsi %reduce_sum3A_1079, %shift_right_arithmetic3A_1080 : i32
      %shift_left3A_1082 = arith.constant 7 : i32
      %shift_left3A_1083 = arith.shli %shift_right_arithmetic3A_1081, %shift_left3A_1082 : i32
      %multiple_of3A_1084 = tpu.assume_multiple %shift_left3A_1083, 128 : i32
      %dma_start3A_1085 = arith.constant 0 : i32
      %dma_start3A_1086 = tpu.memref_slice %arg2[%dma_start3A_1085, %multiple_of3A_1084] : memref<32x1000000xf32, #tpu.memory_space<hbm>> -> memref<32x128xf32, #tpu.memory_space<hbm>>
      %dma_start3A_1087 = arith.constant 0 : i32
      %dma_start3A_1088 = tpu.memref_slice %arg2[%dma_start3A_1087, %multiple_of3A_1084] : memref<32x1000000xf32, #tpu.memory_space<hbm>> -> memref<32x128xf32, #tpu.memory_space<hbm>>
      tpu.enqueue_dma source(%dma_start3A_1088 : memref<32x128xf32, #tpu.memory_space<hbm>>) target(%arg16 : memref<32x128xf32, #tpu.memory_space<vmem>>) target_semaphore(%arg24 : memref<!tpu.dma_semaphore, #tpu.memory_space<semaphore_mem>>)
      %dma_wait3A_1089 = arith.constant 0 : i32
      %dma_wait3A_1090 = arith.constant 0 : i32
      %dma_wait3A_1091 = tpu.memref_slice %arg2[%dma_wait3A_1089, %dma_wait3A_1090] : memref<32x1000000xf32, #tpu.memory_space<hbm>> -> memref<32x128xf32, #tpu.memory_space<hbm>>
      %dma_wait3A_1092 = arith.constant 0 : i32
      %dma_wait3A_1093 = arith.constant 0 : i32
      %dma_wait3A_1094 = tpu.memref_slice %arg2[%dma_wait3A_1092, %dma_wait3A_1093] : memref<32x1000000xf32, #tpu.memory_space<hbm>> -> memref<32x128xf32, #tpu.memory_space<hbm>>
      tpu.wait_dma2 semaphore(%arg25 : memref<!tpu.dma_semaphore, #tpu.memory_space<semaphore_mem>>) src(%dma_wait3A_1094 : memref<32x128xf32, #tpu.memory_space<hbm>>) dst(%arg17 : memref<32x128xf32, #tpu.memory_space<vmem>>)
      %add3A_1095 = arith.constant 7 : i32
      %add3A_1096 = arith.addi %add3A_579, %add3A_1095 : i32
      %shift_right_arithmetic3A_1097 = arith.constant 4 : i32
      %shift_right_arithmetic3A_1098 = arith.shrsi %add3A_1096, %shift_right_arithmetic3A_1097 : i32
      %shift_left3A_1099 = arith.constant 4 : i32
      %shift_left3A_1100 = arith.shli %shift_right_arithmetic3A_1098, %shift_left3A_1099 : i32
      %multiple_of3A_1101 = tpu.assume_multiple %shift_left3A_1100, 16 : i32
      %get3A_1102 = arith.index_cast %multiple_of3A_1101 : i32 to index
      %get3A_1103 = tpu.vector_load %arg8[%get3A_1102] {strides = array<i32>} : memref<128xi32, #tpu.memory_space<vmem>>, vector<16xi32>,
      %and3A_1104 = arith.constant 15 : i32
      %and3A_1105 = arith.andi %add3A_1096, %and3A_1104 : i32
      %eq3A_1106 = vector.broadcast %and3A_1105 : i32 to vector<16xi32>
      %eq3A_1107 = arith.cmpi eq, %iota3A, %eq3A_1106 : vector<16xi32>
      %jit3A_1108 = arith.constant 0 : i32
      %broadcast_in_dim3A_1109 = vector.broadcast %jit3A_1108 : i32 to vector<16xi32>
      %select_n3A_1110 = arith.select %eq3A_1107, %get3A_1103, %broadcast_in_dim3A_1109 : vector<16xi1>, vector<16xi32>
      %reduce_sum3A_1111 = arith.constant true
      %reduce_sum3A_1112 = vector.broadcast %reduce_sum3A_1111 : i1 to vector<16xi1>
      %reduce_sum3A_1113 = tpu.scan <sum>, %select_n3A_1110 masked %reduce_sum3A_1112 : vector<16xi32>, vector<16xi1> -> vector<16xi32>
      %reduce_sum3A_1114 = vector.extract %reduce_sum3A_1113[15] : i32 from vector<16xi32>
      %and3A_1115 = arith.constant 127 : i32
      %and3A_1116 = arith.andi %reduce_sum3A_1114, %and3A_1115 : i32
      %broadcast_in_dim3A_1117 = vector.broadcast %and3A_1116 : i32 to vector<16xi32>
      %gather3A_1118 = tpu.vector_load_idx %arg17[%iota3A, %broadcast_in_dim3A_1117] : memref<32x128xf32, #tpu.memory_space<vmem>>[vector<16xi32>, vector<16xi32>], vector<16xf32>,
      %swap3A_1119 = arith.index_cast %add3A_1096 : i32 to index
      %swap3A_1120 = arith.constant 0 : index
      %swap3A_1121 = tpu.vector_load %arg9[%swap3A_1119, %swap3A_1120] {strides = array<i32>} : memref<128x32xf32, #tpu.memory_space<vmem>>, vector<16xf32>,
      tpu.vector_store %arg9[%swap3A_1119, %swap3A_1120], %gather3A_1118 {strides = array<i32>} : memref<128x32xf32, #tpu.memory_space<vmem>>, vector<16xf32>,
      %add3A_1122 = arith.constant 16 : i32
      %add3A_1123 = vector.broadcast %add3A_1122 : i32 to vector<16xi32>
      %add3A_1124 = arith.addi %iota3A, %add3A_1123 : vector<16xi32>
      %gather3A_1125 = tpu.vector_load_idx %arg17[%add3A_1124, %broadcast_in_dim3A_1117] : memref<32x128xf32, #tpu.memory_space<vmem>>[vector<16xi32>, vector<16xi32>], vector<16xf32>,
      %swap3A_1126 = arith.index_cast %add3A_1096 : i32 to index
      %swap3A_1127 = arith.constant 16 : index
      %swap3A_1128 = tpu.vector_load %arg9[%swap3A_1126, %swap3A_1127] {strides = array<i32>} : memref<128x32xf32, #tpu.memory_space<vmem>>, vector<16xf32>,
      tpu.vector_store %arg9[%swap3A_1126, %swap3A_1127], %gather3A_1125 {strides = array<i32>} : memref<128x32xf32, #tpu.memory_space<vmem>>, vector<16xf32>,
      %add3A_1129 = arith.constant 7 : i32
      %add3A_1130 = arith.addi %add3A_579, %add3A_1129 : i32
      %add3A_1131 = arith.constant 8 : i32
      %add3A_1132 = arith.addi %add3A_1130, %add3A_1131 : i32
      %min3A_1133 = arith.constant 127 : i32
      %min3A_1134 = arith.minsi %add3A_1132, %min3A_1133 : i32
      %shift_right_arithmetic3A_1135 = arith.constant 4 : i32
      %shift_right_arithmetic3A_1136 = arith.shrsi %min3A_1134, %shift_right_arithmetic3A_1135 : i32
      %shift_left3A_1137 = arith.constant 4 : i32
      %shift_left3A_1138 = arith.shli %shift_right_arithmetic3A_1136, %shift_left3A_1137 : i32
      %multiple_of3A_1139 = tpu.assume_multiple %shift_left3A_1138, 16 : i32
      %get3A_1140 = arith.index_cast %multiple_of3A_1139 : i32 to index
      %get3A_1141 = tpu.vector_load %arg8[%get3A_1140] {strides = array<i32>} : memref<128xi32, #tpu.memory_space<vmem>>, vector<16xi32>,
      %and3A_1142 = arith.constant 15 : i32
      %and3A_1143 = arith.andi %min3A_1134, %and3A_1142 : i32
      %eq3A_1144 = vector.broadcast %and3A_1143 : i32 to vector<16xi32>
      %eq3A_1145 = arith.cmpi eq, %iota3A, %eq3A_1144 : vector<16xi32>
      %jit3A_1146 = arith.constant 0 : i32
      %broadcast_in_dim3A_1147 = vector.broadcast %jit3A_1146 : i32 to vector<16xi32>
      %select_n3A_1148 = arith.select %eq3A_1145, %get3A_1141, %broadcast_in_dim3A_1147 : vector<16xi1>, vector<16xi32>
      %reduce_sum3A_1149 = arith.constant true
      %reduce_sum3A_1150 = vector.broadcast %reduce_sum3A_1149 : i1 to vector<16xi1>
      %reduce_sum3A_1151 = tpu.scan <sum>, %select_n3A_1148 masked %reduce_sum3A_1150 : vector<16xi32>, vector<16xi1> -> vector<16xi32>
      %reduce_sum3A_1152 = vector.extract %reduce_sum3A_1151[15] : i32 from vector<16xi32>
      %shift_right_arithmetic3A_1153 = arith.constant 7 : i32
      %shift_right_arithmetic3A_1154 = arith.shrsi %reduce_sum3A_1152, %shift_right_arithmetic3A_1153 : i32
      %shift_left3A_1155 = arith.constant 7 : i32
      %shift_left3A_1156 = arith.shli %shift_right_arithmetic3A_1154, %shift_left3A_1155 : i32
      %multiple_of3A_1157 = tpu.assume_multiple %shift_left3A_1156, 128 : i32
      %dma_start3A_1158 = arith.constant 0 : i32
      %dma_start3A_1159 = tpu.memref_slice %arg2[%dma_start3A_1158, %multiple_of3A_1157] : memref<32x1000000xf32, #tpu.memory_space<hbm>> -> memref<32x128xf32, #tpu.memory_space<hbm>>
      %dma_start3A_1160 = arith.constant 0 : i32
      %dma_start3A_1161 = tpu.memref_slice %arg2[%dma_start3A_1160, %multiple_of3A_1157] : memref<32x1000000xf32, #tpu.memory_space<hbm>> -> memref<32x128xf32, #tpu.memory_space<hbm>>
      tpu.enqueue_dma source(%dma_start3A_1161 : memref<32x128xf32, #tpu.memory_space<hbm>>) target(%arg17 : memref<32x128xf32, #tpu.memory_space<vmem>>) target_semaphore(%arg25 : memref<!tpu.dma_semaphore, #tpu.memory_space<semaphore_mem>>)
    }
    %scan3A_234 = arith.constant 16 : i32
    %dma_wait3A = arith.constant 0 : i32
    %dma_wait3A_235 = arith.constant 0 : i32
    %dma_wait3A_236 = tpu.memref_slice %arg2[%dma_wait3A, %dma_wait3A_235] : memref<32x1000000xf32, #tpu.memory_space<hbm>> -> memref<32x128xf32, #tpu.memory_space<hbm>>
    %dma_wait3A_237 = arith.constant 0 : i32
    %dma_wait3A_238 = arith.constant 0 : i32
    %dma_wait3A_239 = tpu.memref_slice %arg2[%dma_wait3A_237, %dma_wait3A_238] : memref<32x1000000xf32, #tpu.memory_space<hbm>> -> memref<32x128xf32, #tpu.memory_space<hbm>>
    tpu.wait_dma2 semaphore(%arg18 : memref<!tpu.dma_semaphore, #tpu.memory_space<semaphore_mem>>) src(%dma_wait3A_239 : memref<32x128xf32, #tpu.memory_space<hbm>>) dst(%arg10 : memref<32x128xf32, #tpu.memory_space<vmem>>)
    %dma_wait3A_240 = arith.constant 0 : i32
    %dma_wait3A_241 = arith.constant 0 : i32
    %dma_wait3A_242 = tpu.memref_slice %arg2[%dma_wait3A_240, %dma_wait3A_241] : memref<32x1000000xf32, #tpu.memory_space<hbm>> -> memref<32x128xf32, #tpu.memory_space<hbm>>
    %dma_wait3A_243 = arith.constant 0 : i32
    %dma_wait3A_244 = arith.constant 0 : i32
    %dma_wait3A_245 = tpu.memref_slice %arg2[%dma_wait3A_243, %dma_wait3A_244] : memref<32x1000000xf32, #tpu.memory_space<hbm>> -> memref<32x128xf32, #tpu.memory_space<hbm>>
    tpu.wait_dma2 semaphore(%arg19 : memref<!tpu.dma_semaphore, #tpu.memory_space<semaphore_mem>>) src(%dma_wait3A_245 : memref<32x128xf32, #tpu.memory_space<hbm>>) dst(%arg11 : memref<32x128xf32, #tpu.memory_space<vmem>>)
    %dma_wait3A_246 = arith.constant 0 : i32
    %dma_wait3A_247 = arith.constant 0 : i32
    %dma_wait3A_248 = tpu.memref_slice %arg2[%dma_wait3A_246, %dma_wait3A_247] : memref<32x1000000xf32, #tpu.memory_space<hbm>> -> memref<32x128xf32, #tpu.memory_space<hbm>>
    %dma_wait3A_249 = arith.constant 0 : i32
    %dma_wait3A_250 = arith.constant 0 : i32
    %dma_wait3A_251 = tpu.memref_slice %arg2[%dma_wait3A_249, %dma_wait3A_250] : memref<32x1000000xf32, #tpu.memory_space<hbm>> -> memref<32x128xf32, #tpu.memory_space<hbm>>
    tpu.wait_dma2 semaphore(%arg20 : memref<!tpu.dma_semaphore, #tpu.memory_space<semaphore_mem>>) src(%dma_wait3A_251 : memref<32x128xf32, #tpu.memory_space<hbm>>) dst(%arg12 : memref<32x128xf32, #tpu.memory_space<vmem>>)
    %dma_wait3A_252 = arith.constant 0 : i32
    %dma_wait3A_253 = arith.constant 0 : i32
    %dma_wait3A_254 = tpu.memref_slice %arg2[%dma_wait3A_252, %dma_wait3A_253] : memref<32x1000000xf32, #tpu.memory_space<hbm>> -> memref<32x128xf32, #tpu.memory_space<hbm>>
    %dma_wait3A_255 = arith.constant 0 : i32
    %dma_wait3A_256 = arith.constant 0 : i32
    %dma_wait3A_257 = tpu.memref_slice %arg2[%dma_wait3A_255, %dma_wait3A_256] : memref<32x1000000xf32, #tpu.memory_space<hbm>> -> memref<32x128xf32, #tpu.memory_space<hbm>>
    tpu.wait_dma2 semaphore(%arg21 : memref<!tpu.dma_semaphore, #tpu.memory_space<semaphore_mem>>) src(%dma_wait3A_257 : memref<32x128xf32, #tpu.memory_space<hbm>>) dst(%arg13 : memref<32x128xf32, #tpu.memory_space<vmem>>)
    %dma_wait3A_258 = arith.constant 0 : i32
    %dma_wait3A_259 = arith.constant 0 : i32
    %dma_wait3A_260 = tpu.memref_slice %arg2[%dma_wait3A_258, %dma_wait3A_259] : memref<32x1000000xf32, #tpu.memory_space<hbm>> -> memref<32x128xf32, #tpu.memory_space<hbm>>
    %dma_wait3A_261 = arith.constant 0 : i32
    %dma_wait3A_262 = arith.constant 0 : i32
    %dma_wait3A_263 = tpu.memref_slice %arg2[%dma_wait3A_261, %dma_wait3A_262] : memref<32x1000000xf32, #tpu.memory_space<hbm>> -> memref<32x128xf32, #tpu.memory_space<hbm>>
    tpu.wait_dma2 semaphore(%arg22 : memref<!tpu.dma_semaphore, #tpu.memory_space<semaphore_mem>>) src(%dma_wait3A_263 : memref<32x128xf32, #tpu.memory_space<hbm>>) dst(%arg14 : memref<32x128xf32, #tpu.memory_space<vmem>>)
    %dma_wait3A_264 = arith.constant 0 : i32
    %dma_wait3A_265 = arith.constant 0 : i32
    %dma_wait3A_266 = tpu.memref_slice %arg2[%dma_wait3A_264, %dma_wait3A_265] : memref<32x1000000xf32, #tpu.memory_space<hbm>> -> memref<32x128xf32, #tpu.memory_space<hbm>>
    %dma_wait3A_267 = arith.constant 0 : i32
    %dma_wait3A_268 = arith.constant 0 : i32
    %dma_wait3A_269 = tpu.memref_slice %arg2[%dma_wait3A_267, %dma_wait3A_268] : memref<32x1000000xf32, #tpu.memory_space<hbm>> -> memref<32x128xf32, #tpu.memory_space<hbm>>
    tpu.wait_dma2 semaphore(%arg23 : memref<!tpu.dma_semaphore, #tpu.memory_space<semaphore_mem>>) src(%dma_wait3A_269 : memref<32x128xf32, #tpu.memory_space<hbm>>) dst(%arg15 : memref<32x128xf32, #tpu.memory_space<vmem>>)
    %dma_wait3A_270 = arith.constant 0 : i32
    %dma_wait3A_271 = arith.constant 0 : i32
    %dma_wait3A_272 = tpu.memref_slice %arg2[%dma_wait3A_270, %dma_wait3A_271] : memref<32x1000000xf32, #tpu.memory_space<hbm>> -> memref<32x128xf32, #tpu.memory_space<hbm>>
    %dma_wait3A_273 = arith.constant 0 : i32
    %dma_wait3A_274 = arith.constant 0 : i32
    %dma_wait3A_275 = tpu.memref_slice %arg2[%dma_wait3A_273, %dma_wait3A_274] : memref<32x1000000xf32, #tpu.memory_space<hbm>> -> memref<32x128xf32, #tpu.memory_space<hbm>>
    tpu.wait_dma2 semaphore(%arg24 : memref<!tpu.dma_semaphore, #tpu.memory_space<semaphore_mem>>) src(%dma_wait3A_275 : memref<32x128xf32, #tpu.memory_space<hbm>>) dst(%arg16 : memref<32x128xf32, #tpu.memory_space<vmem>>)
    %dma_wait3A_276 = arith.constant 0 : i32
    %dma_wait3A_277 = arith.constant 0 : i32
    %dma_wait3A_278 = tpu.memref_slice %arg2[%dma_wait3A_276, %dma_wait3A_277] : memref<32x1000000xf32, #tpu.memory_space<hbm>> -> memref<32x128xf32, #tpu.memory_space<hbm>>
    %dma_wait3A_279 = arith.constant 0 : i32
    %dma_wait3A_280 = arith.constant 0 : i32
    %dma_wait3A_281 = tpu.memref_slice %arg2[%dma_wait3A_279, %dma_wait3A_280] : memref<32x1000000xf32, #tpu.memory_space<hbm>> -> memref<32x128xf32, #tpu.memory_space<hbm>>
    tpu.wait_dma2 semaphore(%arg25 : memref<!tpu.dma_semaphore, #tpu.memory_space<semaphore_mem>>) src(%dma_wait3A_281 : memref<32x128xf32, #tpu.memory_space<hbm>>) dst(%arg17 : memref<32x128xf32, #tpu.memory_space<vmem>>)
    "tpu.region"() ({
      %run_scoped3A = tpu.sem_alloc : memref<!tpu.dma_semaphore, #tpu.memory_space<semaphore_mem>>
      %dma_start3A_575 = arith.constant 0 : i32
      %dma_start3A_576 = tpu.memref_slice %arg6[%mul3A_2, %dma_start3A_575] : memref<4096x32xf32, #tpu.memory_space<hbm>> -> memref<128x32xf32, #tpu.memory_space<hbm>>
      %dma_start3A_577 = arith.constant 0 : i32
      %dma_start3A_578 = tpu.memref_slice %arg6[%mul3A_2, %dma_start3A_577] : memref<4096x32xf32, #tpu.memory_space<hbm>> -> memref<128x32xf32, #tpu.memory_space<hbm>>
      tpu.enqueue_dma source(%arg9 : memref<128x32xf32, #tpu.memory_space<vmem>>) target(%dma_start3A_578 : memref<128x32xf32, #tpu.memory_space<hbm>>) target_semaphore(%run_scoped3A : memref<!tpu.dma_semaphore, #tpu.memory_space<semaphore_mem>>)
      %dma_wait3A_579 = arith.constant 0 : i32
      %dma_wait3A_580 = tpu.memref_slice %arg6[%mul3A_2, %dma_wait3A_579] : memref<4096x32xf32, #tpu.memory_space<hbm>> -> memref<128x32xf32, #tpu.memory_space<hbm>>
      %dma_wait3A_581 = arith.constant 0 : i32
      %dma_wait3A_582 = tpu.memref_slice %arg6[%mul3A_2, %dma_wait3A_581] : memref<4096x32xf32, #tpu.memory_space<hbm>> -> memref<128x32xf32, #tpu.memory_space<hbm>>
      tpu.wait_dma2 semaphore(%run_scoped3A : memref<!tpu.dma_semaphore, #tpu.memory_space<semaphore_mem>>) src(%arg9 : memref<128x32xf32, #tpu.memory_space<vmem>>) dst(%dma_wait3A_582 : memref<128x32xf32, #tpu.memory_space<hbm>>)
      tpu.yield
    }) : () -> ()
    "tpu.region"() ({
      %run_scoped3A = tpu.sem_alloc : memref<!tpu.dma_semaphore, #tpu.memory_space<semaphore_mem>>
      %dma_start3A_575 = tpu.memref_slice %arg5[%mul3A_2] : memref<4096xi32, #tpu.memory_space<hbm>> -> memref<128xi32, #tpu.memory_space<hbm>>
      %dma_start3A_576 = tpu.memref_slice %arg5[%mul3A_2] : memref<4096xi32, #tpu.memory_space<hbm>> -> memref<128xi32, #tpu.memory_space<hbm>>
      tpu.enqueue_dma source(%dma_start3A_576 : memref<128xi32, #tpu.memory_space<hbm>>) target(%arg8 : memref<128xi32, #tpu.memory_space<vmem>>) target_semaphore(%run_scoped3A : memref<!tpu.dma_semaphore, #tpu.memory_space<semaphore_mem>>)
      %dma_wait3A_577 = tpu.memref_slice %arg5[%mul3A_2] : memref<4096xi32, #tpu.memory_space<hbm>> -> memref<128xi32, #tpu.memory_space<hbm>>
      %dma_wait3A_578 = tpu.memref_slice %arg5[%mul3A_2] : memref<4096xi32, #tpu.memory_space<hbm>> -> memref<128xi32, #tpu.memory_space<hbm>>
      tpu.wait_dma2 semaphore(%run_scoped3A : memref<!tpu.dma_semaphore, #tpu.memory_space<semaphore_mem>>) src(%dma_wait3A_578 : memref<128xi32, #tpu.memory_space<hbm>>) dst(%arg8 : memref<128xi32, #tpu.memory_space<vmem>>)
      tpu.yield
    }) : () -> ()
    %min3A_282 = arith.constant 0 : i32
    %min3A_283 = arith.constant 127 : i32
    %min3A_284 = arith.minsi %min3A_282, %min3A_283 : i32
    %shift_right_arithmetic3A_285 = arith.constant 4 : i32
    %shift_right_arithmetic3A_286 = arith.shrsi %min3A_284, %shift_right_arithmetic3A_285 : i32
    %shift_left3A_287 = arith.constant 4 : i32
    %shift_left3A_288 = arith.shli %shift_right_arithmetic3A_286, %shift_left3A_287 : i32
    %multiple_of3A_289 = tpu.assume_multiple %shift_left3A_288, 16 : i32
    %get3A_290 = arith.index_cast %multiple_of3A_289 : i32 to index
    %get3A_291 = tpu.vector_load %arg8[%get3A_290] {strides = array<i32>} : memref<128xi32, #tpu.memory_space<vmem>>, vector<16xi32>,
    %and3A_292 = arith.constant 15 : i32
    %and3A_293 = arith.andi %min3A_284, %and3A_292 : i32
    %eq3A_294 = vector.broadcast %and3A_293 : i32 to vector<16xi32>
    %eq3A_295 = arith.cmpi eq, %iota3A, %eq3A_294 : vector<16xi32>
    %jit3A_296 = arith.constant 0 : i32
    %broadcast_in_dim3A_297 = vector.broadcast %jit3A_296 : i32 to vector<16xi32>
    %select_n3A_298 = arith.select %eq3A_295, %get3A_291, %broadcast_in_dim3A_297 : vector<16xi1>, vector<16xi32>
    %reduce_sum3A_299 = arith.constant true
    %reduce_sum3A_300 = vector.broadcast %reduce_sum3A_299 : i1 to vector<16xi1>
    %reduce_sum3A_301 = tpu.scan <sum>, %select_n3A_298 masked %reduce_sum3A_300 : vector<16xi32>, vector<16xi1> -> vector<16xi32>
    %reduce_sum3A_302 = vector.extract %reduce_sum3A_301[15] : i32 from vector<16xi32>
    %shift_right_arithmetic3A_303 = arith.constant 7 : i32
    %shift_right_arithmetic3A_304 = arith.shrsi %reduce_sum3A_302, %shift_right_arithmetic3A_303 : i32
    %shift_left3A_305 = arith.constant 7 : i32
    %shift_left3A_306 = arith.shli %shift_right_arithmetic3A_304, %shift_left3A_305 : i32
    %multiple_of3A_307 = tpu.assume_multiple %shift_left3A_306, 128 : i32
    %dma_start3A_308 = arith.constant 0 : i32
    %dma_start3A_309 = tpu.memref_slice %arg3[%dma_start3A_308, %multiple_of3A_307] : memref<32x1000000xf32, #tpu.memory_space<hbm>> -> memref<32x128xf32, #tpu.memory_space<hbm>>
    %dma_start3A_310 = arith.constant 0 : i32
    %dma_start3A_311 = tpu.memref_slice %arg3[%dma_start3A_310, %multiple_of3A_307] : memref<32x1000000xf32, #tpu.memory_space<hbm>> -> memref<32x128xf32, #tpu.memory_space<hbm>>
    tpu.enqueue_dma source(%dma_start3A_311 : memref<32x128xf32, #tpu.memory_space<hbm>>) target(%arg10 : memref<32x128xf32, #tpu.memory_space<vmem>>) target_semaphore(%arg18 : memref<!tpu.dma_semaphore, #tpu.memory_space<semaphore_mem>>)
    %min3A_312 = arith.constant 1 : i32
    %min3A_313 = arith.constant 127 : i32
    %min3A_314 = arith.minsi %min3A_312, %min3A_313 : i32
    %shift_right_arithmetic3A_315 = arith.constant 4 : i32
    %shift_right_arithmetic3A_316 = arith.shrsi %min3A_314, %shift_right_arithmetic3A_315 : i32
    %shift_left3A_317 = arith.constant 4 : i32
    %shift_left3A_318 = arith.shli %shift_right_arithmetic3A_316, %shift_left3A_317 : i32
    %multiple_of3A_319 = tpu.assume_multiple %shift_left3A_318, 16 : i32
    %get3A_320 = arith.index_cast %multiple_of3A_319 : i32 to index
    %get3A_321 = tpu.vector_load %arg8[%get3A_320] {strides = array<i32>} : memref<128xi32, #tpu.memory_space<vmem>>, vector<16xi32>,
    %and3A_322 = arith.constant 15 : i32
    %and3A_323 = arith.andi %min3A_314, %and3A_322 : i32
    %eq3A_324 = vector.broadcast %and3A_323 : i32 to vector<16xi32>
    %eq3A_325 = arith.cmpi eq, %iota3A, %eq3A_324 : vector<16xi32>
    %jit3A_326 = arith.constant 0 : i32
    %broadcast_in_dim3A_327 = vector.broadcast %jit3A_326 : i32 to vector<16xi32>
    %select_n3A_328 = arith.select %eq3A_325, %get3A_321, %broadcast_in_dim3A_327 : vector<16xi1>, vector<16xi32>
    %reduce_sum3A_329 = arith.constant true
    %reduce_sum3A_330 = vector.broadcast %reduce_sum3A_329 : i1 to vector<16xi1>
    %reduce_sum3A_331 = tpu.scan <sum>, %select_n3A_328 masked %reduce_sum3A_330 : vector<16xi32>, vector<16xi1> -> vector<16xi32>
    %reduce_sum3A_332 = vector.extract %reduce_sum3A_331[15] : i32 from vector<16xi32>
    %shift_right_arithmetic3A_333 = arith.constant 7 : i32
    %shift_right_arithmetic3A_334 = arith.shrsi %reduce_sum3A_332, %shift_right_arithmetic3A_333 : i32
    %shift_left3A_335 = arith.constant 7 : i32
    %shift_left3A_336 = arith.shli %shift_right_arithmetic3A_334, %shift_left3A_335 : i32
    %multiple_of3A_337 = tpu.assume_multiple %shift_left3A_336, 128 : i32
    %dma_start3A_338 = arith.constant 0 : i32
    %dma_start3A_339 = tpu.memref_slice %arg3[%dma_start3A_338, %multiple_of3A_337] : memref<32x1000000xf32, #tpu.memory_space<hbm>> -> memref<32x128xf32, #tpu.memory_space<hbm>>
    %dma_start3A_340 = arith.constant 0 : i32
    %dma_start3A_341 = tpu.memref_slice %arg3[%dma_start3A_340, %multiple_of3A_337] : memref<32x1000000xf32, #tpu.memory_space<hbm>> -> memref<32x128xf32, #tpu.memory_space<hbm>>
    tpu.enqueue_dma source(%dma_start3A_341 : memref<32x128xf32, #tpu.memory_space<hbm>>) target(%arg11 : memref<32x128xf32, #tpu.memory_space<vmem>>) target_semaphore(%arg19 : memref<!tpu.dma_semaphore, #tpu.memory_space<semaphore_mem>>)
    %min3A_342 = arith.constant 2 : i32
    %min3A_343 = arith.constant 127 : i32
    %min3A_344 = arith.minsi %min3A_342, %min3A_343 : i32
    %shift_right_arithmetic3A_345 = arith.constant 4 : i32
    %shift_right_arithmetic3A_346 = arith.shrsi %min3A_344, %shift_right_arithmetic3A_345 : i32
    %shift_left3A_347 = arith.constant 4 : i32
    %shift_left3A_348 = arith.shli %shift_right_arithmetic3A_346, %shift_left3A_347 : i32
    %multiple_of3A_349 = tpu.assume_multiple %shift_left3A_348, 16 : i32
    %get3A_350 = arith.index_cast %multiple_of3A_349 : i32 to index
    %get3A_351 = tpu.vector_load %arg8[%get3A_350] {strides = array<i32>} : memref<128xi32, #tpu.memory_space<vmem>>, vector<16xi32>,
    %and3A_352 = arith.constant 15 : i32
    %and3A_353 = arith.andi %min3A_344, %and3A_352 : i32
    %eq3A_354 = vector.broadcast %and3A_353 : i32 to vector<16xi32>
    %eq3A_355 = arith.cmpi eq, %iota3A, %eq3A_354 : vector<16xi32>
    %jit3A_356 = arith.constant 0 : i32
    %broadcast_in_dim3A_357 = vector.broadcast %jit3A_356 : i32 to vector<16xi32>
    %select_n3A_358 = arith.select %eq3A_355, %get3A_351, %broadcast_in_dim3A_357 : vector<16xi1>, vector<16xi32>
    %reduce_sum3A_359 = arith.constant true
    %reduce_sum3A_360 = vector.broadcast %reduce_sum3A_359 : i1 to vector<16xi1>
    %reduce_sum3A_361 = tpu.scan <sum>, %select_n3A_358 masked %reduce_sum3A_360 : vector<16xi32>, vector<16xi1> -> vector<16xi32>
    %reduce_sum3A_362 = vector.extract %reduce_sum3A_361[15] : i32 from vector<16xi32>
    %shift_right_arithmetic3A_363 = arith.constant 7 : i32
    %shift_right_arithmetic3A_364 = arith.shrsi %reduce_sum3A_362, %shift_right_arithmetic3A_363 : i32
    %shift_left3A_365 = arith.constant 7 : i32
    %shift_left3A_366 = arith.shli %shift_right_arithmetic3A_364, %shift_left3A_365 : i32
    %multiple_of3A_367 = tpu.assume_multiple %shift_left3A_366, 128 : i32
    %dma_start3A_368 = arith.constant 0 : i32
    %dma_start3A_369 = tpu.memref_slice %arg3[%dma_start3A_368, %multiple_of3A_367] : memref<32x1000000xf32, #tpu.memory_space<hbm>> -> memref<32x128xf32, #tpu.memory_space<hbm>>
    %dma_start3A_370 = arith.constant 0 : i32
    %dma_start3A_371 = tpu.memref_slice %arg3[%dma_start3A_370, %multiple_of3A_367] : memref<32x1000000xf32, #tpu.memory_space<hbm>> -> memref<32x128xf32, #tpu.memory_space<hbm>>
    tpu.enqueue_dma source(%dma_start3A_371 : memref<32x128xf32, #tpu.memory_space<hbm>>) target(%arg12 : memref<32x128xf32, #tpu.memory_space<vmem>>) target_semaphore(%arg20 : memref<!tpu.dma_semaphore, #tpu.memory_space<semaphore_mem>>)
    %min3A_372 = arith.constant 3 : i32
    %min3A_373 = arith.constant 127 : i32
    %min3A_374 = arith.minsi %min3A_372, %min3A_373 : i32
    %shift_right_arithmetic3A_375 = arith.constant 4 : i32
    %shift_right_arithmetic3A_376 = arith.shrsi %min3A_374, %shift_right_arithmetic3A_375 : i32
    %shift_left3A_377 = arith.constant 4 : i32
    %shift_left3A_378 = arith.shli %shift_right_arithmetic3A_376, %shift_left3A_377 : i32
    %multiple_of3A_379 = tpu.assume_multiple %shift_left3A_378, 16 : i32
    %get3A_380 = arith.index_cast %multiple_of3A_379 : i32 to index
    %get3A_381 = tpu.vector_load %arg8[%get3A_380] {strides = array<i32>} : memref<128xi32, #tpu.memory_space<vmem>>, vector<16xi32>,
    %and3A_382 = arith.constant 15 : i32
    %and3A_383 = arith.andi %min3A_374, %and3A_382 : i32
    %eq3A_384 = vector.broadcast %and3A_383 : i32 to vector<16xi32>
    %eq3A_385 = arith.cmpi eq, %iota3A, %eq3A_384 : vector<16xi32>
    %jit3A_386 = arith.constant 0 : i32
    %broadcast_in_dim3A_387 = vector.broadcast %jit3A_386 : i32 to vector<16xi32>
    %select_n3A_388 = arith.select %eq3A_385, %get3A_381, %broadcast_in_dim3A_387 : vector<16xi1>, vector<16xi32>
    %reduce_sum3A_389 = arith.constant true
    %reduce_sum3A_390 = vector.broadcast %reduce_sum3A_389 : i1 to vector<16xi1>
    %reduce_sum3A_391 = tpu.scan <sum>, %select_n3A_388 masked %reduce_sum3A_390 : vector<16xi32>, vector<16xi1> -> vector<16xi32>
    %reduce_sum3A_392 = vector.extract %reduce_sum3A_391[15] : i32 from vector<16xi32>
    %shift_right_arithmetic3A_393 = arith.constant 7 : i32
    %shift_right_arithmetic3A_394 = arith.shrsi %reduce_sum3A_392, %shift_right_arithmetic3A_393 : i32
    %shift_left3A_395 = arith.constant 7 : i32
    %shift_left3A_396 = arith.shli %shift_right_arithmetic3A_394, %shift_left3A_395 : i32
    %multiple_of3A_397 = tpu.assume_multiple %shift_left3A_396, 128 : i32
    %dma_start3A_398 = arith.constant 0 : i32
    %dma_start3A_399 = tpu.memref_slice %arg3[%dma_start3A_398, %multiple_of3A_397] : memref<32x1000000xf32, #tpu.memory_space<hbm>> -> memref<32x128xf32, #tpu.memory_space<hbm>>
    %dma_start3A_400 = arith.constant 0 : i32
    %dma_start3A_401 = tpu.memref_slice %arg3[%dma_start3A_400, %multiple_of3A_397] : memref<32x1000000xf32, #tpu.memory_space<hbm>> -> memref<32x128xf32, #tpu.memory_space<hbm>>
    tpu.enqueue_dma source(%dma_start3A_401 : memref<32x128xf32, #tpu.memory_space<hbm>>) target(%arg13 : memref<32x128xf32, #tpu.memory_space<vmem>>) target_semaphore(%arg21 : memref<!tpu.dma_semaphore, #tpu.memory_space<semaphore_mem>>)
    %min3A_402 = arith.constant 4 : i32
    %min3A_403 = arith.constant 127 : i32
    %min3A_404 = arith.minsi %min3A_402, %min3A_403 : i32
    %shift_right_arithmetic3A_405 = arith.constant 4 : i32
    %shift_right_arithmetic3A_406 = arith.shrsi %min3A_404, %shift_right_arithmetic3A_405 : i32
    %shift_left3A_407 = arith.constant 4 : i32
    %shift_left3A_408 = arith.shli %shift_right_arithmetic3A_406, %shift_left3A_407 : i32
    %multiple_of3A_409 = tpu.assume_multiple %shift_left3A_408, 16 : i32
    %get3A_410 = arith.index_cast %multiple_of3A_409 : i32 to index
    %get3A_411 = tpu.vector_load %arg8[%get3A_410] {strides = array<i32>} : memref<128xi32, #tpu.memory_space<vmem>>, vector<16xi32>,
    %and3A_412 = arith.constant 15 : i32
    %and3A_413 = arith.andi %min3A_404, %and3A_412 : i32
    %eq3A_414 = vector.broadcast %and3A_413 : i32 to vector<16xi32>
    %eq3A_415 = arith.cmpi eq, %iota3A, %eq3A_414 : vector<16xi32>
    %jit3A_416 = arith.constant 0 : i32
    %broadcast_in_dim3A_417 = vector.broadcast %jit3A_416 : i32 to vector<16xi32>
    %select_n3A_418 = arith.select %eq3A_415, %get3A_411, %broadcast_in_dim3A_417 : vector<16xi1>, vector<16xi32>
    %reduce_sum3A_419 = arith.constant true
    %reduce_sum3A_420 = vector.broadcast %reduce_sum3A_419 : i1 to vector<16xi1>
    %reduce_sum3A_421 = tpu.scan <sum>, %select_n3A_418 masked %reduce_sum3A_420 : vector<16xi32>, vector<16xi1> -> vector<16xi32>
    %reduce_sum3A_422 = vector.extract %reduce_sum3A_421[15] : i32 from vector<16xi32>
    %shift_right_arithmetic3A_423 = arith.constant 7 : i32
    %shift_right_arithmetic3A_424 = arith.shrsi %reduce_sum3A_422, %shift_right_arithmetic3A_423 : i32
    %shift_left3A_425 = arith.constant 7 : i32
    %shift_left3A_426 = arith.shli %shift_right_arithmetic3A_424, %shift_left3A_425 : i32
    %multiple_of3A_427 = tpu.assume_multiple %shift_left3A_426, 128 : i32
    %dma_start3A_428 = arith.constant 0 : i32
    %dma_start3A_429 = tpu.memref_slice %arg3[%dma_start3A_428, %multiple_of3A_427] : memref<32x1000000xf32, #tpu.memory_space<hbm>> -> memref<32x128xf32, #tpu.memory_space<hbm>>
    %dma_start3A_430 = arith.constant 0 : i32
    %dma_start3A_431 = tpu.memref_slice %arg3[%dma_start3A_430, %multiple_of3A_427] : memref<32x1000000xf32, #tpu.memory_space<hbm>> -> memref<32x128xf32, #tpu.memory_space<hbm>>
    tpu.enqueue_dma source(%dma_start3A_431 : memref<32x128xf32, #tpu.memory_space<hbm>>) target(%arg14 : memref<32x128xf32, #tpu.memory_space<vmem>>) target_semaphore(%arg22 : memref<!tpu.dma_semaphore, #tpu.memory_space<semaphore_mem>>)
    %min3A_432 = arith.constant 5 : i32
    %min3A_433 = arith.constant 127 : i32
    %min3A_434 = arith.minsi %min3A_432, %min3A_433 : i32
    %shift_right_arithmetic3A_435 = arith.constant 4 : i32
    %shift_right_arithmetic3A_436 = arith.shrsi %min3A_434, %shift_right_arithmetic3A_435 : i32
    %shift_left3A_437 = arith.constant 4 : i32
    %shift_left3A_438 = arith.shli %shift_right_arithmetic3A_436, %shift_left3A_437 : i32
    %multiple_of3A_439 = tpu.assume_multiple %shift_left3A_438, 16 : i32
    %get3A_440 = arith.index_cast %multiple_of3A_439 : i32 to index
    %get3A_441 = tpu.vector_load %arg8[%get3A_440] {strides = array<i32>} : memref<128xi32, #tpu.memory_space<vmem>>, vector<16xi32>,
    %and3A_442 = arith.constant 15 : i32
    %and3A_443 = arith.andi %min3A_434, %and3A_442 : i32
    %eq3A_444 = vector.broadcast %and3A_443 : i32 to vector<16xi32>
    %eq3A_445 = arith.cmpi eq, %iota3A, %eq3A_444 : vector<16xi32>
    %jit3A_446 = arith.constant 0 : i32
    %broadcast_in_dim3A_447 = vector.broadcast %jit3A_446 : i32 to vector<16xi32>
    %select_n3A_448 = arith.select %eq3A_445, %get3A_441, %broadcast_in_dim3A_447 : vector<16xi1>, vector<16xi32>
    %reduce_sum3A_449 = arith.constant true
    %reduce_sum3A_450 = vector.broadcast %reduce_sum3A_449 : i1 to vector<16xi1>
    %reduce_sum3A_451 = tpu.scan <sum>, %select_n3A_448 masked %reduce_sum3A_450 : vector<16xi32>, vector<16xi1> -> vector<16xi32>
    %reduce_sum3A_452 = vector.extract %reduce_sum3A_451[15] : i32 from vector<16xi32>
    %shift_right_arithmetic3A_453 = arith.constant 7 : i32
    %shift_right_arithmetic3A_454 = arith.shrsi %reduce_sum3A_452, %shift_right_arithmetic3A_453 : i32
    %shift_left3A_455 = arith.constant 7 : i32
    %shift_left3A_456 = arith.shli %shift_right_arithmetic3A_454, %shift_left3A_455 : i32
    %multiple_of3A_457 = tpu.assume_multiple %shift_left3A_456, 128 : i32
    %dma_start3A_458 = arith.constant 0 : i32
    %dma_start3A_459 = tpu.memref_slice %arg3[%dma_start3A_458, %multiple_of3A_457] : memref<32x1000000xf32, #tpu.memory_space<hbm>> -> memref<32x128xf32, #tpu.memory_space<hbm>>
    %dma_start3A_460 = arith.constant 0 : i32
    %dma_start3A_461 = tpu.memref_slice %arg3[%dma_start3A_460, %multiple_of3A_457] : memref<32x1000000xf32, #tpu.memory_space<hbm>> -> memref<32x128xf32, #tpu.memory_space<hbm>>
    tpu.enqueue_dma source(%dma_start3A_461 : memref<32x128xf32, #tpu.memory_space<hbm>>) target(%arg15 : memref<32x128xf32, #tpu.memory_space<vmem>>) target_semaphore(%arg23 : memref<!tpu.dma_semaphore, #tpu.memory_space<semaphore_mem>>)
    %min3A_462 = arith.constant 6 : i32
    %min3A_463 = arith.constant 127 : i32
    %min3A_464 = arith.minsi %min3A_462, %min3A_463 : i32
    %shift_right_arithmetic3A_465 = arith.constant 4 : i32
    %shift_right_arithmetic3A_466 = arith.shrsi %min3A_464, %shift_right_arithmetic3A_465 : i32
    %shift_left3A_467 = arith.constant 4 : i32
    %shift_left3A_468 = arith.shli %shift_right_arithmetic3A_466, %shift_left3A_467 : i32
    %multiple_of3A_469 = tpu.assume_multiple %shift_left3A_468, 16 : i32
    %get3A_470 = arith.index_cast %multiple_of3A_469 : i32 to index
    %get3A_471 = tpu.vector_load %arg8[%get3A_470] {strides = array<i32>} : memref<128xi32, #tpu.memory_space<vmem>>, vector<16xi32>,
    %and3A_472 = arith.constant 15 : i32
    %and3A_473 = arith.andi %min3A_464, %and3A_472 : i32
    %eq3A_474 = vector.broadcast %and3A_473 : i32 to vector<16xi32>
    %eq3A_475 = arith.cmpi eq, %iota3A, %eq3A_474 : vector<16xi32>
    %jit3A_476 = arith.constant 0 : i32
    %broadcast_in_dim3A_477 = vector.broadcast %jit3A_476 : i32 to vector<16xi32>
    %select_n3A_478 = arith.select %eq3A_475, %get3A_471, %broadcast_in_dim3A_477 : vector<16xi1>, vector<16xi32>
    %reduce_sum3A_479 = arith.constant true
    %reduce_sum3A_480 = vector.broadcast %reduce_sum3A_479 : i1 to vector<16xi1>
    %reduce_sum3A_481 = tpu.scan <sum>, %select_n3A_478 masked %reduce_sum3A_480 : vector<16xi32>, vector<16xi1> -> vector<16xi32>
    %reduce_sum3A_482 = vector.extract %reduce_sum3A_481[15] : i32 from vector<16xi32>
    %shift_right_arithmetic3A_483 = arith.constant 7 : i32
    %shift_right_arithmetic3A_484 = arith.shrsi %reduce_sum3A_482, %shift_right_arithmetic3A_483 : i32
    %shift_left3A_485 = arith.constant 7 : i32
    %shift_left3A_486 = arith.shli %shift_right_arithmetic3A_484, %shift_left3A_485 : i32
    %multiple_of3A_487 = tpu.assume_multiple %shift_left3A_486, 128 : i32
    %dma_start3A_488 = arith.constant 0 : i32
    %dma_start3A_489 = tpu.memref_slice %arg3[%dma_start3A_488, %multiple_of3A_487] : memref<32x1000000xf32, #tpu.memory_space<hbm>> -> memref<32x128xf32, #tpu.memory_space<hbm>>
    %dma_start3A_490 = arith.constant 0 : i32
    %dma_start3A_491 = tpu.memref_slice %arg3[%dma_start3A_490, %multiple_of3A_487] : memref<32x1000000xf32, #tpu.memory_space<hbm>> -> memref<32x128xf32, #tpu.memory_space<hbm>>
    tpu.enqueue_dma source(%dma_start3A_491 : memref<32x128xf32, #tpu.memory_space<hbm>>) target(%arg16 : memref<32x128xf32, #tpu.memory_space<vmem>>) target_semaphore(%arg24 : memref<!tpu.dma_semaphore, #tpu.memory_space<semaphore_mem>>)
    %min3A_492 = arith.constant 7 : i32
    %min3A_493 = arith.constant 127 : i32
    %min3A_494 = arith.minsi %min3A_492, %min3A_493 : i32
    %shift_right_arithmetic3A_495 = arith.constant 4 : i32
    %shift_right_arithmetic3A_496 = arith.shrsi %min3A_494, %shift_right_arithmetic3A_495 : i32
    %shift_left3A_497 = arith.constant 4 : i32
    %shift_left3A_498 = arith.shli %shift_right_arithmetic3A_496, %shift_left3A_497 : i32
    %multiple_of3A_499 = tpu.assume_multiple %shift_left3A_498, 16 : i32
    %get3A_500 = arith.index_cast %multiple_of3A_499 : i32 to index
    %get3A_501 = tpu.vector_load %arg8[%get3A_500] {strides = array<i32>} : memref<128xi32, #tpu.memory_space<vmem>>, vector<16xi32>,
    %and3A_502 = arith.constant 15 : i32
    %and3A_503 = arith.andi %min3A_494, %and3A_502 : i32
    %eq3A_504 = vector.broadcast %and3A_503 : i32 to vector<16xi32>
    %eq3A_505 = arith.cmpi eq, %iota3A, %eq3A_504 : vector<16xi32>
    %jit3A_506 = arith.constant 0 : i32
    %broadcast_in_dim3A_507 = vector.broadcast %jit3A_506 : i32 to vector<16xi32>
    %select_n3A_508 = arith.select %eq3A_505, %get3A_501, %broadcast_in_dim3A_507 : vector<16xi1>, vector<16xi32>
    %reduce_sum3A_509 = arith.constant true
    %reduce_sum3A_510 = vector.broadcast %reduce_sum3A_509 : i1 to vector<16xi1>
    %reduce_sum3A_511 = tpu.scan <sum>, %select_n3A_508 masked %reduce_sum3A_510 : vector<16xi32>, vector<16xi1> -> vector<16xi32>
    %reduce_sum3A_512 = vector.extract %reduce_sum3A_511[15] : i32 from vector<16xi32>
    %shift_right_arithmetic3A_513 = arith.constant 7 : i32
    %shift_right_arithmetic3A_514 = arith.shrsi %reduce_sum3A_512, %shift_right_arithmetic3A_513 : i32
    %shift_left3A_515 = arith.constant 7 : i32
    %shift_left3A_516 = arith.shli %shift_right_arithmetic3A_514, %shift_left3A_515 : i32
    %multiple_of3A_517 = tpu.assume_multiple %shift_left3A_516, 128 : i32
    %dma_start3A_518 = arith.constant 0 : i32
    %dma_start3A_519 = tpu.memref_slice %arg3[%dma_start3A_518, %multiple_of3A_517] : memref<32x1000000xf32, #tpu.memory_space<hbm>> -> memref<32x128xf32, #tpu.memory_space<hbm>>
    %dma_start3A_520 = arith.constant 0 : i32
    %dma_start3A_521 = tpu.memref_slice %arg3[%dma_start3A_520, %multiple_of3A_517] : memref<32x1000000xf32, #tpu.memory_space<hbm>> -> memref<32x128xf32, #tpu.memory_space<hbm>>
    tpu.enqueue_dma source(%dma_start3A_521 : memref<32x128xf32, #tpu.memory_space<hbm>>) target(%arg17 : memref<32x128xf32, #tpu.memory_space<vmem>>) target_semaphore(%arg25 : memref<!tpu.dma_semaphore, #tpu.memory_space<semaphore_mem>>)
    %scan3A_522 = arith.constant 0 : i32
    %scan3A_523 = arith.constant 16 : i32
    %scan3A_524 = arith.addi %scan3A_522, %scan3A_523 : i32
    %scan3A_525 = arith.constant 1 : i32
    scf.for %scan3A_575 = %scan3A_522 to %scan3A_524 step %scan3A_525  : i32 {
      %mul3A_576 = arith.constant 8 : i32
      %mul3A_577 = arith.muli %scan3A_575, %mul3A_576 : i32
      %add3A_578 = arith.constant 0 : i32
      %add3A_579 = arith.addi %add3A_578, %mul3A_577 : i32
      %dma_wait3A_580 = arith.constant 0 : i32
      %dma_wait3A_581 = arith.constant 0 : i32
      %dma_wait3A_582 = tpu.memref_slice %arg3[%dma_wait3A_580, %dma_wait3A_581] : memref<32x1000000xf32, #tpu.memory_space<hbm>> -> memref<32x128xf32, #tpu.memory_space<hbm>>
      %dma_wait3A_583 = arith.constant 0 : i32
      %dma_wait3A_584 = arith.constant 0 : i32
      %dma_wait3A_585 = tpu.memref_slice %arg3[%dma_wait3A_583, %dma_wait3A_584] : memref<32x1000000xf32, #tpu.memory_space<hbm>> -> memref<32x128xf32, #tpu.memory_space<hbm>>
      tpu.wait_dma2 semaphore(%arg18 : memref<!tpu.dma_semaphore, #tpu.memory_space<semaphore_mem>>) src(%dma_wait3A_585 : memref<32x128xf32, #tpu.memory_space<hbm>>) dst(%arg10 : memref<32x128xf32, #tpu.memory_space<vmem>>)
      %add3A_586 = arith.constant 0 : i32
      %add3A_587 = arith.addi %add3A_579, %add3A_586 : i32
      %shift_right_arithmetic3A_588 = arith.constant 4 : i32
      %shift_right_arithmetic3A_589 = arith.shrsi %add3A_587, %shift_right_arithmetic3A_588 : i32
      %shift_left3A_590 = arith.constant 4 : i32
      %shift_left3A_591 = arith.shli %shift_right_arithmetic3A_589, %shift_left3A_590 : i32
      %multiple_of3A_592 = tpu.assume_multiple %shift_left3A_591, 16 : i32
      %get3A_593 = arith.index_cast %multiple_of3A_592 : i32 to index
      %get3A_594 = tpu.vector_load %arg8[%get3A_593] {strides = array<i32>} : memref<128xi32, #tpu.memory_space<vmem>>, vector<16xi32>,
      %and3A_595 = arith.constant 15 : i32
      %and3A_596 = arith.andi %add3A_587, %and3A_595 : i32
      %eq3A_597 = vector.broadcast %and3A_596 : i32 to vector<16xi32>
      %eq3A_598 = arith.cmpi eq, %iota3A, %eq3A_597 : vector<16xi32>
      %jit3A_599 = arith.constant 0 : i32
      %broadcast_in_dim3A_600 = vector.broadcast %jit3A_599 : i32 to vector<16xi32>
      %select_n3A_601 = arith.select %eq3A_598, %get3A_594, %broadcast_in_dim3A_600 : vector<16xi1>, vector<16xi32>
      %reduce_sum3A_602 = arith.constant true
      %reduce_sum3A_603 = vector.broadcast %reduce_sum3A_602 : i1 to vector<16xi1>
      %reduce_sum3A_604 = tpu.scan <sum>, %select_n3A_601 masked %reduce_sum3A_603 : vector<16xi32>, vector<16xi1> -> vector<16xi32>
      %reduce_sum3A_605 = vector.extract %reduce_sum3A_604[15] : i32 from vector<16xi32>
      %and3A_606 = arith.constant 127 : i32
      %and3A_607 = arith.andi %reduce_sum3A_605, %and3A_606 : i32
      %broadcast_in_dim3A_608 = vector.broadcast %and3A_607 : i32 to vector<16xi32>
      %gather3A = tpu.vector_load_idx %arg10[%iota3A, %broadcast_in_dim3A_608] : memref<32x128xf32, #tpu.memory_space<vmem>>[vector<16xi32>, vector<16xi32>], vector<16xf32>,
      %swap3A = arith.index_cast %add3A_587 : i32 to index
      %swap3A_609 = arith.constant 0 : index
      %swap3A_610 = tpu.vector_load %arg9[%swap3A, %swap3A_609] {strides = array<i32>} : memref<128x32xf32, #tpu.memory_space<vmem>>, vector<16xf32>,
      tpu.vector_store %arg9[%swap3A, %swap3A_609], %gather3A {strides = array<i32>} : memref<128x32xf32, #tpu.memory_space<vmem>>, vector<16xf32>,
      %add3A_611 = arith.constant 16 : i32
      %add3A_612 = vector.broadcast %add3A_611 : i32 to vector<16xi32>
      %add3A_613 = arith.addi %iota3A, %add3A_612 : vector<16xi32>
      %gather3A_614 = tpu.vector_load_idx %arg10[%add3A_613, %broadcast_in_dim3A_608] : memref<32x128xf32, #tpu.memory_space<vmem>>[vector<16xi32>, vector<16xi32>], vector<16xf32>,
      %swap3A_615 = arith.index_cast %add3A_587 : i32 to index
      %swap3A_616 = arith.constant 16 : index
      %swap3A_617 = tpu.vector_load %arg9[%swap3A_615, %swap3A_616] {strides = array<i32>} : memref<128x32xf32, #tpu.memory_space<vmem>>, vector<16xf32>,
      tpu.vector_store %arg9[%swap3A_615, %swap3A_616], %gather3A_614 {strides = array<i32>} : memref<128x32xf32, #tpu.memory_space<vmem>>, vector<16xf32>,
      %add3A_618 = arith.constant 0 : i32
      %add3A_619 = arith.addi %add3A_579, %add3A_618 : i32
      %add3A_620 = arith.constant 8 : i32
      %add3A_621 = arith.addi %add3A_619, %add3A_620 : i32
      %min3A_622 = arith.constant 127 : i32
      %min3A_623 = arith.minsi %add3A_621, %min3A_622 : i32
      %shift_right_arithmetic3A_624 = arith.constant 4 : i32
      %shift_right_arithmetic3A_625 = arith.shrsi %min3A_623, %shift_right_arithmetic3A_624 : i32
      %shift_left3A_626 = arith.constant 4 : i32
      %shift_left3A_627 = arith.shli %shift_right_arithmetic3A_625, %shift_left3A_626 : i32
      %multiple_of3A_628 = tpu.assume_multiple %shift_left3A_627, 16 : i32
      %get3A_629 = arith.index_cast %multiple_of3A_628 : i32 to index
      %get3A_630 = tpu.vector_load %arg8[%get3A_629] {strides = array<i32>} : memref<128xi32, #tpu.memory_space<vmem>>, vector<16xi32>,
      %and3A_631 = arith.constant 15 : i32
      %and3A_632 = arith.andi %min3A_623, %and3A_631 : i32
      %eq3A_633 = vector.broadcast %and3A_632 : i32 to vector<16xi32>
      %eq3A_634 = arith.cmpi eq, %iota3A, %eq3A_633 : vector<16xi32>
      %jit3A_635 = arith.constant 0 : i32
      %broadcast_in_dim3A_636 = vector.broadcast %jit3A_635 : i32 to vector<16xi32>
      %select_n3A_637 = arith.select %eq3A_634, %get3A_630, %broadcast_in_dim3A_636 : vector<16xi1>, vector<16xi32>
      %reduce_sum3A_638 = arith.constant true
      %reduce_sum3A_639 = vector.broadcast %reduce_sum3A_638 : i1 to vector<16xi1>
      %reduce_sum3A_640 = tpu.scan <sum>, %select_n3A_637 masked %reduce_sum3A_639 : vector<16xi32>, vector<16xi1> -> vector<16xi32>
      %reduce_sum3A_641 = vector.extract %reduce_sum3A_640[15] : i32 from vector<16xi32>
      %shift_right_arithmetic3A_642 = arith.constant 7 : i32
      %shift_right_arithmetic3A_643 = arith.shrsi %reduce_sum3A_641, %shift_right_arithmetic3A_642 : i32
      %shift_left3A_644 = arith.constant 7 : i32
      %shift_left3A_645 = arith.shli %shift_right_arithmetic3A_643, %shift_left3A_644 : i32
      %multiple_of3A_646 = tpu.assume_multiple %shift_left3A_645, 128 : i32
      %dma_start3A_647 = arith.constant 0 : i32
      %dma_start3A_648 = tpu.memref_slice %arg3[%dma_start3A_647, %multiple_of3A_646] : memref<32x1000000xf32, #tpu.memory_space<hbm>> -> memref<32x128xf32, #tpu.memory_space<hbm>>
      %dma_start3A_649 = arith.constant 0 : i32
      %dma_start3A_650 = tpu.memref_slice %arg3[%dma_start3A_649, %multiple_of3A_646] : memref<32x1000000xf32, #tpu.memory_space<hbm>> -> memref<32x128xf32, #tpu.memory_space<hbm>>
      tpu.enqueue_dma source(%dma_start3A_650 : memref<32x128xf32, #tpu.memory_space<hbm>>) target(%arg10 : memref<32x128xf32, #tpu.memory_space<vmem>>) target_semaphore(%arg18 : memref<!tpu.dma_semaphore, #tpu.memory_space<semaphore_mem>>)
      %dma_wait3A_651 = arith.constant 0 : i32
      %dma_wait3A_652 = arith.constant 0 : i32
      %dma_wait3A_653 = tpu.memref_slice %arg3[%dma_wait3A_651, %dma_wait3A_652] : memref<32x1000000xf32, #tpu.memory_space<hbm>> -> memref<32x128xf32, #tpu.memory_space<hbm>>
      %dma_wait3A_654 = arith.constant 0 : i32
      %dma_wait3A_655 = arith.constant 0 : i32
      %dma_wait3A_656 = tpu.memref_slice %arg3[%dma_wait3A_654, %dma_wait3A_655] : memref<32x1000000xf32, #tpu.memory_space<hbm>> -> memref<32x128xf32, #tpu.memory_space<hbm>>
      tpu.wait_dma2 semaphore(%arg19 : memref<!tpu.dma_semaphore, #tpu.memory_space<semaphore_mem>>) src(%dma_wait3A_656 : memref<32x128xf32, #tpu.memory_space<hbm>>) dst(%arg11 : memref<32x128xf32, #tpu.memory_space<vmem>>)
      %add3A_657 = arith.constant 1 : i32
      %add3A_658 = arith.addi %add3A_579, %add3A_657 : i32
      %shift_right_arithmetic3A_659 = arith.constant 4 : i32
      %shift_right_arithmetic3A_660 = arith.shrsi %add3A_658, %shift_right_arithmetic3A_659 : i32
      %shift_left3A_661 = arith.constant 4 : i32
      %shift_left3A_662 = arith.shli %shift_right_arithmetic3A_660, %shift_left3A_661 : i32
      %multiple_of3A_663 = tpu.assume_multiple %shift_left3A_662, 16 : i32
      %get3A_664 = arith.index_cast %multiple_of3A_663 : i32 to index
      %get3A_665 = tpu.vector_load %arg8[%get3A_664] {strides = array<i32>} : memref<128xi32, #tpu.memory_space<vmem>>, vector<16xi32>,
      %and3A_666 = arith.constant 15 : i32
      %and3A_667 = arith.andi %add3A_658, %and3A_666 : i32
      %eq3A_668 = vector.broadcast %and3A_667 : i32 to vector<16xi32>
      %eq3A_669 = arith.cmpi eq, %iota3A, %eq3A_668 : vector<16xi32>
      %jit3A_670 = arith.constant 0 : i32
      %broadcast_in_dim3A_671 = vector.broadcast %jit3A_670 : i32 to vector<16xi32>
      %select_n3A_672 = arith.select %eq3A_669, %get3A_665, %broadcast_in_dim3A_671 : vector<16xi1>, vector<16xi32>
      %reduce_sum3A_673 = arith.constant true
      %reduce_sum3A_674 = vector.broadcast %reduce_sum3A_673 : i1 to vector<16xi1>
      %reduce_sum3A_675 = tpu.scan <sum>, %select_n3A_672 masked %reduce_sum3A_674 : vector<16xi32>, vector<16xi1> -> vector<16xi32>
      %reduce_sum3A_676 = vector.extract %reduce_sum3A_675[15] : i32 from vector<16xi32>
      %and3A_677 = arith.constant 127 : i32
      %and3A_678 = arith.andi %reduce_sum3A_676, %and3A_677 : i32
      %broadcast_in_dim3A_679 = vector.broadcast %and3A_678 : i32 to vector<16xi32>
      %gather3A_680 = tpu.vector_load_idx %arg11[%iota3A, %broadcast_in_dim3A_679] : memref<32x128xf32, #tpu.memory_space<vmem>>[vector<16xi32>, vector<16xi32>], vector<16xf32>,
      %swap3A_681 = arith.index_cast %add3A_658 : i32 to index
      %swap3A_682 = arith.constant 0 : index
      %swap3A_683 = tpu.vector_load %arg9[%swap3A_681, %swap3A_682] {strides = array<i32>} : memref<128x32xf32, #tpu.memory_space<vmem>>, vector<16xf32>,
      tpu.vector_store %arg9[%swap3A_681, %swap3A_682], %gather3A_680 {strides = array<i32>} : memref<128x32xf32, #tpu.memory_space<vmem>>, vector<16xf32>,
      %add3A_684 = arith.constant 16 : i32
      %add3A_685 = vector.broadcast %add3A_684 : i32 to vector<16xi32>
      %add3A_686 = arith.addi %iota3A, %add3A_685 : vector<16xi32>
      %gather3A_687 = tpu.vector_load_idx %arg11[%add3A_686, %broadcast_in_dim3A_679] : memref<32x128xf32, #tpu.memory_space<vmem>>[vector<16xi32>, vector<16xi32>], vector<16xf32>,
      %swap3A_688 = arith.index_cast %add3A_658 : i32 to index
      %swap3A_689 = arith.constant 16 : index
      %swap3A_690 = tpu.vector_load %arg9[%swap3A_688, %swap3A_689] {strides = array<i32>} : memref<128x32xf32, #tpu.memory_space<vmem>>, vector<16xf32>,
      tpu.vector_store %arg9[%swap3A_688, %swap3A_689], %gather3A_687 {strides = array<i32>} : memref<128x32xf32, #tpu.memory_space<vmem>>, vector<16xf32>,
      %add3A_691 = arith.constant 1 : i32
      %add3A_692 = arith.addi %add3A_579, %add3A_691 : i32
      %add3A_693 = arith.constant 8 : i32
      %add3A_694 = arith.addi %add3A_692, %add3A_693 : i32
      %min3A_695 = arith.constant 127 : i32
      %min3A_696 = arith.minsi %add3A_694, %min3A_695 : i32
      %shift_right_arithmetic3A_697 = arith.constant 4 : i32
      %shift_right_arithmetic3A_698 = arith.shrsi %min3A_696, %shift_right_arithmetic3A_697 : i32
      %shift_left3A_699 = arith.constant 4 : i32
      %shift_left3A_700 = arith.shli %shift_right_arithmetic3A_698, %shift_left3A_699 : i32
      %multiple_of3A_701 = tpu.assume_multiple %shift_left3A_700, 16 : i32
      %get3A_702 = arith.index_cast %multiple_of3A_701 : i32 to index
      %get3A_703 = tpu.vector_load %arg8[%get3A_702] {strides = array<i32>} : memref<128xi32, #tpu.memory_space<vmem>>, vector<16xi32>,
      %and3A_704 = arith.constant 15 : i32
      %and3A_705 = arith.andi %min3A_696, %and3A_704 : i32
      %eq3A_706 = vector.broadcast %and3A_705 : i32 to vector<16xi32>
      %eq3A_707 = arith.cmpi eq, %iota3A, %eq3A_706 : vector<16xi32>
      %jit3A_708 = arith.constant 0 : i32
      %broadcast_in_dim3A_709 = vector.broadcast %jit3A_708 : i32 to vector<16xi32>
      %select_n3A_710 = arith.select %eq3A_707, %get3A_703, %broadcast_in_dim3A_709 : vector<16xi1>, vector<16xi32>
      %reduce_sum3A_711 = arith.constant true
      %reduce_sum3A_712 = vector.broadcast %reduce_sum3A_711 : i1 to vector<16xi1>
      %reduce_sum3A_713 = tpu.scan <sum>, %select_n3A_710 masked %reduce_sum3A_712 : vector<16xi32>, vector<16xi1> -> vector<16xi32>
      %reduce_sum3A_714 = vector.extract %reduce_sum3A_713[15] : i32 from vector<16xi32>
      %shift_right_arithmetic3A_715 = arith.constant 7 : i32
      %shift_right_arithmetic3A_716 = arith.shrsi %reduce_sum3A_714, %shift_right_arithmetic3A_715 : i32
      %shift_left3A_717 = arith.constant 7 : i32
      %shift_left3A_718 = arith.shli %shift_right_arithmetic3A_716, %shift_left3A_717 : i32
      %multiple_of3A_719 = tpu.assume_multiple %shift_left3A_718, 128 : i32
      %dma_start3A_720 = arith.constant 0 : i32
      %dma_start3A_721 = tpu.memref_slice %arg3[%dma_start3A_720, %multiple_of3A_719] : memref<32x1000000xf32, #tpu.memory_space<hbm>> -> memref<32x128xf32, #tpu.memory_space<hbm>>
      %dma_start3A_722 = arith.constant 0 : i32
      %dma_start3A_723 = tpu.memref_slice %arg3[%dma_start3A_722, %multiple_of3A_719] : memref<32x1000000xf32, #tpu.memory_space<hbm>> -> memref<32x128xf32, #tpu.memory_space<hbm>>
      tpu.enqueue_dma source(%dma_start3A_723 : memref<32x128xf32, #tpu.memory_space<hbm>>) target(%arg11 : memref<32x128xf32, #tpu.memory_space<vmem>>) target_semaphore(%arg19 : memref<!tpu.dma_semaphore, #tpu.memory_space<semaphore_mem>>)
      %dma_wait3A_724 = arith.constant 0 : i32
      %dma_wait3A_725 = arith.constant 0 : i32
      %dma_wait3A_726 = tpu.memref_slice %arg3[%dma_wait3A_724, %dma_wait3A_725] : memref<32x1000000xf32, #tpu.memory_space<hbm>> -> memref<32x128xf32, #tpu.memory_space<hbm>>
      %dma_wait3A_727 = arith.constant 0 : i32
      %dma_wait3A_728 = arith.constant 0 : i32
      %dma_wait3A_729 = tpu.memref_slice %arg3[%dma_wait3A_727, %dma_wait3A_728] : memref<32x1000000xf32, #tpu.memory_space<hbm>> -> memref<32x128xf32, #tpu.memory_space<hbm>>
      tpu.wait_dma2 semaphore(%arg20 : memref<!tpu.dma_semaphore, #tpu.memory_space<semaphore_mem>>) src(%dma_wait3A_729 : memref<32x128xf32, #tpu.memory_space<hbm>>) dst(%arg12 : memref<32x128xf32, #tpu.memory_space<vmem>>)
      %add3A_730 = arith.constant 2 : i32
      %add3A_731 = arith.addi %add3A_579, %add3A_730 : i32
      %shift_right_arithmetic3A_732 = arith.constant 4 : i32
      %shift_right_arithmetic3A_733 = arith.shrsi %add3A_731, %shift_right_arithmetic3A_732 : i32
      %shift_left3A_734 = arith.constant 4 : i32
      %shift_left3A_735 = arith.shli %shift_right_arithmetic3A_733, %shift_left3A_734 : i32
      %multiple_of3A_736 = tpu.assume_multiple %shift_left3A_735, 16 : i32
      %get3A_737 = arith.index_cast %multiple_of3A_736 : i32 to index
      %get3A_738 = tpu.vector_load %arg8[%get3A_737] {strides = array<i32>} : memref<128xi32, #tpu.memory_space<vmem>>, vector<16xi32>,
      %and3A_739 = arith.constant 15 : i32
      %and3A_740 = arith.andi %add3A_731, %and3A_739 : i32
      %eq3A_741 = vector.broadcast %and3A_740 : i32 to vector<16xi32>
      %eq3A_742 = arith.cmpi eq, %iota3A, %eq3A_741 : vector<16xi32>
      %jit3A_743 = arith.constant 0 : i32
      %broadcast_in_dim3A_744 = vector.broadcast %jit3A_743 : i32 to vector<16xi32>
      %select_n3A_745 = arith.select %eq3A_742, %get3A_738, %broadcast_in_dim3A_744 : vector<16xi1>, vector<16xi32>
      %reduce_sum3A_746 = arith.constant true
      %reduce_sum3A_747 = vector.broadcast %reduce_sum3A_746 : i1 to vector<16xi1>
      %reduce_sum3A_748 = tpu.scan <sum>, %select_n3A_745 masked %reduce_sum3A_747 : vector<16xi32>, vector<16xi1> -> vector<16xi32>
      %reduce_sum3A_749 = vector.extract %reduce_sum3A_748[15] : i32 from vector<16xi32>
      %and3A_750 = arith.constant 127 : i32
      %and3A_751 = arith.andi %reduce_sum3A_749, %and3A_750 : i32
      %broadcast_in_dim3A_752 = vector.broadcast %and3A_751 : i32 to vector<16xi32>
      %gather3A_753 = tpu.vector_load_idx %arg12[%iota3A, %broadcast_in_dim3A_752] : memref<32x128xf32, #tpu.memory_space<vmem>>[vector<16xi32>, vector<16xi32>], vector<16xf32>,
      %swap3A_754 = arith.index_cast %add3A_731 : i32 to index
      %swap3A_755 = arith.constant 0 : index
      %swap3A_756 = tpu.vector_load %arg9[%swap3A_754, %swap3A_755] {strides = array<i32>} : memref<128x32xf32, #tpu.memory_space<vmem>>, vector<16xf32>,
      tpu.vector_store %arg9[%swap3A_754, %swap3A_755], %gather3A_753 {strides = array<i32>} : memref<128x32xf32, #tpu.memory_space<vmem>>, vector<16xf32>,
      %add3A_757 = arith.constant 16 : i32
      %add3A_758 = vector.broadcast %add3A_757 : i32 to vector<16xi32>
      %add3A_759 = arith.addi %iota3A, %add3A_758 : vector<16xi32>
      %gather3A_760 = tpu.vector_load_idx %arg12[%add3A_759, %broadcast_in_dim3A_752] : memref<32x128xf32, #tpu.memory_space<vmem>>[vector<16xi32>, vector<16xi32>], vector<16xf32>,
      %swap3A_761 = arith.index_cast %add3A_731 : i32 to index
      %swap3A_762 = arith.constant 16 : index
      %swap3A_763 = tpu.vector_load %arg9[%swap3A_761, %swap3A_762] {strides = array<i32>} : memref<128x32xf32, #tpu.memory_space<vmem>>, vector<16xf32>,
      tpu.vector_store %arg9[%swap3A_761, %swap3A_762], %gather3A_760 {strides = array<i32>} : memref<128x32xf32, #tpu.memory_space<vmem>>, vector<16xf32>,
      %add3A_764 = arith.constant 2 : i32
      %add3A_765 = arith.addi %add3A_579, %add3A_764 : i32
      %add3A_766 = arith.constant 8 : i32
      %add3A_767 = arith.addi %add3A_765, %add3A_766 : i32
      %min3A_768 = arith.constant 127 : i32
      %min3A_769 = arith.minsi %add3A_767, %min3A_768 : i32
      %shift_right_arithmetic3A_770 = arith.constant 4 : i32
      %shift_right_arithmetic3A_771 = arith.shrsi %min3A_769, %shift_right_arithmetic3A_770 : i32
      %shift_left3A_772 = arith.constant 4 : i32
      %shift_left3A_773 = arith.shli %shift_right_arithmetic3A_771, %shift_left3A_772 : i32
      %multiple_of3A_774 = tpu.assume_multiple %shift_left3A_773, 16 : i32
      %get3A_775 = arith.index_cast %multiple_of3A_774 : i32 to index
      %get3A_776 = tpu.vector_load %arg8[%get3A_775] {strides = array<i32>} : memref<128xi32, #tpu.memory_space<vmem>>, vector<16xi32>,
      %and3A_777 = arith.constant 15 : i32
      %and3A_778 = arith.andi %min3A_769, %and3A_777 : i32
      %eq3A_779 = vector.broadcast %and3A_778 : i32 to vector<16xi32>
      %eq3A_780 = arith.cmpi eq, %iota3A, %eq3A_779 : vector<16xi32>
      %jit3A_781 = arith.constant 0 : i32
      %broadcast_in_dim3A_782 = vector.broadcast %jit3A_781 : i32 to vector<16xi32>
      %select_n3A_783 = arith.select %eq3A_780, %get3A_776, %broadcast_in_dim3A_782 : vector<16xi1>, vector<16xi32>
      %reduce_sum3A_784 = arith.constant true
      %reduce_sum3A_785 = vector.broadcast %reduce_sum3A_784 : i1 to vector<16xi1>
      %reduce_sum3A_786 = tpu.scan <sum>, %select_n3A_783 masked %reduce_sum3A_785 : vector<16xi32>, vector<16xi1> -> vector<16xi32>
      %reduce_sum3A_787 = vector.extract %reduce_sum3A_786[15] : i32 from vector<16xi32>
      %shift_right_arithmetic3A_788 = arith.constant 7 : i32
      %shift_right_arithmetic3A_789 = arith.shrsi %reduce_sum3A_787, %shift_right_arithmetic3A_788 : i32
      %shift_left3A_790 = arith.constant 7 : i32
      %shift_left3A_791 = arith.shli %shift_right_arithmetic3A_789, %shift_left3A_790 : i32
      %multiple_of3A_792 = tpu.assume_multiple %shift_left3A_791, 128 : i32
      %dma_start3A_793 = arith.constant 0 : i32
      %dma_start3A_794 = tpu.memref_slice %arg3[%dma_start3A_793, %multiple_of3A_792] : memref<32x1000000xf32, #tpu.memory_space<hbm>> -> memref<32x128xf32, #tpu.memory_space<hbm>>
      %dma_start3A_795 = arith.constant 0 : i32
      %dma_start3A_796 = tpu.memref_slice %arg3[%dma_start3A_795, %multiple_of3A_792] : memref<32x1000000xf32, #tpu.memory_space<hbm>> -> memref<32x128xf32, #tpu.memory_space<hbm>>
      tpu.enqueue_dma source(%dma_start3A_796 : memref<32x128xf32, #tpu.memory_space<hbm>>) target(%arg12 : memref<32x128xf32, #tpu.memory_space<vmem>>) target_semaphore(%arg20 : memref<!tpu.dma_semaphore, #tpu.memory_space<semaphore_mem>>)
      %dma_wait3A_797 = arith.constant 0 : i32
      %dma_wait3A_798 = arith.constant 0 : i32
      %dma_wait3A_799 = tpu.memref_slice %arg3[%dma_wait3A_797, %dma_wait3A_798] : memref<32x1000000xf32, #tpu.memory_space<hbm>> -> memref<32x128xf32, #tpu.memory_space<hbm>>
      %dma_wait3A_800 = arith.constant 0 : i32
      %dma_wait3A_801 = arith.constant 0 : i32
      %dma_wait3A_802 = tpu.memref_slice %arg3[%dma_wait3A_800, %dma_wait3A_801] : memref<32x1000000xf32, #tpu.memory_space<hbm>> -> memref<32x128xf32, #tpu.memory_space<hbm>>
      tpu.wait_dma2 semaphore(%arg21 : memref<!tpu.dma_semaphore, #tpu.memory_space<semaphore_mem>>) src(%dma_wait3A_802 : memref<32x128xf32, #tpu.memory_space<hbm>>) dst(%arg13 : memref<32x128xf32, #tpu.memory_space<vmem>>)
      %add3A_803 = arith.constant 3 : i32
      %add3A_804 = arith.addi %add3A_579, %add3A_803 : i32
      %shift_right_arithmetic3A_805 = arith.constant 4 : i32
      %shift_right_arithmetic3A_806 = arith.shrsi %add3A_804, %shift_right_arithmetic3A_805 : i32
      %shift_left3A_807 = arith.constant 4 : i32
      %shift_left3A_808 = arith.shli %shift_right_arithmetic3A_806, %shift_left3A_807 : i32
      %multiple_of3A_809 = tpu.assume_multiple %shift_left3A_808, 16 : i32
      %get3A_810 = arith.index_cast %multiple_of3A_809 : i32 to index
      %get3A_811 = tpu.vector_load %arg8[%get3A_810] {strides = array<i32>} : memref<128xi32, #tpu.memory_space<vmem>>, vector<16xi32>,
      %and3A_812 = arith.constant 15 : i32
      %and3A_813 = arith.andi %add3A_804, %and3A_812 : i32
      %eq3A_814 = vector.broadcast %and3A_813 : i32 to vector<16xi32>
      %eq3A_815 = arith.cmpi eq, %iota3A, %eq3A_814 : vector<16xi32>
      %jit3A_816 = arith.constant 0 : i32
      %broadcast_in_dim3A_817 = vector.broadcast %jit3A_816 : i32 to vector<16xi32>
      %select_n3A_818 = arith.select %eq3A_815, %get3A_811, %broadcast_in_dim3A_817 : vector<16xi1>, vector<16xi32>
      %reduce_sum3A_819 = arith.constant true
      %reduce_sum3A_820 = vector.broadcast %reduce_sum3A_819 : i1 to vector<16xi1>
      %reduce_sum3A_821 = tpu.scan <sum>, %select_n3A_818 masked %reduce_sum3A_820 : vector<16xi32>, vector<16xi1> -> vector<16xi32>
      %reduce_sum3A_822 = vector.extract %reduce_sum3A_821[15] : i32 from vector<16xi32>
      %and3A_823 = arith.constant 127 : i32
      %and3A_824 = arith.andi %reduce_sum3A_822, %and3A_823 : i32
      %broadcast_in_dim3A_825 = vector.broadcast %and3A_824 : i32 to vector<16xi32>
      %gather3A_826 = tpu.vector_load_idx %arg13[%iota3A, %broadcast_in_dim3A_825] : memref<32x128xf32, #tpu.memory_space<vmem>>[vector<16xi32>, vector<16xi32>], vector<16xf32>,
      %swap3A_827 = arith.index_cast %add3A_804 : i32 to index
      %swap3A_828 = arith.constant 0 : index
      %swap3A_829 = tpu.vector_load %arg9[%swap3A_827, %swap3A_828] {strides = array<i32>} : memref<128x32xf32, #tpu.memory_space<vmem>>, vector<16xf32>,
      tpu.vector_store %arg9[%swap3A_827, %swap3A_828], %gather3A_826 {strides = array<i32>} : memref<128x32xf32, #tpu.memory_space<vmem>>, vector<16xf32>,
      %add3A_830 = arith.constant 16 : i32
      %add3A_831 = vector.broadcast %add3A_830 : i32 to vector<16xi32>
      %add3A_832 = arith.addi %iota3A, %add3A_831 : vector<16xi32>
      %gather3A_833 = tpu.vector_load_idx %arg13[%add3A_832, %broadcast_in_dim3A_825] : memref<32x128xf32, #tpu.memory_space<vmem>>[vector<16xi32>, vector<16xi32>], vector<16xf32>,
      %swap3A_834 = arith.index_cast %add3A_804 : i32 to index
      %swap3A_835 = arith.constant 16 : index
      %swap3A_836 = tpu.vector_load %arg9[%swap3A_834, %swap3A_835] {strides = array<i32>} : memref<128x32xf32, #tpu.memory_space<vmem>>, vector<16xf32>,
      tpu.vector_store %arg9[%swap3A_834, %swap3A_835], %gather3A_833 {strides = array<i32>} : memref<128x32xf32, #tpu.memory_space<vmem>>, vector<16xf32>,
      %add3A_837 = arith.constant 3 : i32
      %add3A_838 = arith.addi %add3A_579, %add3A_837 : i32
      %add3A_839 = arith.constant 8 : i32
      %add3A_840 = arith.addi %add3A_838, %add3A_839 : i32
      %min3A_841 = arith.constant 127 : i32
      %min3A_842 = arith.minsi %add3A_840, %min3A_841 : i32
      %shift_right_arithmetic3A_843 = arith.constant 4 : i32
      %shift_right_arithmetic3A_844 = arith.shrsi %min3A_842, %shift_right_arithmetic3A_843 : i32
      %shift_left3A_845 = arith.constant 4 : i32
      %shift_left3A_846 = arith.shli %shift_right_arithmetic3A_844, %shift_left3A_845 : i32
      %multiple_of3A_847 = tpu.assume_multiple %shift_left3A_846, 16 : i32
      %get3A_848 = arith.index_cast %multiple_of3A_847 : i32 to index
      %get3A_849 = tpu.vector_load %arg8[%get3A_848] {strides = array<i32>} : memref<128xi32, #tpu.memory_space<vmem>>, vector<16xi32>,
      %and3A_850 = arith.constant 15 : i32
      %and3A_851 = arith.andi %min3A_842, %and3A_850 : i32
      %eq3A_852 = vector.broadcast %and3A_851 : i32 to vector<16xi32>
      %eq3A_853 = arith.cmpi eq, %iota3A, %eq3A_852 : vector<16xi32>
      %jit3A_854 = arith.constant 0 : i32
      %broadcast_in_dim3A_855 = vector.broadcast %jit3A_854 : i32 to vector<16xi32>
      %select_n3A_856 = arith.select %eq3A_853, %get3A_849, %broadcast_in_dim3A_855 : vector<16xi1>, vector<16xi32>
      %reduce_sum3A_857 = arith.constant true
      %reduce_sum3A_858 = vector.broadcast %reduce_sum3A_857 : i1 to vector<16xi1>
      %reduce_sum3A_859 = tpu.scan <sum>, %select_n3A_856 masked %reduce_sum3A_858 : vector<16xi32>, vector<16xi1> -> vector<16xi32>
      %reduce_sum3A_860 = vector.extract %reduce_sum3A_859[15] : i32 from vector<16xi32>
      %shift_right_arithmetic3A_861 = arith.constant 7 : i32
      %shift_right_arithmetic3A_862 = arith.shrsi %reduce_sum3A_860, %shift_right_arithmetic3A_861 : i32
      %shift_left3A_863 = arith.constant 7 : i32
      %shift_left3A_864 = arith.shli %shift_right_arithmetic3A_862, %shift_left3A_863 : i32
      %multiple_of3A_865 = tpu.assume_multiple %shift_left3A_864, 128 : i32
      %dma_start3A_866 = arith.constant 0 : i32
      %dma_start3A_867 = tpu.memref_slice %arg3[%dma_start3A_866, %multiple_of3A_865] : memref<32x1000000xf32, #tpu.memory_space<hbm>> -> memref<32x128xf32, #tpu.memory_space<hbm>>
      %dma_start3A_868 = arith.constant 0 : i32
      %dma_start3A_869 = tpu.memref_slice %arg3[%dma_start3A_868, %multiple_of3A_865] : memref<32x1000000xf32, #tpu.memory_space<hbm>> -> memref<32x128xf32, #tpu.memory_space<hbm>>
      tpu.enqueue_dma source(%dma_start3A_869 : memref<32x128xf32, #tpu.memory_space<hbm>>) target(%arg13 : memref<32x128xf32, #tpu.memory_space<vmem>>) target_semaphore(%arg21 : memref<!tpu.dma_semaphore, #tpu.memory_space<semaphore_mem>>)
      %dma_wait3A_870 = arith.constant 0 : i32
      %dma_wait3A_871 = arith.constant 0 : i32
      %dma_wait3A_872 = tpu.memref_slice %arg3[%dma_wait3A_870, %dma_wait3A_871] : memref<32x1000000xf32, #tpu.memory_space<hbm>> -> memref<32x128xf32, #tpu.memory_space<hbm>>
      %dma_wait3A_873 = arith.constant 0 : i32
      %dma_wait3A_874 = arith.constant 0 : i32
      %dma_wait3A_875 = tpu.memref_slice %arg3[%dma_wait3A_873, %dma_wait3A_874] : memref<32x1000000xf32, #tpu.memory_space<hbm>> -> memref<32x128xf32, #tpu.memory_space<hbm>>
      tpu.wait_dma2 semaphore(%arg22 : memref<!tpu.dma_semaphore, #tpu.memory_space<semaphore_mem>>) src(%dma_wait3A_875 : memref<32x128xf32, #tpu.memory_space<hbm>>) dst(%arg14 : memref<32x128xf32, #tpu.memory_space<vmem>>)
      %add3A_876 = arith.constant 4 : i32
      %add3A_877 = arith.addi %add3A_579, %add3A_876 : i32
      %shift_right_arithmetic3A_878 = arith.constant 4 : i32
      %shift_right_arithmetic3A_879 = arith.shrsi %add3A_877, %shift_right_arithmetic3A_878 : i32
      %shift_left3A_880 = arith.constant 4 : i32
      %shift_left3A_881 = arith.shli %shift_right_arithmetic3A_879, %shift_left3A_880 : i32
      %multiple_of3A_882 = tpu.assume_multiple %shift_left3A_881, 16 : i32
      %get3A_883 = arith.index_cast %multiple_of3A_882 : i32 to index
      %get3A_884 = tpu.vector_load %arg8[%get3A_883] {strides = array<i32>} : memref<128xi32, #tpu.memory_space<vmem>>, vector<16xi32>,
      %and3A_885 = arith.constant 15 : i32
      %and3A_886 = arith.andi %add3A_877, %and3A_885 : i32
      %eq3A_887 = vector.broadcast %and3A_886 : i32 to vector<16xi32>
      %eq3A_888 = arith.cmpi eq, %iota3A, %eq3A_887 : vector<16xi32>
      %jit3A_889 = arith.constant 0 : i32
      %broadcast_in_dim3A_890 = vector.broadcast %jit3A_889 : i32 to vector<16xi32>
      %select_n3A_891 = arith.select %eq3A_888, %get3A_884, %broadcast_in_dim3A_890 : vector<16xi1>, vector<16xi32>
      %reduce_sum3A_892 = arith.constant true
      %reduce_sum3A_893 = vector.broadcast %reduce_sum3A_892 : i1 to vector<16xi1>
      %reduce_sum3A_894 = tpu.scan <sum>, %select_n3A_891 masked %reduce_sum3A_893 : vector<16xi32>, vector<16xi1> -> vector<16xi32>
      %reduce_sum3A_895 = vector.extract %reduce_sum3A_894[15] : i32 from vector<16xi32>
      %and3A_896 = arith.constant 127 : i32
      %and3A_897 = arith.andi %reduce_sum3A_895, %and3A_896 : i32
      %broadcast_in_dim3A_898 = vector.broadcast %and3A_897 : i32 to vector<16xi32>
      %gather3A_899 = tpu.vector_load_idx %arg14[%iota3A, %broadcast_in_dim3A_898] : memref<32x128xf32, #tpu.memory_space<vmem>>[vector<16xi32>, vector<16xi32>], vector<16xf32>,
      %swap3A_900 = arith.index_cast %add3A_877 : i32 to index
      %swap3A_901 = arith.constant 0 : index
      %swap3A_902 = tpu.vector_load %arg9[%swap3A_900, %swap3A_901] {strides = array<i32>} : memref<128x32xf32, #tpu.memory_space<vmem>>, vector<16xf32>,
      tpu.vector_store %arg9[%swap3A_900, %swap3A_901], %gather3A_899 {strides = array<i32>} : memref<128x32xf32, #tpu.memory_space<vmem>>, vector<16xf32>,
      %add3A_903 = arith.constant 16 : i32
      %add3A_904 = vector.broadcast %add3A_903 : i32 to vector<16xi32>
      %add3A_905 = arith.addi %iota3A, %add3A_904 : vector<16xi32>
      %gather3A_906 = tpu.vector_load_idx %arg14[%add3A_905, %broadcast_in_dim3A_898] : memref<32x128xf32, #tpu.memory_space<vmem>>[vector<16xi32>, vector<16xi32>], vector<16xf32>,
      %swap3A_907 = arith.index_cast %add3A_877 : i32 to index
      %swap3A_908 = arith.constant 16 : index
      %swap3A_909 = tpu.vector_load %arg9[%swap3A_907, %swap3A_908] {strides = array<i32>} : memref<128x32xf32, #tpu.memory_space<vmem>>, vector<16xf32>,
      tpu.vector_store %arg9[%swap3A_907, %swap3A_908], %gather3A_906 {strides = array<i32>} : memref<128x32xf32, #tpu.memory_space<vmem>>, vector<16xf32>,
      %add3A_910 = arith.constant 4 : i32
      %add3A_911 = arith.addi %add3A_579, %add3A_910 : i32
      %add3A_912 = arith.constant 8 : i32
      %add3A_913 = arith.addi %add3A_911, %add3A_912 : i32
      %min3A_914 = arith.constant 127 : i32
      %min3A_915 = arith.minsi %add3A_913, %min3A_914 : i32
      %shift_right_arithmetic3A_916 = arith.constant 4 : i32
      %shift_right_arithmetic3A_917 = arith.shrsi %min3A_915, %shift_right_arithmetic3A_916 : i32
      %shift_left3A_918 = arith.constant 4 : i32
      %shift_left3A_919 = arith.shli %shift_right_arithmetic3A_917, %shift_left3A_918 : i32
      %multiple_of3A_920 = tpu.assume_multiple %shift_left3A_919, 16 : i32
      %get3A_921 = arith.index_cast %multiple_of3A_920 : i32 to index
      %get3A_922 = tpu.vector_load %arg8[%get3A_921] {strides = array<i32>} : memref<128xi32, #tpu.memory_space<vmem>>, vector<16xi32>,
      %and3A_923 = arith.constant 15 : i32
      %and3A_924 = arith.andi %min3A_915, %and3A_923 : i32
      %eq3A_925 = vector.broadcast %and3A_924 : i32 to vector<16xi32>
      %eq3A_926 = arith.cmpi eq, %iota3A, %eq3A_925 : vector<16xi32>
      %jit3A_927 = arith.constant 0 : i32
      %broadcast_in_dim3A_928 = vector.broadcast %jit3A_927 : i32 to vector<16xi32>
      %select_n3A_929 = arith.select %eq3A_926, %get3A_922, %broadcast_in_dim3A_928 : vector<16xi1>, vector<16xi32>
      %reduce_sum3A_930 = arith.constant true
      %reduce_sum3A_931 = vector.broadcast %reduce_sum3A_930 : i1 to vector<16xi1>
      %reduce_sum3A_932 = tpu.scan <sum>, %select_n3A_929 masked %reduce_sum3A_931 : vector<16xi32>, vector<16xi1> -> vector<16xi32>
      %reduce_sum3A_933 = vector.extract %reduce_sum3A_932[15] : i32 from vector<16xi32>
      %shift_right_arithmetic3A_934 = arith.constant 7 : i32
      %shift_right_arithmetic3A_935 = arith.shrsi %reduce_sum3A_933, %shift_right_arithmetic3A_934 : i32
      %shift_left3A_936 = arith.constant 7 : i32
      %shift_left3A_937 = arith.shli %shift_right_arithmetic3A_935, %shift_left3A_936 : i32
      %multiple_of3A_938 = tpu.assume_multiple %shift_left3A_937, 128 : i32
      %dma_start3A_939 = arith.constant 0 : i32
      %dma_start3A_940 = tpu.memref_slice %arg3[%dma_start3A_939, %multiple_of3A_938] : memref<32x1000000xf32, #tpu.memory_space<hbm>> -> memref<32x128xf32, #tpu.memory_space<hbm>>
      %dma_start3A_941 = arith.constant 0 : i32
      %dma_start3A_942 = tpu.memref_slice %arg3[%dma_start3A_941, %multiple_of3A_938] : memref<32x1000000xf32, #tpu.memory_space<hbm>> -> memref<32x128xf32, #tpu.memory_space<hbm>>
      tpu.enqueue_dma source(%dma_start3A_942 : memref<32x128xf32, #tpu.memory_space<hbm>>) target(%arg14 : memref<32x128xf32, #tpu.memory_space<vmem>>) target_semaphore(%arg22 : memref<!tpu.dma_semaphore, #tpu.memory_space<semaphore_mem>>)
      %dma_wait3A_943 = arith.constant 0 : i32
      %dma_wait3A_944 = arith.constant 0 : i32
      %dma_wait3A_945 = tpu.memref_slice %arg3[%dma_wait3A_943, %dma_wait3A_944] : memref<32x1000000xf32, #tpu.memory_space<hbm>> -> memref<32x128xf32, #tpu.memory_space<hbm>>
      %dma_wait3A_946 = arith.constant 0 : i32
      %dma_wait3A_947 = arith.constant 0 : i32
      %dma_wait3A_948 = tpu.memref_slice %arg3[%dma_wait3A_946, %dma_wait3A_947] : memref<32x1000000xf32, #tpu.memory_space<hbm>> -> memref<32x128xf32, #tpu.memory_space<hbm>>
      tpu.wait_dma2 semaphore(%arg23 : memref<!tpu.dma_semaphore, #tpu.memory_space<semaphore_mem>>) src(%dma_wait3A_948 : memref<32x128xf32, #tpu.memory_space<hbm>>) dst(%arg15 : memref<32x128xf32, #tpu.memory_space<vmem>>)
      %add3A_949 = arith.constant 5 : i32
      %add3A_950 = arith.addi %add3A_579, %add3A_949 : i32
      %shift_right_arithmetic3A_951 = arith.constant 4 : i32
      %shift_right_arithmetic3A_952 = arith.shrsi %add3A_950, %shift_right_arithmetic3A_951 : i32
      %shift_left3A_953 = arith.constant 4 : i32
      %shift_left3A_954 = arith.shli %shift_right_arithmetic3A_952, %shift_left3A_953 : i32
      %multiple_of3A_955 = tpu.assume_multiple %shift_left3A_954, 16 : i32
      %get3A_956 = arith.index_cast %multiple_of3A_955 : i32 to index
      %get3A_957 = tpu.vector_load %arg8[%get3A_956] {strides = array<i32>} : memref<128xi32, #tpu.memory_space<vmem>>, vector<16xi32>,
      %and3A_958 = arith.constant 15 : i32
      %and3A_959 = arith.andi %add3A_950, %and3A_958 : i32
      %eq3A_960 = vector.broadcast %and3A_959 : i32 to vector<16xi32>
      %eq3A_961 = arith.cmpi eq, %iota3A, %eq3A_960 : vector<16xi32>
      %jit3A_962 = arith.constant 0 : i32
      %broadcast_in_dim3A_963 = vector.broadcast %jit3A_962 : i32 to vector<16xi32>
      %select_n3A_964 = arith.select %eq3A_961, %get3A_957, %broadcast_in_dim3A_963 : vector<16xi1>, vector<16xi32>
      %reduce_sum3A_965 = arith.constant true
      %reduce_sum3A_966 = vector.broadcast %reduce_sum3A_965 : i1 to vector<16xi1>
      %reduce_sum3A_967 = tpu.scan <sum>, %select_n3A_964 masked %reduce_sum3A_966 : vector<16xi32>, vector<16xi1> -> vector<16xi32>
      %reduce_sum3A_968 = vector.extract %reduce_sum3A_967[15] : i32 from vector<16xi32>
      %and3A_969 = arith.constant 127 : i32
      %and3A_970 = arith.andi %reduce_sum3A_968, %and3A_969 : i32
      %broadcast_in_dim3A_971 = vector.broadcast %and3A_970 : i32 to vector<16xi32>
      %gather3A_972 = tpu.vector_load_idx %arg15[%iota3A, %broadcast_in_dim3A_971] : memref<32x128xf32, #tpu.memory_space<vmem>>[vector<16xi32>, vector<16xi32>], vector<16xf32>,
      %swap3A_973 = arith.index_cast %add3A_950 : i32 to index
      %swap3A_974 = arith.constant 0 : index
      %swap3A_975 = tpu.vector_load %arg9[%swap3A_973, %swap3A_974] {strides = array<i32>} : memref<128x32xf32, #tpu.memory_space<vmem>>, vector<16xf32>,
      tpu.vector_store %arg9[%swap3A_973, %swap3A_974], %gather3A_972 {strides = array<i32>} : memref<128x32xf32, #tpu.memory_space<vmem>>, vector<16xf32>,
      %add3A_976 = arith.constant 16 : i32
      %add3A_977 = vector.broadcast %add3A_976 : i32 to vector<16xi32>
      %add3A_978 = arith.addi %iota3A, %add3A_977 : vector<16xi32>
      %gather3A_979 = tpu.vector_load_idx %arg15[%add3A_978, %broadcast_in_dim3A_971] : memref<32x128xf32, #tpu.memory_space<vmem>>[vector<16xi32>, vector<16xi32>], vector<16xf32>,
      %swap3A_980 = arith.index_cast %add3A_950 : i32 to index
      %swap3A_981 = arith.constant 16 : index
      %swap3A_982 = tpu.vector_load %arg9[%swap3A_980, %swap3A_981] {strides = array<i32>} : memref<128x32xf32, #tpu.memory_space<vmem>>, vector<16xf32>,
      tpu.vector_store %arg9[%swap3A_980, %swap3A_981], %gather3A_979 {strides = array<i32>} : memref<128x32xf32, #tpu.memory_space<vmem>>, vector<16xf32>,
      %add3A_983 = arith.constant 5 : i32
      %add3A_984 = arith.addi %add3A_579, %add3A_983 : i32
      %add3A_985 = arith.constant 8 : i32
      %add3A_986 = arith.addi %add3A_984, %add3A_985 : i32
      %min3A_987 = arith.constant 127 : i32
      %min3A_988 = arith.minsi %add3A_986, %min3A_987 : i32
      %shift_right_arithmetic3A_989 = arith.constant 4 : i32
      %shift_right_arithmetic3A_990 = arith.shrsi %min3A_988, %shift_right_arithmetic3A_989 : i32
      %shift_left3A_991 = arith.constant 4 : i32
      %shift_left3A_992 = arith.shli %shift_right_arithmetic3A_990, %shift_left3A_991 : i32
      %multiple_of3A_993 = tpu.assume_multiple %shift_left3A_992, 16 : i32
      %get3A_994 = arith.index_cast %multiple_of3A_993 : i32 to index
      %get3A_995 = tpu.vector_load %arg8[%get3A_994] {strides = array<i32>} : memref<128xi32, #tpu.memory_space<vmem>>, vector<16xi32>,
      %and3A_996 = arith.constant 15 : i32
      %and3A_997 = arith.andi %min3A_988, %and3A_996 : i32
      %eq3A_998 = vector.broadcast %and3A_997 : i32 to vector<16xi32>
      %eq3A_999 = arith.cmpi eq, %iota3A, %eq3A_998 : vector<16xi32>
      %jit3A_1000 = arith.constant 0 : i32
      %broadcast_in_dim3A_1001 = vector.broadcast %jit3A_1000 : i32 to vector<16xi32>
      %select_n3A_1002 = arith.select %eq3A_999, %get3A_995, %broadcast_in_dim3A_1001 : vector<16xi1>, vector<16xi32>
      %reduce_sum3A_1003 = arith.constant true
      %reduce_sum3A_1004 = vector.broadcast %reduce_sum3A_1003 : i1 to vector<16xi1>
      %reduce_sum3A_1005 = tpu.scan <sum>, %select_n3A_1002 masked %reduce_sum3A_1004 : vector<16xi32>, vector<16xi1> -> vector<16xi32>
      %reduce_sum3A_1006 = vector.extract %reduce_sum3A_1005[15] : i32 from vector<16xi32>
      %shift_right_arithmetic3A_1007 = arith.constant 7 : i32
      %shift_right_arithmetic3A_1008 = arith.shrsi %reduce_sum3A_1006, %shift_right_arithmetic3A_1007 : i32
      %shift_left3A_1009 = arith.constant 7 : i32
      %shift_left3A_1010 = arith.shli %shift_right_arithmetic3A_1008, %shift_left3A_1009 : i32
      %multiple_of3A_1011 = tpu.assume_multiple %shift_left3A_1010, 128 : i32
      %dma_start3A_1012 = arith.constant 0 : i32
      %dma_start3A_1013 = tpu.memref_slice %arg3[%dma_start3A_1012, %multiple_of3A_1011] : memref<32x1000000xf32, #tpu.memory_space<hbm>> -> memref<32x128xf32, #tpu.memory_space<hbm>>
      %dma_start3A_1014 = arith.constant 0 : i32
      %dma_start3A_1015 = tpu.memref_slice %arg3[%dma_start3A_1014, %multiple_of3A_1011] : memref<32x1000000xf32, #tpu.memory_space<hbm>> -> memref<32x128xf32, #tpu.memory_space<hbm>>
      tpu.enqueue_dma source(%dma_start3A_1015 : memref<32x128xf32, #tpu.memory_space<hbm>>) target(%arg15 : memref<32x128xf32, #tpu.memory_space<vmem>>) target_semaphore(%arg23 : memref<!tpu.dma_semaphore, #tpu.memory_space<semaphore_mem>>)
      %dma_wait3A_1016 = arith.constant 0 : i32
      %dma_wait3A_1017 = arith.constant 0 : i32
      %dma_wait3A_1018 = tpu.memref_slice %arg3[%dma_wait3A_1016, %dma_wait3A_1017] : memref<32x1000000xf32, #tpu.memory_space<hbm>> -> memref<32x128xf32, #tpu.memory_space<hbm>>
      %dma_wait3A_1019 = arith.constant 0 : i32
      %dma_wait3A_1020 = arith.constant 0 : i32
      %dma_wait3A_1021 = tpu.memref_slice %arg3[%dma_wait3A_1019, %dma_wait3A_1020] : memref<32x1000000xf32, #tpu.memory_space<hbm>> -> memref<32x128xf32, #tpu.memory_space<hbm>>
      tpu.wait_dma2 semaphore(%arg24 : memref<!tpu.dma_semaphore, #tpu.memory_space<semaphore_mem>>) src(%dma_wait3A_1021 : memref<32x128xf32, #tpu.memory_space<hbm>>) dst(%arg16 : memref<32x128xf32, #tpu.memory_space<vmem>>)
      %add3A_1022 = arith.constant 6 : i32
      %add3A_1023 = arith.addi %add3A_579, %add3A_1022 : i32
      %shift_right_arithmetic3A_1024 = arith.constant 4 : i32
      %shift_right_arithmetic3A_1025 = arith.shrsi %add3A_1023, %shift_right_arithmetic3A_1024 : i32
      %shift_left3A_1026 = arith.constant 4 : i32
      %shift_left3A_1027 = arith.shli %shift_right_arithmetic3A_1025, %shift_left3A_1026 : i32
      %multiple_of3A_1028 = tpu.assume_multiple %shift_left3A_1027, 16 : i32
      %get3A_1029 = arith.index_cast %multiple_of3A_1028 : i32 to index
      %get3A_1030 = tpu.vector_load %arg8[%get3A_1029] {strides = array<i32>} : memref<128xi32, #tpu.memory_space<vmem>>, vector<16xi32>,
      %and3A_1031 = arith.constant 15 : i32
      %and3A_1032 = arith.andi %add3A_1023, %and3A_1031 : i32
      %eq3A_1033 = vector.broadcast %and3A_1032 : i32 to vector<16xi32>
      %eq3A_1034 = arith.cmpi eq, %iota3A, %eq3A_1033 : vector<16xi32>
      %jit3A_1035 = arith.constant 0 : i32
      %broadcast_in_dim3A_1036 = vector.broadcast %jit3A_1035 : i32 to vector<16xi32>
      %select_n3A_1037 = arith.select %eq3A_1034, %get3A_1030, %broadcast_in_dim3A_1036 : vector<16xi1>, vector<16xi32>
      %reduce_sum3A_1038 = arith.constant true
      %reduce_sum3A_1039 = vector.broadcast %reduce_sum3A_1038 : i1 to vector<16xi1>
      %reduce_sum3A_1040 = tpu.scan <sum>, %select_n3A_1037 masked %reduce_sum3A_1039 : vector<16xi32>, vector<16xi1> -> vector<16xi32>
      %reduce_sum3A_1041 = vector.extract %reduce_sum3A_1040[15] : i32 from vector<16xi32>
      %and3A_1042 = arith.constant 127 : i32
      %and3A_1043 = arith.andi %reduce_sum3A_1041, %and3A_1042 : i32
      %broadcast_in_dim3A_1044 = vector.broadcast %and3A_1043 : i32 to vector<16xi32>
      %gather3A_1045 = tpu.vector_load_idx %arg16[%iota3A, %broadcast_in_dim3A_1044] : memref<32x128xf32, #tpu.memory_space<vmem>>[vector<16xi32>, vector<16xi32>], vector<16xf32>,
      %swap3A_1046 = arith.index_cast %add3A_1023 : i32 to index
      %swap3A_1047 = arith.constant 0 : index
      %swap3A_1048 = tpu.vector_load %arg9[%swap3A_1046, %swap3A_1047] {strides = array<i32>} : memref<128x32xf32, #tpu.memory_space<vmem>>, vector<16xf32>,
      tpu.vector_store %arg9[%swap3A_1046, %swap3A_1047], %gather3A_1045 {strides = array<i32>} : memref<128x32xf32, #tpu.memory_space<vmem>>, vector<16xf32>,
      %add3A_1049 = arith.constant 16 : i32
      %add3A_1050 = vector.broadcast %add3A_1049 : i32 to vector<16xi32>
      %add3A_1051 = arith.addi %iota3A, %add3A_1050 : vector<16xi32>
      %gather3A_1052 = tpu.vector_load_idx %arg16[%add3A_1051, %broadcast_in_dim3A_1044] : memref<32x128xf32, #tpu.memory_space<vmem>>[vector<16xi32>, vector<16xi32>], vector<16xf32>,
      %swap3A_1053 = arith.index_cast %add3A_1023 : i32 to index
      %swap3A_1054 = arith.constant 16 : index
      %swap3A_1055 = tpu.vector_load %arg9[%swap3A_1053, %swap3A_1054] {strides = array<i32>} : memref<128x32xf32, #tpu.memory_space<vmem>>, vector<16xf32>,
      tpu.vector_store %arg9[%swap3A_1053, %swap3A_1054], %gather3A_1052 {strides = array<i32>} : memref<128x32xf32, #tpu.memory_space<vmem>>, vector<16xf32>,
      %add3A_1056 = arith.constant 6 : i32
      %add3A_1057 = arith.addi %add3A_579, %add3A_1056 : i32
      %add3A_1058 = arith.constant 8 : i32
      %add3A_1059 = arith.addi %add3A_1057, %add3A_1058 : i32
      %min3A_1060 = arith.constant 127 : i32
      %min3A_1061 = arith.minsi %add3A_1059, %min3A_1060 : i32
      %shift_right_arithmetic3A_1062 = arith.constant 4 : i32
      %shift_right_arithmetic3A_1063 = arith.shrsi %min3A_1061, %shift_right_arithmetic3A_1062 : i32
      %shift_left3A_1064 = arith.constant 4 : i32
      %shift_left3A_1065 = arith.shli %shift_right_arithmetic3A_1063, %shift_left3A_1064 : i32
      %multiple_of3A_1066 = tpu.assume_multiple %shift_left3A_1065, 16 : i32
      %get3A_1067 = arith.index_cast %multiple_of3A_1066 : i32 to index
      %get3A_1068 = tpu.vector_load %arg8[%get3A_1067] {strides = array<i32>} : memref<128xi32, #tpu.memory_space<vmem>>, vector<16xi32>,
      %and3A_1069 = arith.constant 15 : i32
      %and3A_1070 = arith.andi %min3A_1061, %and3A_1069 : i32
      %eq3A_1071 = vector.broadcast %and3A_1070 : i32 to vector<16xi32>
      %eq3A_1072 = arith.cmpi eq, %iota3A, %eq3A_1071 : vector<16xi32>
      %jit3A_1073 = arith.constant 0 : i32
      %broadcast_in_dim3A_1074 = vector.broadcast %jit3A_1073 : i32 to vector<16xi32>
      %select_n3A_1075 = arith.select %eq3A_1072, %get3A_1068, %broadcast_in_dim3A_1074 : vector<16xi1>, vector<16xi32>
      %reduce_sum3A_1076 = arith.constant true
      %reduce_sum3A_1077 = vector.broadcast %reduce_sum3A_1076 : i1 to vector<16xi1>
      %reduce_sum3A_1078 = tpu.scan <sum>, %select_n3A_1075 masked %reduce_sum3A_1077 : vector<16xi32>, vector<16xi1> -> vector<16xi32>
      %reduce_sum3A_1079 = vector.extract %reduce_sum3A_1078[15] : i32 from vector<16xi32>
      %shift_right_arithmetic3A_1080 = arith.constant 7 : i32
      %shift_right_arithmetic3A_1081 = arith.shrsi %reduce_sum3A_1079, %shift_right_arithmetic3A_1080 : i32
      %shift_left3A_1082 = arith.constant 7 : i32
      %shift_left3A_1083 = arith.shli %shift_right_arithmetic3A_1081, %shift_left3A_1082 : i32
      %multiple_of3A_1084 = tpu.assume_multiple %shift_left3A_1083, 128 : i32
      %dma_start3A_1085 = arith.constant 0 : i32
      %dma_start3A_1086 = tpu.memref_slice %arg3[%dma_start3A_1085, %multiple_of3A_1084] : memref<32x1000000xf32, #tpu.memory_space<hbm>> -> memref<32x128xf32, #tpu.memory_space<hbm>>
      %dma_start3A_1087 = arith.constant 0 : i32
      %dma_start3A_1088 = tpu.memref_slice %arg3[%dma_start3A_1087, %multiple_of3A_1084] : memref<32x1000000xf32, #tpu.memory_space<hbm>> -> memref<32x128xf32, #tpu.memory_space<hbm>>
      tpu.enqueue_dma source(%dma_start3A_1088 : memref<32x128xf32, #tpu.memory_space<hbm>>) target(%arg16 : memref<32x128xf32, #tpu.memory_space<vmem>>) target_semaphore(%arg24 : memref<!tpu.dma_semaphore, #tpu.memory_space<semaphore_mem>>)
      %dma_wait3A_1089 = arith.constant 0 : i32
      %dma_wait3A_1090 = arith.constant 0 : i32
      %dma_wait3A_1091 = tpu.memref_slice %arg3[%dma_wait3A_1089, %dma_wait3A_1090] : memref<32x1000000xf32, #tpu.memory_space<hbm>> -> memref<32x128xf32, #tpu.memory_space<hbm>>
      %dma_wait3A_1092 = arith.constant 0 : i32
      %dma_wait3A_1093 = arith.constant 0 : i32
      %dma_wait3A_1094 = tpu.memref_slice %arg3[%dma_wait3A_1092, %dma_wait3A_1093] : memref<32x1000000xf32, #tpu.memory_space<hbm>> -> memref<32x128xf32, #tpu.memory_space<hbm>>
      tpu.wait_dma2 semaphore(%arg25 : memref<!tpu.dma_semaphore, #tpu.memory_space<semaphore_mem>>) src(%dma_wait3A_1094 : memref<32x128xf32, #tpu.memory_space<hbm>>) dst(%arg17 : memref<32x128xf32, #tpu.memory_space<vmem>>)
      %add3A_1095 = arith.constant 7 : i32
      %add3A_1096 = arith.addi %add3A_579, %add3A_1095 : i32
      %shift_right_arithmetic3A_1097 = arith.constant 4 : i32
      %shift_right_arithmetic3A_1098 = arith.shrsi %add3A_1096, %shift_right_arithmetic3A_1097 : i32
      %shift_left3A_1099 = arith.constant 4 : i32
      %shift_left3A_1100 = arith.shli %shift_right_arithmetic3A_1098, %shift_left3A_1099 : i32
      %multiple_of3A_1101 = tpu.assume_multiple %shift_left3A_1100, 16 : i32
      %get3A_1102 = arith.index_cast %multiple_of3A_1101 : i32 to index
      %get3A_1103 = tpu.vector_load %arg8[%get3A_1102] {strides = array<i32>} : memref<128xi32, #tpu.memory_space<vmem>>, vector<16xi32>,
      %and3A_1104 = arith.constant 15 : i32
      %and3A_1105 = arith.andi %add3A_1096, %and3A_1104 : i32
      %eq3A_1106 = vector.broadcast %and3A_1105 : i32 to vector<16xi32>
      %eq3A_1107 = arith.cmpi eq, %iota3A, %eq3A_1106 : vector<16xi32>
      %jit3A_1108 = arith.constant 0 : i32
      %broadcast_in_dim3A_1109 = vector.broadcast %jit3A_1108 : i32 to vector<16xi32>
      %select_n3A_1110 = arith.select %eq3A_1107, %get3A_1103, %broadcast_in_dim3A_1109 : vector<16xi1>, vector<16xi32>
      %reduce_sum3A_1111 = arith.constant true
      %reduce_sum3A_1112 = vector.broadcast %reduce_sum3A_1111 : i1 to vector<16xi1>
      %reduce_sum3A_1113 = tpu.scan <sum>, %select_n3A_1110 masked %reduce_sum3A_1112 : vector<16xi32>, vector<16xi1> -> vector<16xi32>
      %reduce_sum3A_1114 = vector.extract %reduce_sum3A_1113[15] : i32 from vector<16xi32>
      %and3A_1115 = arith.constant 127 : i32
      %and3A_1116 = arith.andi %reduce_sum3A_1114, %and3A_1115 : i32
      %broadcast_in_dim3A_1117 = vector.broadcast %and3A_1116 : i32 to vector<16xi32>
      %gather3A_1118 = tpu.vector_load_idx %arg17[%iota3A, %broadcast_in_dim3A_1117] : memref<32x128xf32, #tpu.memory_space<vmem>>[vector<16xi32>, vector<16xi32>], vector<16xf32>,
      %swap3A_1119 = arith.index_cast %add3A_1096 : i32 to index
      %swap3A_1120 = arith.constant 0 : index
      %swap3A_1121 = tpu.vector_load %arg9[%swap3A_1119, %swap3A_1120] {strides = array<i32>} : memref<128x32xf32, #tpu.memory_space<vmem>>, vector<16xf32>,
      tpu.vector_store %arg9[%swap3A_1119, %swap3A_1120], %gather3A_1118 {strides = array<i32>} : memref<128x32xf32, #tpu.memory_space<vmem>>, vector<16xf32>,
      %add3A_1122 = arith.constant 16 : i32
      %add3A_1123 = vector.broadcast %add3A_1122 : i32 to vector<16xi32>
      %add3A_1124 = arith.addi %iota3A, %add3A_1123 : vector<16xi32>
      %gather3A_1125 = tpu.vector_load_idx %arg17[%add3A_1124, %broadcast_in_dim3A_1117] : memref<32x128xf32, #tpu.memory_space<vmem>>[vector<16xi32>, vector<16xi32>], vector<16xf32>,
      %swap3A_1126 = arith.index_cast %add3A_1096 : i32 to index
      %swap3A_1127 = arith.constant 16 : index
      %swap3A_1128 = tpu.vector_load %arg9[%swap3A_1126, %swap3A_1127] {strides = array<i32>} : memref<128x32xf32, #tpu.memory_space<vmem>>, vector<16xf32>,
      tpu.vector_store %arg9[%swap3A_1126, %swap3A_1127], %gather3A_1125 {strides = array<i32>} : memref<128x32xf32, #tpu.memory_space<vmem>>, vector<16xf32>,
      %add3A_1129 = arith.constant 7 : i32
      %add3A_1130 = arith.addi %add3A_579, %add3A_1129 : i32
      %add3A_1131 = arith.constant 8 : i32
      %add3A_1132 = arith.addi %add3A_1130, %add3A_1131 : i32
      %min3A_1133 = arith.constant 127 : i32
      %min3A_1134 = arith.minsi %add3A_1132, %min3A_1133 : i32
      %shift_right_arithmetic3A_1135 = arith.constant 4 : i32
      %shift_right_arithmetic3A_1136 = arith.shrsi %min3A_1134, %shift_right_arithmetic3A_1135 : i32
      %shift_left3A_1137 = arith.constant 4 : i32
      %shift_left3A_1138 = arith.shli %shift_right_arithmetic3A_1136, %shift_left3A_1137 : i32
      %multiple_of3A_1139 = tpu.assume_multiple %shift_left3A_1138, 16 : i32
      %get3A_1140 = arith.index_cast %multiple_of3A_1139 : i32 to index
      %get3A_1141 = tpu.vector_load %arg8[%get3A_1140] {strides = array<i32>} : memref<128xi32, #tpu.memory_space<vmem>>, vector<16xi32>,
      %and3A_1142 = arith.constant 15 : i32
      %and3A_1143 = arith.andi %min3A_1134, %and3A_1142 : i32
      %eq3A_1144 = vector.broadcast %and3A_1143 : i32 to vector<16xi32>
      %eq3A_1145 = arith.cmpi eq, %iota3A, %eq3A_1144 : vector<16xi32>
      %jit3A_1146 = arith.constant 0 : i32
      %broadcast_in_dim3A_1147 = vector.broadcast %jit3A_1146 : i32 to vector<16xi32>
      %select_n3A_1148 = arith.select %eq3A_1145, %get3A_1141, %broadcast_in_dim3A_1147 : vector<16xi1>, vector<16xi32>
      %reduce_sum3A_1149 = arith.constant true
      %reduce_sum3A_1150 = vector.broadcast %reduce_sum3A_1149 : i1 to vector<16xi1>
      %reduce_sum3A_1151 = tpu.scan <sum>, %select_n3A_1148 masked %reduce_sum3A_1150 : vector<16xi32>, vector<16xi1> -> vector<16xi32>
      %reduce_sum3A_1152 = vector.extract %reduce_sum3A_1151[15] : i32 from vector<16xi32>
      %shift_right_arithmetic3A_1153 = arith.constant 7 : i32
      %shift_right_arithmetic3A_1154 = arith.shrsi %reduce_sum3A_1152, %shift_right_arithmetic3A_1153 : i32
      %shift_left3A_1155 = arith.constant 7 : i32
      %shift_left3A_1156 = arith.shli %shift_right_arithmetic3A_1154, %shift_left3A_1155 : i32
      %multiple_of3A_1157 = tpu.assume_multiple %shift_left3A_1156, 128 : i32
      %dma_start3A_1158 = arith.constant 0 : i32
      %dma_start3A_1159 = tpu.memref_slice %arg3[%dma_start3A_1158, %multiple_of3A_1157] : memref<32x1000000xf32, #tpu.memory_space<hbm>> -> memref<32x128xf32, #tpu.memory_space<hbm>>
      %dma_start3A_1160 = arith.constant 0 : i32
      %dma_start3A_1161 = tpu.memref_slice %arg3[%dma_start3A_1160, %multiple_of3A_1157] : memref<32x1000000xf32, #tpu.memory_space<hbm>> -> memref<32x128xf32, #tpu.memory_space<hbm>>
      tpu.enqueue_dma source(%dma_start3A_1161 : memref<32x128xf32, #tpu.memory_space<hbm>>) target(%arg17 : memref<32x128xf32, #tpu.memory_space<vmem>>) target_semaphore(%arg25 : memref<!tpu.dma_semaphore, #tpu.memory_space<semaphore_mem>>)
    }
    %scan3A_526 = arith.constant 16 : i32
    %dma_wait3A_527 = arith.constant 0 : i32
    %dma_wait3A_528 = arith.constant 0 : i32
    %dma_wait3A_529 = tpu.memref_slice %arg3[%dma_wait3A_527, %dma_wait3A_528] : memref<32x1000000xf32, #tpu.memory_space<hbm>> -> memref<32x128xf32, #tpu.memory_space<hbm>>
    %dma_wait3A_530 = arith.constant 0 : i32
    %dma_wait3A_531 = arith.constant 0 : i32
    %dma_wait3A_532 = tpu.memref_slice %arg3[%dma_wait3A_530, %dma_wait3A_531] : memref<32x1000000xf32, #tpu.memory_space<hbm>> -> memref<32x128xf32, #tpu.memory_space<hbm>>
    tpu.wait_dma2 semaphore(%arg18 : memref<!tpu.dma_semaphore, #tpu.memory_space<semaphore_mem>>) src(%dma_wait3A_532 : memref<32x128xf32, #tpu.memory_space<hbm>>) dst(%arg10 : memref<32x128xf32, #tpu.memory_space<vmem>>)
    %dma_wait3A_533 = arith.constant 0 : i32
    %dma_wait3A_534 = arith.constant 0 : i32
    %dma_wait3A_535 = tpu.memref_slice %arg3[%dma_wait3A_533, %dma_wait3A_534] : memref<32x1000000xf32, #tpu.memory_space<hbm>> -> memref<32x128xf32, #tpu.memory_space<hbm>>
    %dma_wait3A_536 = arith.constant 0 : i32
    %dma_wait3A_537 = arith.constant 0 : i32
    %dma_wait3A_538 = tpu.memref_slice %arg3[%dma_wait3A_536, %dma_wait3A_537] : memref<32x1000000xf32, #tpu.memory_space<hbm>> -> memref<32x128xf32, #tpu.memory_space<hbm>>
    tpu.wait_dma2 semaphore(%arg19 : memref<!tpu.dma_semaphore, #tpu.memory_space<semaphore_mem>>) src(%dma_wait3A_538 : memref<32x128xf32, #tpu.memory_space<hbm>>) dst(%arg11 : memref<32x128xf32, #tpu.memory_space<vmem>>)
    %dma_wait3A_539 = arith.constant 0 : i32
    %dma_wait3A_540 = arith.constant 0 : i32
    %dma_wait3A_541 = tpu.memref_slice %arg3[%dma_wait3A_539, %dma_wait3A_540] : memref<32x1000000xf32, #tpu.memory_space<hbm>> -> memref<32x128xf32, #tpu.memory_space<hbm>>
    %dma_wait3A_542 = arith.constant 0 : i32
    %dma_wait3A_543 = arith.constant 0 : i32
    %dma_wait3A_544 = tpu.memref_slice %arg3[%dma_wait3A_542, %dma_wait3A_543] : memref<32x1000000xf32, #tpu.memory_space<hbm>> -> memref<32x128xf32, #tpu.memory_space<hbm>>
    tpu.wait_dma2 semaphore(%arg20 : memref<!tpu.dma_semaphore, #tpu.memory_space<semaphore_mem>>) src(%dma_wait3A_544 : memref<32x128xf32, #tpu.memory_space<hbm>>) dst(%arg12 : memref<32x128xf32, #tpu.memory_space<vmem>>)
    %dma_wait3A_545 = arith.constant 0 : i32
    %dma_wait3A_546 = arith.constant 0 : i32
    %dma_wait3A_547 = tpu.memref_slice %arg3[%dma_wait3A_545, %dma_wait3A_546] : memref<32x1000000xf32, #tpu.memory_space<hbm>> -> memref<32x128xf32, #tpu.memory_space<hbm>>
    %dma_wait3A_548 = arith.constant 0 : i32
    %dma_wait3A_549 = arith.constant 0 : i32
    %dma_wait3A_550 = tpu.memref_slice %arg3[%dma_wait3A_548, %dma_wait3A_549] : memref<32x1000000xf32, #tpu.memory_space<hbm>> -> memref<32x128xf32, #tpu.memory_space<hbm>>
    tpu.wait_dma2 semaphore(%arg21 : memref<!tpu.dma_semaphore, #tpu.memory_space<semaphore_mem>>) src(%dma_wait3A_550 : memref<32x128xf32, #tpu.memory_space<hbm>>) dst(%arg13 : memref<32x128xf32, #tpu.memory_space<vmem>>)
    %dma_wait3A_551 = arith.constant 0 : i32
    %dma_wait3A_552 = arith.constant 0 : i32
    %dma_wait3A_553 = tpu.memref_slice %arg3[%dma_wait3A_551, %dma_wait3A_552] : memref<32x1000000xf32, #tpu.memory_space<hbm>> -> memref<32x128xf32, #tpu.memory_space<hbm>>
    %dma_wait3A_554 = arith.constant 0 : i32
    %dma_wait3A_555 = arith.constant 0 : i32
    %dma_wait3A_556 = tpu.memref_slice %arg3[%dma_wait3A_554, %dma_wait3A_555] : memref<32x1000000xf32, #tpu.memory_space<hbm>> -> memref<32x128xf32, #tpu.memory_space<hbm>>
    tpu.wait_dma2 semaphore(%arg22 : memref<!tpu.dma_semaphore, #tpu.memory_space<semaphore_mem>>) src(%dma_wait3A_556 : memref<32x128xf32, #tpu.memory_space<hbm>>) dst(%arg14 : memref<32x128xf32, #tpu.memory_space<vmem>>)
    %dma_wait3A_557 = arith.constant 0 : i32
    %dma_wait3A_558 = arith.constant 0 : i32
    %dma_wait3A_559 = tpu.memref_slice %arg3[%dma_wait3A_557, %dma_wait3A_558] : memref<32x1000000xf32, #tpu.memory_space<hbm>> -> memref<32x128xf32, #tpu.memory_space<hbm>>
    %dma_wait3A_560 = arith.constant 0 : i32
    %dma_wait3A_561 = arith.constant 0 : i32
    %dma_wait3A_562 = tpu.memref_slice %arg3[%dma_wait3A_560, %dma_wait3A_561] : memref<32x1000000xf32, #tpu.memory_space<hbm>> -> memref<32x128xf32, #tpu.memory_space<hbm>>
    tpu.wait_dma2 semaphore(%arg23 : memref<!tpu.dma_semaphore, #tpu.memory_space<semaphore_mem>>) src(%dma_wait3A_562 : memref<32x128xf32, #tpu.memory_space<hbm>>) dst(%arg15 : memref<32x128xf32, #tpu.memory_space<vmem>>)
    %dma_wait3A_563 = arith.constant 0 : i32
    %dma_wait3A_564 = arith.constant 0 : i32
    %dma_wait3A_565 = tpu.memref_slice %arg3[%dma_wait3A_563, %dma_wait3A_564] : memref<32x1000000xf32, #tpu.memory_space<hbm>> -> memref<32x128xf32, #tpu.memory_space<hbm>>
    %dma_wait3A_566 = arith.constant 0 : i32
    %dma_wait3A_567 = arith.constant 0 : i32
    %dma_wait3A_568 = tpu.memref_slice %arg3[%dma_wait3A_566, %dma_wait3A_567] : memref<32x1000000xf32, #tpu.memory_space<hbm>> -> memref<32x128xf32, #tpu.memory_space<hbm>>
    tpu.wait_dma2 semaphore(%arg24 : memref<!tpu.dma_semaphore, #tpu.memory_space<semaphore_mem>>) src(%dma_wait3A_568 : memref<32x128xf32, #tpu.memory_space<hbm>>) dst(%arg16 : memref<32x128xf32, #tpu.memory_space<vmem>>)
    %dma_wait3A_569 = arith.constant 0 : i32
    %dma_wait3A_570 = arith.constant 0 : i32
    %dma_wait3A_571 = tpu.memref_slice %arg3[%dma_wait3A_569, %dma_wait3A_570] : memref<32x1000000xf32, #tpu.memory_space<hbm>> -> memref<32x128xf32, #tpu.memory_space<hbm>>
    %dma_wait3A_572 = arith.constant 0 : i32
    %dma_wait3A_573 = arith.constant 0 : i32
    %dma_wait3A_574 = tpu.memref_slice %arg3[%dma_wait3A_572, %dma_wait3A_573] : memref<32x1000000xf32, #tpu.memory_space<hbm>> -> memref<32x128xf32, #tpu.memory_space<hbm>>
    tpu.wait_dma2 semaphore(%arg25 : memref<!tpu.dma_semaphore, #tpu.memory_space<semaphore_mem>>) src(%dma_wait3A_574 : memref<32x128xf32, #tpu.memory_space<hbm>>) dst(%arg17 : memref<32x128xf32, #tpu.memory_space<vmem>>)
    "tpu.region"() ({
      %run_scoped3A = tpu.sem_alloc : memref<!tpu.dma_semaphore, #tpu.memory_space<semaphore_mem>>
      %dma_start3A_575 = arith.constant 0 : i32
      %dma_start3A_576 = tpu.memref_slice %arg7[%mul3A_2, %dma_start3A_575] : memref<4096x32xf32, #tpu.memory_space<hbm>> -> memref<128x32xf32, #tpu.memory_space<hbm>>
      %dma_start3A_577 = arith.constant 0 : i32
      %dma_start3A_578 = tpu.memref_slice %arg7[%mul3A_2, %dma_start3A_577] : memref<4096x32xf32, #tpu.memory_space<hbm>> -> memref<128x32xf32, #tpu.memory_space<hbm>>
      tpu.enqueue_dma source(%arg9 : memref<128x32xf32, #tpu.memory_space<vmem>>) target(%dma_start3A_578 : memref<128x32xf32, #tpu.memory_space<hbm>>) target_semaphore(%run_scoped3A : memref<!tpu.dma_semaphore, #tpu.memory_space<semaphore_mem>>)
      %dma_wait3A_579 = arith.constant 0 : i32
      %dma_wait3A_580 = tpu.memref_slice %arg7[%mul3A_2, %dma_wait3A_579] : memref<4096x32xf32, #tpu.memory_space<hbm>> -> memref<128x32xf32, #tpu.memory_space<hbm>>
      %dma_wait3A_581 = arith.constant 0 : i32
      %dma_wait3A_582 = tpu.memref_slice %arg7[%mul3A_2, %dma_wait3A_581] : memref<4096x32xf32, #tpu.memory_space<hbm>> -> memref<128x32xf32, #tpu.memory_space<hbm>>
      tpu.wait_dma2 semaphore(%run_scoped3A : memref<!tpu.dma_semaphore, #tpu.memory_space<semaphore_mem>>) src(%arg9 : memref<128x32xf32, #tpu.memory_space<vmem>>) dst(%dma_wait3A_582 : memref<128x32xf32, #tpu.memory_space<hbm>>)
      tpu.yield
    }) : () -> ()
    return
  }
}

</mosaic_0001>

<sc_bundles>
// kernel: _sc_idemb.3.cloned.1.call-start
scs
__scs_entry_jumppad:
0x0: {  	(pc) =	sbr.rel $0x88, $3  }
0x1: {  	(tag) =	ssettag $0x0;
	lr =	simm.s32 $0x1  }
0x2: {  	[smem:$0x3F9D] =	sst lr;
	_ =	strace $0xD0000000  }
0x3: {  	_ = 	snop  }
0x4: {  	_ = 	snop  }
0x5: {  	_ = 	snop  }
0x6: {  	_ = 	snop  }
0x7: {  	_ = 	snop  }
__scs_overlays_trampoline_lowered:
0x8: {  	[smem:$0x3FAC] =	sst s0  }
0x9: {  	[smem:$0x3FAD] =	sst s1  }
0xa: {  	[smem:$0x3FAE] =	sst s2  }
0xb: {  	[smem:$0x3FAF] =	sst s3  }
0xc: {  	[smem:$0x3FB0] =	sst s4  }
0xd: {  	[smem:$0x3FB1] =	sst s5  }
0xe: {  	[smem:$0x3FB2] =	sst s6  }
0xf: {  	[smem:$0x3FB3] =	sst s7  }
0x10: {  	[smem:$0x3FB4] =	sst s8  }
0x11: {  	[smem:$0x3FB5] =	sst s9;
	s0 =	simm.s32 @!p0 $0x0  }
0x12: {  	s1 =	sld [smem:$0x3F9B];
	s0 =	simm.s32 @p0 $0x1  }
0x13: {  	[smem:$0x3FB6] =	sst s0;
	s0 =	simm.s32 @!p1 $0x0  }
0x14: {  	s2 =	sld [smem:$0x3F9A];
	s0 =	simm.s32 @p1 $0x1  }
0x15: {  	[smem:$0x3FB7] =	sst s0;
	s0 =	simm.s32 @!p2 $0x0  }
0x16: {  	s3 =	sld [smem:$0x3FDB];
	s0 =	simm.s32 @p2 $0x1  }
0x17: {  	s4 =	simm.s32 $0x1BF5;
	[smem:$0x3FB9] =	sst s0  }
0x18: {  	s0 =	sld [smem:$0x3F9C];
	_ =	swait.ge [sflag:s4], $0x0  }
0x19: {  	s7 =	sld [smem:$0x3F9D]  }
0x1a: {  	s8 =	sadd.s32 $0xFFFFE003, lr  }
0x1b: {  	s9 =	sadd.s32 $0xFFFFFEF7, lr;
	s5 =	simm.s32 $0xFFFFFFFF;
	p2 =	slt.u32 s8, $0xFFFFF086  }
0x1c: {  	p1 =	slt.u32 s9, $0xF7A;
	s5 =	simm.s32 @!p2 $0x0  }
0x1d: {  	s5 =	simm.s32 @p1 $0x1;
	p0 =	seq.s32 s7, s2  }
0x1e: {  	s7 =	smul.u32 @!p0 $0xF7A, s2;
	p2 =	seq.s32 @!p0 s5, $0x0  }
0x1f: {  	s9 =	smul.u32 $0xF7A, s1;
	s8 =	simm.s32 @!p0 $0x1BF5;
	p2 =	por !p2, p0  }
0x20: {  	[sflag:s8] =	ssyncset.s32 @!p0 $0xFFFFF086;
	s6 =	sadd.s32 @!p0 s3, s7;
	s7 =	simm.s32 @!p0 $0x108  }
0x21: {  	s3 =	sadd.s32 s3, s9;
	s6 =	sadd.s32 @!p0 $0x88, s6;
	s7 =	simm.s32 @p2 $0x1082  }
0x22: {  	[simem:s7], [sflag:s8] =	dma.local @!p0 [hbm:s6], $0xF7A  }
0x23: {  	s9 =	sor.u32 $0xD0000000, s2;
	s6 =	simm.s32 $0x108;
	_ =	swait.ge @!p0 [sflag:s8], $0x0  }
0x24: {  	s3 =	sadd.s32 $0x88, s3;
	s6 =	simm.s32 @!p1 $0x1082;
	[sflag:s4] =	ssyncset.s32 $0xFFFFF086  }
0x25: {  	[simem:s6], [sflag:s4] =	dma.local [hbm:s3], $0xF7A  }
0x26: {  	[smem:$0x3F9D] =	sst s1;
	(tag) =	ssettag s2;
	_ =	strace s9  }
0x27: {  	s1 =	sld [smem:$0x3FAD]  }
0x28: {  	s2 =	sld [smem:$0x3FAE]  }
0x29: {  	s4 =	sld [smem:$0x3FB0]  }
0x2a: {  	p0 =	seq.s32 s5, $0x0;
	s5 =	sld [smem:$0x3FB1]  }
0x2b: {  	s6 =	sld [smem:$0x3FB2]  }
0x2c: {  	s7 =	sld [smem:$0x3FB3]  }
0x2d: {  	s3 =	simm.s32 $0x108;
	s8 =	sld [smem:$0x3FB4]  }
0x2e: {  	s3 =	simm.s32 @!p0 $0x1082;
	s9 =	sld [smem:$0x3FB5]  }
0x2f: {  	lr =	sadd.s32 s0, s3;
	s0 =	sld [smem:$0x3FAC]  }
0x30: {  	s3 =	sld [smem:$0x3FAF]  }
0x31: {  	[smem:$0x3FB8] =	sst s10  }
0x32: {  	s10 =	sld [smem:$0x3FB6];
	_ =	sdelay $0x3  }
0x33: {  	p0 =	seq.s32 s10, $0x1;
	s10 =	sld [smem:$0x3FB8];
	_ =	sdelay $0x3  }
0x34: {  	[smem:$0x3FB8] =	sst s10  }
0x35: {  	s10 =	sld [smem:$0x3FB7];
	_ =	sdelay $0x3  }
0x36: {  	p1 =	seq.s32 s10, $0x1;
	s10 =	sld [smem:$0x3FB8];
	_ =	sdelay $0x3  }
0x37: {  	[smem:$0x3FB8] =	sst s10  }
0x38: {  	s10 =	sld [smem:$0x3FB9]  }
0x39: {  	_ = 	snop;
	(pc) =	sbr.ind lr, $3  }
0x3a: {  	_ = 	snop  }
0x3b: {  	_ = 	snop  }
0x3c: {  	p2 =	seq.s32 s10, $0x1;
	s10 =	sld [smem:$0x3FB8]  }
0x3d: {  	_ =	shalt  }
0x3e: {  	_ =	shalt  }
0x3f: {  	_ =	shalt  }
0x40: {  	_ =	shalt  }
0x41: {  	_ =	shalt  }
0x42: {  	_ =	shalt  }
0x43: {  	_ =	shalt  }
0x44: {  	_ =	shalt  }
0x45: {  	_ =	shalt  }
0x46: {  	_ =	shalt  }
0x47: {  	_ =	shalt  }
0x48: {  	_ =	shalt  }
0x49: {  	_ =	shalt  }
0x4a: {  	_ =	shalt  }
0x4b: {  	_ =	shalt  }
0x4c: {  	_ =	shalt  }
0x4d: {  	_ =	shalt  }
0x4e: {  	_ =	shalt  }
0x4f: {  	_ =	shalt  }
0x50: {  	_ =	shalt  }
0x51: {  	_ =	shalt  }
0x52: {  	_ =	shalt  }
0x53: {  	_ =	shalt  }
0x54: {  	_ =	shalt  }
0x55: {  	_ =	shalt  }
0x56: {  	_ =	shalt  }
0x57: {  	_ =	shalt  }
0x58: {  	_ =	shalt  }
0x59: {  	_ =	shalt  }
0x5a: {  	_ =	shalt  }
0x5b: {  	_ =	shalt  }
0x5c: {  	_ =	shalt  }
0x5d: {  	_ =	shalt  }
0x5e: {  	_ =	shalt  }
0x5f: {  	_ =	shalt  }
0x60: {  	_ =	shalt  }
0x61: {  	_ =	shalt  }
0x62: {  	_ =	shalt  }
0x63: {  	_ =	shalt  }
0x64: {  	_ =	shalt  }
0x65: {  	_ =	shalt  }
0x66: {  	_ =	shalt  }
0x67: {  	_ =	shalt  }
0x68: {  	_ =	shalt  }
0x69: {  	_ =	shalt  }
0x6a: {  	_ =	shalt  }
0x6b: {  	_ =	shalt  }
0x6c: {  	_ =	shalt  }
0x6d: {  	_ =	shalt  }
0x6e: {  	_ =	shalt  }
0x6f: {  	_ =	shalt  }
0x70: {  	_ =	shalt  }
0x71: {  	_ =	shalt  }
0x72: {  	_ =	shalt  }
0x73: {  	_ =	shalt  }
0x74: {  	_ =	shalt  }
0x75: {  	_ =	shalt  }
0x76: {  	_ =	shalt  }
0x77: {  	_ =	shalt  }
0x78: {  	_ =	shalt  }
0x79: {  	_ =	shalt  }
0x7a: {  	_ =	shalt  }
0x7b: {  	_ =	shalt  }
0x7c: {  	_ =	shalt  }
0x7d: {  	_ =	shalt  }
0x7e: {  	_ =	shalt  }
0x7f: {  	_ =	shalt  }
0x80: {  	_ =	shalt  }
0x81: {  	_ =	shalt  }
0x82: {  	_ =	shalt  }
0x83: {  	_ =	shalt  }
0x84: {  	_ =	shalt  }
0x85: {  	_ =	shalt  }
0x86: {  	_ =	shalt  }
0x87: {  	_ =	shalt  }
.Lfunc_end0:
.L_simem_size_0:
called_computation_lowered:
.L_overlay_start_0:
0x88: {  	s2 =	sld [smem:$0x3FD9]  }
0x89: {  	s3 =	sld [smem:$0x3FFE];
	_ =	sdelay $0x1  }
0x8a: {  	s1 =	srdreg.scid  }
0x8b: {  	s0 =	sand.u32 $0x1, s1  }
0x8c: {  	s17 =	sshll.u32 s0, $0xA;
	s2 =	sadd.s32 s3, s2  }
0x8d: {  	s2 =	sadd.s32 s2, s17  }
0x8e: {  	[smem:$0x3FC4] =	sst s2  }
0x8f: {  	_ = 	snop  }
0x90: {  	s2 =	sld [smem:$0x3FC9]  }
0x91: {  	s18 =	sld [smem:$0x3FC8]  }
0x92: {  	s4 =	sld [smem:$0x3FC7]  }
0x93: {  	s5 =	sld [smem:$0x3FC6];
	(tm) =	ssettm $0x1  }
0x94: {  	s6 =	sld [smem:$0x3FFB];
	_ =	sdelay $0x3  }
0x95: {  	_ =	strace s6  }
0x96: {  	s6 =	sld [smem:$0x3FFC];
	_ =	sdelay $0x3  }
0x97: {  	_ =	strace s6  }
0x98: {  	s6 =	sld [smem:$0x3FFD];
	_ =	sdelay $0x3  }
0x99: {  	_ =	strace s6  }
0x9a: {  	_ =	strace $0x8FFFFFFF  }
0x9b: {  	s19 =	sld [smem:$0x3FDB];
	_ =	sdelay $0x1  }
0x9c: {  	s7 =	simm.s32 $_scs_section_size  }
0x9d: {  	s8 =	simm.s32 $_size__tile_overlayer_lowered;
	s9 =	simm.s32 $_tile_overlayer_lowered  }
0x9e: {  	s22 =	simm.s32 $0x1BFF;
	s21 =	sshll.u32 s9, $0x1;
	s6 =	sadd.s32 s7, s19  }
0x9f: {  	s10 =	simm.s32 $0x0;
	s20 =	sshll.u32 s8, $0x1;
	s8 =	sadd.s32 s21, s6  }
0xa0: {  	[timem:s10], [sflag:s22] =	dma.local [hbm:s8], s20  }
0xa1: {  	_ =	swait.ge [sflag:s22], s20  }
0xa2: {  	s7 =	ssub.s32 $0x0, s20;
	[sflag:s22] =	ssyncset.done $0x0  }
0xa3: {  	[sflag:s22] =	ssyncadd.s32 s7;
	_ =	sdelay $0x1  }
0xa4: {  	s23 =	simm.s32 $0x1B8B  }
0xa5: {  	_ =	swait.ge [sflag:s23], $0x1  }
0xa6: {  	[sflag:s23] =	ssyncset.done $0x0  }
0xa7: {  	s25 =	simm.s32 $0x1B8E;
	s24 =	sld [smem:$0x3FFE];
	[sflag:s23] =	ssyncadd.s32 $0xFFFFFFFF  }
0xa8: {  	s26 =	simm.s32 $execute0_lowered;
	[smem:$0x3FD2] =	sst s25  }
0xa9: {  	s8 =	sshll.u32 s26, $0x1;
	_ =	strace $0x80000046;
	[dreg:$0x1] =	wrdreg $0xFFFFFFFF  }
0xaa: {  	s28 =	simm.s32 $_size_execute0_lowered;
	s6 =	sadd.s32 s6, s8;
	[dreg:$0x0] =	wrdreg $0x0  }
0xab: {  	s8 =	sshll.u32 s28, $0x1;
	[dreg:$0x2] =	wrdreg s6  }
0xac: {  	[dreg:$0x3] =	wrdreg s8  }
0xad: {  	[dreg:$0x4] =	wrdreg $0xC0  }
0xae: {  	_ =	task [dreg:s10], $0x5FFFF  }
0xaf: {  	[dreg:$0x1] =	wrdreg $0xFFFFFFFF  }
0xb0: {  	[dreg:$0x0] =	wrdreg $0x60  }
0xb1: {  	[dreg:$0x2] =	wrdreg s2  }
0xb2: {  	[dreg:$0x3] =	wrdreg s18  }
0xb3: {  	[dreg:$0x4] =	wrdreg s4  }
0xb4: {  	[dreg:$0x5] =	wrdreg s5  }
0xb5: {  	[dreg:$0x6] =	wrdreg s24  }
0xb6: {  	[dreg:$0x7] =	wrdreg $0x9  }
0xb7: {  	_ =	task.clear_ibuf [dreg:s10], $0x8FFFF;
	_ =	strace $0x90000046  }
0xb8: {  	s29 =	simm.s32 $0x9;
	_ =	strace $0x80000048  }
0xb9: {  	_ =	swait.ge [sflag:s29], $0x1  }
0xba: {  	[sflag:s29] =	ssyncadd.s32 $0xFFFFFFFF  }
0xbb: {  	_ =	strace $0x90000048  }
0xbc: {  	_ =	sfence  }
0xbd: {  	s30 =	sld [smem:$0x0];
	_ =	sdelay $0x2  }
0xbe: {  	s31 =	sshll.u32 s1, $0xD;
	s1 =	sshrl.u32 s1, $0x2  }
0xbf: {  	s3 =	sand.u32 $0x4000, s31;
	s1 =	sadd.s32 s1, s30  }
0xc0: {  	s0 =	sor.u32 s3, s0;
	s1 =	sshll.u32 s1, $0x11  }
0xc1: {  	s0 =	sor.u32 s1, s0  }
0xc2: {  	s0 =	sadd.s32 $0x8F2B, s0  }
0xc3: {  	[sflag:s0] =	ssyncadd.remote.s32 $0x1  }
0xc4: {  	_ =	sfence.sel $0xFFFF  }
0xc5: {  	[dreg:$0x0] =	wrdreg $0xFFFFFFFF;
	(pc) =	sbr.abs _section_cstart, $3  }
0xc6: {  	[dreg:$0x1] =	wrdreg $0xFFFFFFFF  }
0xc7: {  	_ =	task.clear_ibuf [dreg:s10], $0x2FFFF;
	_ =	strace $0x9FFFFFFF  }
0xc8: {  	(tm) =	ssettm $0x7FFFFFFF  }
0xc9: {  	_ =	shalt  }
tec
execute0_lowered:
.L_overlay_start_1:
0x0: {  	(tag) =	ssettag $0x1  }
0x1: {  	s1 =	rddreg [dreg:$0x0]  }
0x2: {  	s2 =	rddreg [dreg:$0x1]  }
0x3: {  	s0 =	rddreg [dreg:$0x2]  }
0x4: {  	s3 =	rddreg [dreg:$0x3]  }
0x5: {  	s4 =	rddreg [dreg:$0x4]  }
0x6: {  	s5 =	srdreg.scid;
	s6 =	stileid.u32  }
0x7: {  	s8 =	simm.s32 $0x0;
	s10 =	simm.s32 $0x9;
	s11 =	simm.s32 $0x400  }
0x8: {  	s12 =	simm.s32 $0x7A1400;
	s13 =	simm.s32 $0x4080;
	s14 =	simm.s32 $0x5080  }
0x9: {  	s15 =	simm.s32 $0x6080;
	s16 =	simm.s32 $0x7080;
	s17 =	simm.s32 $0x8080  }
0xa: {  	s18 =	simm.s32 $0x9080;
	s19 =	simm.s32 $0xA080;
	s20 =	simm.s32 $0xB080  }
0xb: {  	s21 =	simm.s32 $0x1;
	s22 =	simm.s32 $0x2;
	s23 =	simm.s32 $0x3  }
0xc: {  	s28 =	simm.s32 $0x7;
	s29 =	simm.s32 $0x8;
	s30 =	simm.s32 $0x80  }
0xd: {  	s31 =	simm.s32 $0x0;
	s5 =	sand.u32 $0x1, s5;
	s6 =	sshll.u32 s6, $0x8  }
0xe: {  	[smem:$0x7FF] =	sst s8;
	s7 =	sshll.u32 s5, $0x7;
	s5 =	ssub.s32 $0x2, s5  }
0xf: {  	_ =	strace $0x80000047;
	s6 =	sor.u32 s7, s6;
	s24 =	sshrl.u32 s5, $0x1  }
0x10: {  	s7 =	sshll.u32 s6, $0x4;
	s25 =	sshrl.u32 s6, $0x3;
	s9 =	ssub.s32 s5, s24  }
0x11: {  	vm0 =	vmmov $0x1;
	v0 =	vlaneseq.u32;
	s24 =	simm.s32 $0x4;
	s4 =	sadd.s32 s7, s4;
	s0 =	sadd.s32 s0, s25  }
0x12: {  	vm1 =	vcmask $0x308;
	vm2 =	vcmask $0x70C;
	v1 =	vmul.u32 $0x80, v0;
	s7 =	sadd.s32 s3, s25;
	s9 =	smax.u32 s9, $0x1;
	s25 =	simm.s32 $0x5  }
0x13: {  	vm3 =	vcmask $0xB10;
	vm4 =	vcmask $0xF14;
	vm5 =	vcmask $0x1318;
	[dreg:$0x6] =	wrdreg s0;
	s0 =	simm.s32 $0x0;
	s26 =	sadd.s32 $0x800, s4  }
0x14: {  	vm6 =	vcmask $0x171C;
	vm7 =	vcmask $0x1B20;
	v2 =	vor.u32 $0x800, v1;
	s8 =	sadd.s32 $0x10800, s4;
	[dreg:$0x7] =	wrdreg s26;
	s26 =	simm.s32 $0x6  }
.LBB2_1:
0x15: {  	s3 =	rddreg [dreg:$0x6]  }
0x16: {  	[tilespmem:s0], [sflag:$0x9] =	stream.linear.gather [hbm4b:s3+s0], $0x80, $0x38;
	[tilespmem:$0xC080] =	vst v63  }
0x17: {  	_ =	swait.ge [sflag:s10], $0x80  }
0x18: {  	[sflag:s10] =	ssyncset.done $0x0  }
0x19: {  	[sflag:s10] =	ssyncadd.s32 $0xFFFFFF80  }
0x1a: {  	v3 =	vld [tilespmem:$0x0];
	_ =	sdelay $0x4  }
0x1b: {  	v3 =	vnsel vm0, $0x0, v3  }
0x1c: {  	(xrf0) =	vadd.scan.msk.s32 $0xffff, v3;
	_ =	sdelay $0x5  }
0x1d: {  	v3, _, _ =	vpop (xrf0)  }
0x1e: {  	(v2sf) =	vpush v3, $0xF;
	_ =	sdelay $0xe  }
0x1f: {  	s3 =	spop (v2sf)  }
0x20: {  	s0 =	sand.u32 $0xFFFFF80, s3  }
0x21: {  	s0 =	sadd.s32 s1, s0  }
0x22: {  	[tilespmem:s13], [sflag:$0x1] =	stream.strided.gather [hbm4b:s0+s11], $0x1000, s12, s11, $0x38;
	[tilespmem:$0xC080] =	vst v63  }
0x23: {  	v3 =	vld [tilespmem:$0x0];
	_ =	sdelay $0x4  }
0x24: {  	v3 =	vsel vm1, $0x0, v3  }
0x25: {  	(xrf0) =	vadd.scan.msk.s32 $0xffff, v3;
	_ =	sdelay $0x5  }
0x26: {  	v3, _, _ =	vpop (xrf0)  }
0x27: {  	(v2sf) =	vpush v3, $0xF;
	_ =	sdelay $0xe  }
0x28: {  	s4 =	spop (v2sf)  }
0x29: {  	s0 =	sand.u32 $0xFFFFF80, s4  }
0x2a: {  	s0 =	sadd.s32 s1, s0  }
0x2b: {  	[tilespmem:s14], [sflag:$0x2] =	stream.strided.gather [hbm4b:s0+s11], $0x1000, s12, s11, $0x38;
	[tilespmem:$0xC080] =	vst v63  }
0x2c: {  	v3 =	vld [tilespmem:$0x0];
	_ =	sdelay $0x4  }
0x2d: {  	v3 =	vsel vm2, $0x0, v3  }
0x2e: {  	(xrf0) =	vadd.scan.msk.s32 $0xffff, v3;
	_ =	sdelay $0x5  }
0x2f: {  	v3, _, _ =	vpop (xrf0)  }
0x30: {  	(v2sf) =	vpush v3, $0xF;
	_ =	sdelay $0xe  }
0x31: {  	s5 =	spop (v2sf)  }
0x32: {  	s0 =	sand.u32 $0xFFFFF80, s5  }
0x33: {  	s0 =	sadd.s32 s1, s0  }
0x34: {  	[tilespmem:s15], [sflag:$0x3] =	stream.strided.gather [hbm4b:s0+s11], $0x1000, s12, s11, $0x38;
	[tilespmem:$0xC080] =	vst v63  }
0x35: {  	v3 =	vld [tilespmem:$0x0];
	_ =	sdelay $0x4  }
0x36: {  	v3 =	vsel vm3, $0x0, v3  }
0x37: {  	(xrf0) =	vadd.scan.msk.s32 $0xffff, v3;
	_ =	sdelay $0x5  }
0x38: {  	v3, _, _ =	vpop (xrf0)  }
0x39: {  	(v2sf) =	vpush v3, $0xF;
	_ =	sdelay $0xe  }
0x3a: {  	s6 =	spop (v2sf)  }
0x3b: {  	s0 =	sand.u32 $0xFFFFF80, s6  }
0x3c: {  	s0 =	sadd.s32 s1, s0  }
0x3d: {  	[tilespmem:s16], [sflag:$0x4] =	stream.strided.gather [hbm4b:s0+s11], $0x1000, s12, s11, $0x38;
	[tilespmem:$0xC080] =	vst v63  }
0x3e: {  	v3 =	vld [tilespmem:$0x0];
	_ =	sdelay $0x4  }
0x3f: {  	v3 =	vsel vm4, $0x0, v3  }
0x40: {  	(xrf0) =	vadd.scan.msk.s32 $0xffff, v3;
	_ =	sdelay $0x5  }
0x41: {  	v3, _, _ =	vpop (xrf0)  }
0x42: {  	(v2sf) =	vpush v3, $0xF;
	_ =	sdelay $0xe  }
0x43: {  	s3 =	spop (v2sf)  }
0x44: {  	s0 =	sand.u32 $0xFFFFF80, s3  }
0x45: {  	s0 =	sadd.s32 s1, s0  }
0x46: {  	[tilespmem:s17], [sflag:$0x5] =	stream.strided.gather [hbm4b:s0+s11], $0x1000, s12, s11, $0x38;
	[tilespmem:$0xC080] =	vst v63  }
0x47: {  	v3 =	vld [tilespmem:$0x0];
	_ =	sdelay $0x4  }
0x48: {  	v3 =	vsel vm5, $0x0, v3  }
0x49: {  	(xrf0) =	vadd.scan.msk.s32 $0xffff, v3;
	_ =	sdelay $0x5  }
0x4a: {  	v3, _, _ =	vpop (xrf0)  }
0x4b: {  	(v2sf) =	vpush v3, $0xF;
	_ =	sdelay $0xe  }
0x4c: {  	s4 =	spop (v2sf)  }
0x4d: {  	s0 =	sand.u32 $0xFFFFF80, s4  }
0x4e: {  	s0 =	sadd.s32 s1, s0  }
0x4f: {  	[tilespmem:s18], [sflag:$0x6] =	stream.strided.gather [hbm4b:s0+s11], $0x1000, s12, s11, $0x38;
	[tilespmem:$0xC080] =	vst v63  }
0x50: {  	v3 =	vld [tilespmem:$0x0];
	_ =	sdelay $0x4  }
0x51: {  	v3 =	vsel vm6, $0x0, v3  }
0x52: {  	(xrf0) =	vadd.scan.msk.s32 $0xffff, v3;
	_ =	sdelay $0x5  }
0x53: {  	v3, _, _ =	vpop (xrf0)  }
0x54: {  	(v2sf) =	vpush v3, $0xF;
	_ =	sdelay $0xe  }
0x55: {  	s5 =	spop (v2sf)  }
0x56: {  	s0 =	sand.u32 $0xFFFFF80, s5  }
0x57: {  	s0 =	sadd.s32 s1, s0  }
0x58: {  	[tilespmem:s19], [sflag:$0x7] =	stream.strided.gather [hbm4b:s0+s11], $0x1000, s12, s11, $0x38;
	[tilespmem:$0xC080] =	vst v63  }
0x59: {  	v3 =	vld [tilespmem:$0x0];
	_ =	sdelay $0x4  }
0x5a: {  	v3 =	vsel vm7, $0x0, v3  }
0x5b: {  	(xrf0) =	vadd.scan.msk.s32 $0xffff, v3;
	_ =	sdelay $0x5  }
0x5c: {  	v3, _, _ =	vpop (xrf0)  }
0x5d: {  	(v2sf) =	vpush v3, $0xF;
	_ =	sdelay $0xe  }
0x5e: {  	s6 =	spop (v2sf)  }
0x5f: {  	s0 =	sand.u32 $0xFFFFF80, s6  }
0x60: {  	s0 =	sadd.s32 s1, s0  }
0x61: {  	[tilespmem:s20], [sflag:$0x8] =	stream.strided.gather [hbm4b:s0+s11], $0x1000, s12, s11, $0x38;
	[tilespmem:$0xC080] =	vst v63  }
0x62: {  	s3 =	simm.s32 $0x0;
	s0 =	simm.s32 $0x280  }
.LBB2_2:
0x63: {  	_ =	swait.ge [sflag:s21], $0x1000  }
0x64: {  	[sflag:s21] =	ssyncset.done $0x0  }
0x65: {  	s4 =	sand.u32 $0x70, s3;
	[sflag:s21] =	ssyncadd.s32 $0xFFFFF000  }
0x66: {  	v3 =	vld [tilespmem:s4+$0x0];
	_ =	sdelay $0x1  }
0x67: {  	s5 =	sand.u32 $0x8, s3  }
0x68: {  	v4 =	vmov s5  }
0x69: {  	vm8 =	veq.s32 v4, v0  }
0x6a: {  	v3 =	vnsel vm8, $0x0, v3  }
0x6b: {  	(xrf0) =	vadd.scan.msk.s32 $0xffff, v3;
	_ =	sdelay $0x5  }
0x6c: {  	v3, _, _ =	vpop (xrf0)  }
0x6d: {  	(v2sf) =	vpush v3, $0xF;
	_ =	sdelay $0xe  }
0x6e: {  	s6 =	spop (v2sf)  }
0x6f: {  	s5 =	sand.u32 $0x7F, s6  }
0x70: {  	v3 =	vor.u32 s5, v1;
	_ =	sdelay $0x4  }
0x71: {  	v3 =	vld.idx.msk [tilespmem:v3+s13+$0x0], $0xffff  }
0x72: {  	v41 =	vor.u32 s5, v2;
	_ =	sdelay $0x3  }
0x73: {  	[tilespmem:s0+$0xFFFFFE00] =	vst v3  }
0x74: {  	v3 =	vld.idx.msk [tilespmem:v41+s13+$0x0], $0xffff;
	_ =	sdelay $0x2  }
0x75: {  	s6 =	smin.u32 s3, $0x77  }
0x76: {  	s5 =	sadd.s32 $0x8, s6  }
0x77: {  	s6 =	sand.u32 $0xF0, s5;
	[tilespmem:s0+$0xFFFFFE10] =	vst v3  }
0x78: {  	v3 =	vld [tilespmem:s6+$0x0];
	_ =	sdelay $0x1  }
0x79: {  	s5 =	sand.u32 $0xF, s5  }
0x7a: {  	v42 =	vmov s5  }
0x7b: {  	vm8 =	veq.s32 v42, v0  }
0x7c: {  	v3 =	vnsel vm8, $0x0, v3  }
0x7d: {  	(xrf0) =	vadd.scan.msk.s32 $0xffff, v3;
	_ =	sdelay $0x5  }
0x7e: {  	v3, _, _ =	vpop (xrf0)  }
0x7f: {  	(v2sf) =	vpush v3, $0xF;
	_ =	sdelay $0xe  }
0x80: {  	s6 =	spop (v2sf)  }
0x81: {  	s5 =	sand.u32 $0xFFFFF80, s6  }
0x82: {  	s5 =	sadd.s32 s1, s5  }
0x83: {  	[tilespmem:s13], [sflag:$0x1] =	stream.strided.gather [hbm4b:s5+s11], $0x1000, s12, s11, $0x38;
	[tilespmem:$0xC080] =	vst v63  }
0x84: {  	_ =	swait.ge [sflag:s22], $0x1000  }
0x85: {  	[sflag:s22] =	ssyncset.done $0x0  }
0x86: {  	[sflag:s22] =	ssyncadd.s32 $0xFFFFF000  }
0x87: {  	v3 =	vld [tilespmem:s4+$0x0]  }
0x88: {  	s6 =	sadd.s32 $0x1, s3  }
0x89: {  	s5 =	sand.u32 $0x9, s6  }
0x8a: {  	v43 =	vmov s5  }
0x8b: {  	vm8 =	veq.s32 v43, v0  }
0x8c: {  	v3 =	vnsel vm8, $0x0, v3  }
0x8d: {  	(xrf0) =	vadd.scan.msk.s32 $0xffff, v3;
	_ =	sdelay $0x5  }
0x8e: {  	v3, _, _ =	vpop (xrf0)  }
0x8f: {  	(v2sf) =	vpush v3, $0xF;
	_ =	sdelay $0xe  }
0x90: {  	s6 =	spop (v2sf)  }
0x91: {  	s5 =	sand.u32 $0x7F, s6  }
0x92: {  	v3 =	vor.u32 s5, v1;
	_ =	sdelay $0x4  }
0x93: {  	v3 =	vld.idx.msk [tilespmem:v3+s14+$0x0], $0xffff  }
0x94: {  	v44 =	vor.u32 s5, v2;
	_ =	sdelay $0x3  }
0x95: {  	[tilespmem:s0+$0xFFFFFE80] =	vst v3  }
0x96: {  	v3 =	vld.idx.msk [tilespmem:v44+s14+$0x0], $0xffff;
	_ =	sdelay $0x2  }
0x97: {  	s6 =	smin.u32 s3, $0x76  }
0x98: {  	s5 =	sadd.s32 $0x9, s6  }
0x99: {  	s6 =	sand.u32 $0xF0, s5;
	[tilespmem:s0+$0xFFFFFE90] =	vst v3  }
0x9a: {  	v3 =	vld [tilespmem:s6+$0x0];
	_ =	sdelay $0x1  }
0x9b: {  	s5 =	sand.u32 $0xF, s5  }
0x9c: {  	v45 =	vmov s5  }
0x9d: {  	vm8 =	veq.s32 v45, v0  }
0x9e: {  	v3 =	vnsel vm8, $0x0, v3  }
0x9f: {  	(xrf0) =	vadd.scan.msk.s32 $0xffff, v3;
	_ =	sdelay $0x5  }
0xa0: {  	v3, _, _ =	vpop (xrf0)  }
0xa1: {  	(v2sf) =	vpush v3, $0xF;
	_ =	sdelay $0xe  }
0xa2: {  	s6 =	spop (v2sf)  }
0xa3: {  	s5 =	sand.u32 $0xFFFFF80, s6  }
0xa4: {  	s5 =	sadd.s32 s1, s5  }
0xa5: {  	[tilespmem:s14], [sflag:$0x2] =	stream.strided.gather [hbm4b:s5+s11], $0x1000, s12, s11, $0x38;
	[tilespmem:$0xC080] =	vst v63  }
0xa6: {  	_ =	swait.ge [sflag:s23], $0x1000  }
0xa7: {  	[sflag:s23] =	ssyncset.done $0x0  }
0xa8: {  	[sflag:s23] =	ssyncadd.s32 $0xFFFFF000  }
0xa9: {  	v3 =	vld [tilespmem:s4+$0x0]  }
0xaa: {  	s6 =	sadd.s32 $0x2, s3  }
0xab: {  	s5 =	sand.u32 $0xA, s6  }
0xac: {  	v46 =	vmov s5  }
0xad: {  	vm8 =	veq.s32 v46, v0  }
0xae: {  	v3 =	vnsel vm8, $0x0, v3  }
0xaf: {  	(xrf0) =	vadd.scan.msk.s32 $0xffff, v3;
	_ =	sdelay $0x5  }
0xb0: {  	v3, _, _ =	vpop (xrf0)  }
0xb1: {  	(v2sf) =	vpush v3, $0xF;
	_ =	sdelay $0xe  }
0xb2: {  	s6 =	spop (v2sf)  }
0xb3: {  	s5 =	sand.u32 $0x7F, s6  }
0xb4: {  	v3 =	vor.u32 s5, v1;
	_ =	sdelay $0x4  }
0xb5: {  	v3 =	vld.idx.msk [tilespmem:v3+s15+$0x0], $0xffff  }
0xb6: {  	v47 =	vor.u32 s5, v2;
	_ =	sdelay $0x3  }
0xb7: {  	[tilespmem:s0+$0xFFFFFF00] =	vst v3  }
0xb8: {  	v3 =	vld.idx.msk [tilespmem:v47+s15+$0x0], $0xffff;
	_ =	sdelay $0x2  }
0xb9: {  	s6 =	smin.u32 s3, $0x75  }
0xba: {  	s5 =	sadd.s32 $0xA, s6  }
0xbb: {  	s6 =	sand.u32 $0xF0, s5;
	[tilespmem:s0+$0xFFFFFF10] =	vst v3  }
0xbc: {  	v3 =	vld [tilespmem:s6+$0x0];
	_ =	sdelay $0x1  }
0xbd: {  	s5 =	sand.u32 $0xF, s5  }
0xbe: {  	v48 =	vmov s5  }
0xbf: {  	vm8 =	veq.s32 v48, v0  }
0xc0: {  	v3 =	vnsel vm8, $0x0, v3  }
0xc1: {  	(xrf0) =	vadd.scan.msk.s32 $0xffff, v3;
	_ =	sdelay $0x5  }
0xc2: {  	v3, _, _ =	vpop (xrf0)  }
0xc3: {  	(v2sf) =	vpush v3, $0xF;
	_ =	sdelay $0xe  }
0xc4: {  	s6 =	spop (v2sf)  }
0xc5: {  	s5 =	sand.u32 $0xFFFFF80, s6  }
0xc6: {  	s5 =	sadd.s32 s1, s5  }
0xc7: {  	[tilespmem:s15], [sflag:$0x3] =	stream.strided.gather [hbm4b:s5+s11], $0x1000, s12, s11, $0x38;
	[tilespmem:$0xC080] =	vst v63  }
0xc8: {  	_ =	swait.ge [sflag:s24], $0x1000  }
0xc9: {  	[sflag:s24] =	ssyncset.done $0x0  }
0xca: {  	[sflag:s24] =	ssyncadd.s32 $0xFFFFF000  }
0xcb: {  	v3 =	vld [tilespmem:s4+$0x0]  }
0xcc: {  	s6 =	sadd.s32 $0x3, s3  }
0xcd: {  	s5 =	sand.u32 $0xB, s6  }
0xce: {  	v49 =	vmov s5  }
0xcf: {  	vm8 =	veq.s32 v49, v0  }
0xd0: {  	v3 =	vnsel vm8, $0x0, v3  }
0xd1: {  	(xrf0) =	vadd.scan.msk.s32 $0xffff, v3;
	_ =	sdelay $0x5  }
0xd2: {  	v3, _, _ =	vpop (xrf0)  }
0xd3: {  	(v2sf) =	vpush v3, $0xF;
	_ =	sdelay $0xe  }
0xd4: {  	s6 =	spop (v2sf)  }
0xd5: {  	s5 =	sand.u32 $0x7F, s6  }
0xd6: {  	v3 =	vor.u32 s5, v1;
	_ =	sdelay $0x4  }
0xd7: {  	v3 =	vld.idx.msk [tilespmem:v3+s16+$0x0], $0xffff  }
0xd8: {  	v50 =	vor.u32 s5, v2;
	_ =	sdelay $0x3  }
0xd9: {  	[tilespmem:s0+$0xFFFFFF80] =	vst v3  }
0xda: {  	v3 =	vld.idx.msk [tilespmem:v50+s16+$0x0], $0xffff;
	_ =	sdelay $0x2  }
0xdb: {  	s6 =	smin.u32 s3, $0x74  }
0xdc: {  	s5 =	sadd.s32 $0xB, s6  }
0xdd: {  	s6 =	sand.u32 $0xF0, s5;
	[tilespmem:s0+$0xFFFFFF90] =	vst v3  }
0xde: {  	v3 =	vld [tilespmem:s6+$0x0];
	_ =	sdelay $0x1  }
0xdf: {  	s5 =	sand.u32 $0xF, s5  }
0xe0: {  	v51 =	vmov s5  }
0xe1: {  	vm8 =	veq.s32 v51, v0  }
0xe2: {  	v3 =	vnsel vm8, $0x0, v3  }
0xe3: {  	(xrf0) =	vadd.scan.msk.s32 $0xffff, v3;
	_ =	sdelay $0x5  }
0xe4: {  	v3, _, _ =	vpop (xrf0)  }
0xe5: {  	(v2sf) =	vpush v3, $0xF;
	_ =	sdelay $0xe  }
0xe6: {  	s6 =	spop (v2sf)  }
0xe7: {  	s5 =	sand.u32 $0xFFFFF80, s6  }
0xe8: {  	s5 =	sadd.s32 s1, s5  }
0xe9: {  	[tilespmem:s16], [sflag:$0x4] =	stream.strided.gather [hbm4b:s5+s11], $0x1000, s12, s11, $0x38;
	[tilespmem:$0xC080] =	vst v63  }
0xea: {  	_ =	swait.ge [sflag:s25], $0x1000  }
0xeb: {  	[sflag:s25] =	ssyncset.done $0x0  }
0xec: {  	[sflag:s25] =	ssyncadd.s32 $0xFFFFF000  }
0xed: {  	v3 =	vld [tilespmem:s4+$0x0]  }
0xee: {  	s6 =	sadd.s32 $0x4, s3  }
0xef: {  	s5 =	sand.u32 $0xC, s6  }
0xf0: {  	v52 =	vmov s5  }
0xf1: {  	vm8 =	veq.s32 v52, v0  }
0xf2: {  	v3 =	vnsel vm8, $0x0, v3  }
0xf3: {  	(xrf0) =	vadd.scan.msk.s32 $0xffff, v3;
	_ =	sdelay $0x5  }
0xf4: {  	v3, _, _ =	vpop (xrf0)  }
0xf5: {  	(v2sf) =	vpush v3, $0xF;
	_ =	sdelay $0xe  }
0xf6: {  	s6 =	spop (v2sf)  }
0xf7: {  	s5 =	sand.u32 $0x7F, s6  }
0xf8: {  	v3 =	vor.u32 s5, v1;
	_ =	sdelay $0x4  }
0xf9: {  	v3 =	vld.idx.msk [tilespmem:v3+s17+$0x0], $0xffff  }
0xfa: {  	v53 =	vor.u32 s5, v2;
	_ =	sdelay $0x3  }
0xfb: {  	[tilespmem:s0+$0x0] =	vst v3  }
0xfc: {  	v3 =	vld.idx.msk [tilespmem:v53+s17+$0x0], $0xffff;
	_ =	sdelay $0x2  }
0xfd: {  	s6 =	smin.u32 s3, $0x73  }
0xfe: {  	s5 =	sadd.s32 $0xC, s6  }
0xff: {  	s6 =	sand.u32 $0xF0, s5;
	[tilespmem:s0+$0x10] =	vst v3  }
0x100: {  	v3 =	vld [tilespmem:s6+$0x0];
	_ =	sdelay $0x1  }
0x101: {  	s5 =	sand.u32 $0xF, s5  }
0x102: {  	v54 =	vmov s5  }
0x103: {  	vm8 =	veq.s32 v54, v0  }
0x104: {  	v3 =	vnsel vm8, $0x0, v3  }
0x105: {  	(xrf0) =	vadd.scan.msk.s32 $0xffff, v3;
	_ =	sdelay $0x5  }
0x106: {  	v3, _, _ =	vpop (xrf0)  }
0x107: {  	(v2sf) =	vpush v3, $0xF;
	_ =	sdelay $0xe  }
0x108: {  	s6 =	spop (v2sf)  }
0x109: {  	s5 =	sand.u32 $0xFFFFF80, s6  }
0x10a: {  	s5 =	sadd.s32 s1, s5  }
0x10b: {  	[tilespmem:s17], [sflag:$0x5] =	stream.strided.gather [hbm4b:s5+s11], $0x1000, s12, s11, $0x38;
	[tilespmem:$0xC080] =	vst v63  }
0x10c: {  	_ =	swait.ge [sflag:s26], $0x1000  }
0x10d: {  	[sflag:s26] =	ssyncset.done $0x0  }
0x10e: {  	[sflag:s26] =	ssyncadd.s32 $0xFFFFF000  }
0x10f: {  	v3 =	vld [tilespmem:s4+$0x0]  }
0x110: {  	s6 =	sadd.s32 $0x5, s3  }
0x111: {  	s5 =	sand.u32 $0xD, s6  }
0x112: {  	v55 =	vmov s5  }
0x113: {  	vm8 =	veq.s32 v55, v0  }
0x114: {  	v3 =	vnsel vm8, $0x0, v3  }
0x115: {  	(xrf0) =	vadd.scan.msk.s32 $0xffff, v3;
	_ =	sdelay $0x5  }
0x116: {  	v3, _, _ =	vpop (xrf0)  }
0x117: {  	(v2sf) =	vpush v3, $0xF;
	_ =	sdelay $0xe  }
0x118: {  	s6 =	spop (v2sf)  }
0x119: {  	s5 =	sand.u32 $0x7F, s6  }
0x11a: {  	v3 =	vor.u32 s5, v1;
	_ =	sdelay $0x4  }
0x11b: {  	v3 =	vld.idx.msk [tilespmem:v3+s18+$0x0], $0xffff  }
0x11c: {  	v56 =	vor.u32 s5, v2;
	_ =	sdelay $0x3  }
0x11d: {  	[tilespmem:s0+$0x80] =	vst v3  }
0x11e: {  	v3 =	vld.idx.msk [tilespmem:v56+s18+$0x0], $0xffff;
	_ =	sdelay $0x2  }
0x11f: {  	s6 =	smin.u32 s3, $0x72  }
0x120: {  	s5 =	sadd.s32 $0xD, s6  }
0x121: {  	s6 =	sand.u32 $0xF0, s5;
	[tilespmem:s0+$0x90] =	vst v3  }
0x122: {  	v3 =	vld [tilespmem:s6+$0x0];
	_ =	sdelay $0x1  }
0x123: {  	s5 =	sand.u32 $0xF, s5  }
0x124: {  	v57 =	vmov s5  }
0x125: {  	vm8 =	veq.s32 v57, v0  }
0x126: {  	v3 =	vnsel vm8, $0x0, v3  }
0x127: {  	(xrf0) =	vadd.scan.msk.s32 $0xffff, v3;
	_ =	sdelay $0x5  }
0x128: {  	v3, _, _ =	vpop (xrf0)  }
0x129: {  	(v2sf) =	vpush v3, $0xF;
	_ =	sdelay $0xe  }
0x12a: {  	s6 =	spop (v2sf)  }
0x12b: {  	s5 =	sand.u32 $0xFFFFF80, s6  }
0x12c: {  	s5 =	sadd.s32 s1, s5  }
0x12d: {  	[tilespmem:s18], [sflag:$0x6] =	stream.strided.gather [hbm4b:s5+s11], $0x1000, s12, s11, $0x38;
	[tilespmem:$0xC080] =	vst v63  }
0x12e: {  	_ =	swait.ge [sflag:s28], $0x1000  }
0x12f: {  	[sflag:s28] =	ssyncset.done $0x0  }
0x130: {  	[sflag:s28] =	ssyncadd.s32 $0xFFFFF000  }
0x131: {  	v3 =	vld [tilespmem:s4+$0x0]  }
0x132: {  	s6 =	sadd.s32 $0x6, s3  }
0x133: {  	s5 =	sand.u32 $0xE, s6  }
0x134: {  	v58 =	vmov s5  }
0x135: {  	vm8 =	veq.s32 v58, v0  }
0x136: {  	v3 =	vnsel vm8, $0x0, v3  }
0x137: {  	(xrf0) =	vadd.scan.msk.s32 $0xffff, v3;
	_ =	sdelay $0x5  }
0x138: {  	v3, _, _ =	vpop (xrf0)  }
0x139: {  	(v2sf) =	vpush v3, $0xF;
	_ =	sdelay $0xe  }
0x13a: {  	s6 =	spop (v2sf)  }
0x13b: {  	s5 =	sand.u32 $0x7F, s6  }
0x13c: {  	v3 =	vor.u32 s5, v1;
	_ =	sdelay $0x4  }
0x13d: {  	v3 =	vld.idx.msk [tilespmem:v3+s19+$0x0], $0xffff  }
0x13e: {  	v59 =	vor.u32 s5, v2;
	_ =	sdelay $0x3  }
0x13f: {  	[tilespmem:s0+$0x100] =	vst v3  }
0x140: {  	v3 =	vld.idx.msk [tilespmem:v59+s19+$0x0], $0xffff;
	_ =	sdelay $0x2  }
0x141: {  	s6 =	smin.u32 s3, $0x71  }
0x142: {  	s5 =	sadd.s32 $0xE, s6  }
0x143: {  	s6 =	sand.u32 $0xF0, s5;
	[tilespmem:s0+$0x110] =	vst v3  }
0x144: {  	v3 =	vld [tilespmem:s6+$0x0];
	_ =	sdelay $0x1  }
0x145: {  	s5 =	sand.u32 $0xF, s5  }
0x146: {  	v60 =	vmov s5  }
0x147: {  	vm8 =	veq.s32 v60, v0  }
0x148: {  	v3 =	vnsel vm8, $0x0, v3  }
0x149: {  	(xrf0) =	vadd.scan.msk.s32 $0xffff, v3;
	_ =	sdelay $0x5  }
0x14a: {  	v3, _, _ =	vpop (xrf0)  }
0x14b: {  	(v2sf) =	vpush v3, $0xF;
	_ =	sdelay $0xe  }
0x14c: {  	s6 =	spop (v2sf)  }
0x14d: {  	s5 =	sand.u32 $0xFFFFF80, s6  }
0x14e: {  	s5 =	sadd.s32 s1, s5  }
0x14f: {  	[tilespmem:s19], [sflag:$0x7] =	stream.strided.gather [hbm4b:s5+s11], $0x1000, s12, s11, $0x38;
	[tilespmem:$0xC080] =	vst v63  }
0x150: {  	_ =	swait.ge [sflag:s29], $0x1000  }
0x151: {  	[sflag:s29] =	ssyncset.done $0x0  }
0x152: {  	[sflag:s29] =	ssyncadd.s32 $0xFFFFF000  }
0x153: {  	v3 =	vld [tilespmem:s4+$0x0]  }
0x154: {  	s5 =	sadd.s32 $0x7, s3  }
0x155: {  	s4 =	sand.u32 $0xF, s5  }
0x156: {  	v61 =	vmov s4  }
0x157: {  	vm8 =	veq.s32 v61, v0  }
0x158: {  	v3 =	vnsel vm8, $0x0, v3  }
0x159: {  	(xrf0) =	vadd.scan.msk.s32 $0xffff, v3;
	_ =	sdelay $0x5  }
0x15a: {  	v3, _, _ =	vpop (xrf0)  }
0x15b: {  	(v2sf) =	vpush v3, $0xF;
	_ =	sdelay $0xe  }
0x15c: {  	s6 =	spop (v2sf)  }
0x15d: {  	s4 =	sand.u32 $0x7F, s6  }
0x15e: {  	v3 =	vor.u32 s4, v1;
	_ =	sdelay $0x4  }
0x15f: {  	v3 =	vld.idx.msk [tilespmem:v3+s20+$0x0], $0xffff  }
0x160: {  	v62 =	vor.u32 s4, v2;
	_ =	sdelay $0x3  }
0x161: {  	[tilespmem:s0+$0x180] =	vst v3  }
0x162: {  	v3 =	vld.idx.msk [tilespmem:v62+s20+$0x0], $0xffff;
	_ =	sdelay $0x2  }
0x163: {  	s5 =	smin.u32 s3, $0x70  }
0x164: {  	s4 =	sadd.s32 $0xF, s5  }
0x165: {  	s6 =	sand.u32 $0xF0, s4;
	[tilespmem:s0+$0x190] =	vst v3  }
0x166: {  	v3 =	vld [tilespmem:s6+$0x0];
	_ =	sdelay $0x1  }
0x167: {  	s4 =	sand.u32 $0xF, s4  }
0x168: {  	v63 =	vmov s4  }
0x169: {  	vm8 =	veq.s32 v63, v0  }
0x16a: {  	v3 =	vnsel vm8, $0x0, v3  }
0x16b: {  	(xrf0) =	vadd.scan.msk.s32 $0xffff, v3;
	_ =	sdelay $0x5  }
0x16c: {  	v3, _, _ =	vpop (xrf0)  }
0x16d: {  	(v2sf) =	vpush v3, $0xF;
	_ =	sdelay $0xc  }
0x16e: {  	p0 =	sne.s32 s3, $0x78  }
.Ltmp0:
0x16f: {  	_ = 	snop;
	(pc) =	sbr.rel @p0 .LBB2_2-.Ltmp0, $4  }
0x170: {  	s6 =	spop (v2sf)  }
0x171: {  	s4 =	sand.u32 $0xFFFFF80, s6  }
0x172: {  	s3 =	sadd.s32 $0x8, s3;
	s0 =	sadd.s32 $0x400, s0;
	s4 =	sadd.s32 s1, s4  }
0x173: {  	[tilespmem:s20], [sflag:$0x8] =	stream.strided.gather [hbm4b:s4+s11], $0x1000, s12, s11, $0x38;
	[tilespmem:$0xC080] =	vst v63  }
0x174: {  	_ =	swait.ge [sflag:s21], $0x1000  }
0x175: {  	[sflag:s21] =	ssyncset.done $0x0  }
0x176: {  	[sflag:s21] =	ssyncadd.s32 $0xFFFFF000  }
0x177: {  	_ =	swait.ge [sflag:s22], $0x1000  }
0x178: {  	[sflag:s22] =	ssyncset.done $0x0  }
0x179: {  	[sflag:s22] =	ssyncadd.s32 $0xFFFFF000  }
0x17a: {  	_ =	swait.ge [sflag:s23], $0x1000  }
0x17b: {  	[sflag:s23] =	ssyncset.done $0x0  }
0x17c: {  	[sflag:s23] =	ssyncadd.s32 $0xFFFFF000  }
0x17d: {  	_ =	swait.ge [sflag:s24], $0x1000  }
0x17e: {  	[sflag:s24] =	ssyncset.done $0x0  }
0x17f: {  	[sflag:s24] =	ssyncadd.s32 $0xFFFFF000  }
0x180: {  	_ =	swait.ge [sflag:s25], $0x1000  }
0x181: {  	[sflag:s25] =	ssyncset.done $0x0  }
0x182: {  	[sflag:s25] =	ssyncadd.s32 $0xFFFFF000  }
0x183: {  	_ =	swait.ge [sflag:s26], $0x1000  }
0x184: {  	[sflag:s26] =	ssyncset.done $0x0  }
0x185: {  	[sflag:s26] =	ssyncadd.s32 $0xFFFFF000  }
0x186: {  	_ =	swait.ge [sflag:s28], $0x1000  }
0x187: {  	[sflag:s28] =	ssyncset.done $0x0  }
0x188: {  	[sflag:s28] =	ssyncadd.s32 $0xFFFFF000  }
0x189: {  	_ =	swait.ge [sflag:s29], $0x1000  }
0x18a: {  	[sflag:s29] =	ssyncset.done $0x0  }
0x18b: {  	s0 =	simm.s32 $0x0;
	s3 =	rddreg [dreg:$0x7];
	[sflag:s29] =	ssyncadd.s32 $0xFFFFF000  }
0x18c: {  	[hbm4b:s3+s0] =	stream.linear.scatter [tilespmem:s30], [sflag:$0x9], $0x4000, $0x38;
	[tilespmem:$0xC080] =	vst v63  }
0x18d: {  	_ =	swait.ge [sflag:s10], $0x4000  }
0x18e: {  	[sflag:s10] =	ssyncset.done $0x0  }
0x18f: {  	[sflag:s10] =	ssyncadd.s32 $0xFFFFC000  }
0x190: {  	[tilespmem:s0], [sflag:$0x9] =	stream.linear.gather [hbm4b:s7+s0], $0x80, $0x38;
	[tilespmem:$0xC080] =	vst v63  }
0x191: {  	_ =	swait.ge [sflag:s10], $0x80  }
0x192: {  	[sflag:s10] =	ssyncset.done $0x0  }
0x193: {  	[sflag:s10] =	ssyncadd.s32 $0xFFFFFF80  }
0x194: {  	v3 =	vld [tilespmem:$0x0];
	_ =	sdelay $0x4  }
0x195: {  	v3 =	vnsel vm0, $0x0, v3  }
0x196: {  	(xrf0) =	vadd.scan.msk.s32 $0xffff, v3;
	_ =	sdelay $0x5  }
0x197: {  	v3, _, _ =	vpop (xrf0)  }
0x198: {  	(v2sf) =	vpush v3, $0xF;
	_ =	sdelay $0xe  }
0x199: {  	s5 =	spop (v2sf)  }
0x19a: {  	s3 =	sand.u32 $0xFFFFF80, s5  }
0x19b: {  	s3 =	sadd.s32 s2, s3  }
0x19c: {  	[tilespmem:s13], [sflag:$0x1] =	stream.strided.gather [hbm4b:s3+s11], $0x1000, s12, s11, $0x38;
	[tilespmem:$0xC080] =	vst v63  }
0x19d: {  	v3 =	vld [tilespmem:$0x0];
	_ =	sdelay $0x4  }
0x19e: {  	v3 =	vsel vm1, $0x0, v3  }
0x19f: {  	(xrf0) =	vadd.scan.msk.s32 $0xffff, v3;
	_ =	sdelay $0x5  }
0x1a0: {  	v3, _, _ =	vpop (xrf0)  }
0x1a1: {  	(v2sf) =	vpush v3, $0xF;
	_ =	sdelay $0xe  }
0x1a2: {  	s6 =	spop (v2sf)  }
0x1a3: {  	s3 =	sand.u32 $0xFFFFF80, s6  }
0x1a4: {  	s3 =	sadd.s32 s2, s3  }
0x1a5: {  	[tilespmem:s14], [sflag:$0x2] =	stream.strided.gather [hbm4b:s3+s11], $0x1000, s12, s11, $0x38;
	[tilespmem:$0xC080] =	vst v63  }
0x1a6: {  	v3 =	vld [tilespmem:$0x0];
	_ =	sdelay $0x4  }
0x1a7: {  	v3 =	vsel vm2, $0x0, v3  }
0x1a8: {  	(xrf0) =	vadd.scan.msk.s32 $0xffff, v3;
	_ =	sdelay $0x5  }
0x1a9: {  	v3, _, _ =	vpop (xrf0)  }
0x1aa: {  	(v2sf) =	vpush v3, $0xF;
	_ =	sdelay $0xe  }
0x1ab: {  	s4 =	spop (v2sf)  }
0x1ac: {  	s3 =	sand.u32 $0xFFFFF80, s4  }
0x1ad: {  	s3 =	sadd.s32 s2, s3  }
0x1ae: {  	[tilespmem:s15], [sflag:$0x3] =	stream.strided.gather [hbm4b:s3+s11], $0x1000, s12, s11, $0x38;
	[tilespmem:$0xC080] =	vst v63  }
0x1af: {  	v3 =	vld [tilespmem:$0x0];
	_ =	sdelay $0x4  }
0x1b0: {  	v3 =	vsel vm3, $0x0, v3  }
0x1b1: {  	(xrf0) =	vadd.scan.msk.s32 $0xffff, v3;
	_ =	sdelay $0x5  }
0x1b2: {  	v3, _, _ =	vpop (xrf0)  }
0x1b3: {  	(v2sf) =	vpush v3, $0xF;
	_ =	sdelay $0xe  }
0x1b4: {  	s5 =	spop (v2sf)  }
0x1b5: {  	s3 =	sand.u32 $0xFFFFF80, s5  }
0x1b6: {  	s3 =	sadd.s32 s2, s3  }
0x1b7: {  	[tilespmem:s16], [sflag:$0x4] =	stream.strided.gather [hbm4b:s3+s11], $0x1000, s12, s11, $0x38;
	[tilespmem:$0xC080] =	vst v63  }
0x1b8: {  	v3 =	vld [tilespmem:$0x0];
	_ =	sdelay $0x4  }
0x1b9: {  	v3 =	vsel vm4, $0x0, v3  }
0x1ba: {  	(xrf0) =	vadd.scan.msk.s32 $0xffff, v3;
	_ =	sdelay $0x5  }
0x1bb: {  	v3, _, _ =	vpop (xrf0)  }
0x1bc: {  	(v2sf) =	vpush v3, $0xF;
	_ =	sdelay $0xe  }
0x1bd: {  	s6 =	spop (v2sf)  }
0x1be: {  	s3 =	sand.u32 $0xFFFFF80, s6  }
0x1bf: {  	s3 =	sadd.s32 s2, s3  }
0x1c0: {  	[tilespmem:s17], [sflag:$0x5] =	stream.strided.gather [hbm4b:s3+s11], $0x1000, s12, s11, $0x38;
	[tilespmem:$0xC080] =	vst v63  }
0x1c1: {  	v3 =	vld [tilespmem:$0x0];
	_ =	sdelay $0x4  }
0x1c2: {  	v3 =	vsel vm5, $0x0, v3  }
0x1c3: {  	(xrf0) =	vadd.scan.msk.s32 $0xffff, v3;
	_ =	sdelay $0x5  }
0x1c4: {  	v3, _, _ =	vpop (xrf0)  }
0x1c5: {  	(v2sf) =	vpush v3, $0xF;
	_ =	sdelay $0xe  }
0x1c6: {  	s4 =	spop (v2sf)  }
0x1c7: {  	s3 =	sand.u32 $0xFFFFF80, s4  }
0x1c8: {  	s3 =	sadd.s32 s2, s3  }
0x1c9: {  	[tilespmem:s18], [sflag:$0x6] =	stream.strided.gather [hbm4b:s3+s11], $0x1000, s12, s11, $0x38;
	[tilespmem:$0xC080] =	vst v63  }
0x1ca: {  	v3 =	vld [tilespmem:$0x0];
	_ =	sdelay $0x4  }
0x1cb: {  	v3 =	vsel vm6, $0x0, v3  }
0x1cc: {  	(xrf0) =	vadd.scan.msk.s32 $0xffff, v3;
	_ =	sdelay $0x5  }
0x1cd: {  	v3, _, _ =	vpop (xrf0)  }
0x1ce: {  	(v2sf) =	vpush v3, $0xF;
	_ =	sdelay $0xe  }
0x1cf: {  	s5 =	spop (v2sf)  }
0x1d0: {  	s3 =	sand.u32 $0xFFFFF80, s5  }
0x1d1: {  	s3 =	sadd.s32 s2, s3  }
0x1d2: {  	[tilespmem:s19], [sflag:$0x7] =	stream.strided.gather [hbm4b:s3+s11], $0x1000, s12, s11, $0x38;
	[tilespmem:$0xC080] =	vst v63  }
0x1d3: {  	v3 =	vld [tilespmem:$0x0];
	_ =	sdelay $0x4  }
0x1d4: {  	v3 =	vsel vm7, $0x0, v3  }
0x1d5: {  	(xrf0) =	vadd.scan.msk.s32 $0xffff, v3;
	_ =	sdelay $0x5  }
0x1d6: {  	v3, _, _ =	vpop (xrf0)  }
0x1d7: {  	(v2sf) =	vpush v3, $0xF;
	_ =	sdelay $0xe  }
0x1d8: {  	s6 =	spop (v2sf)  }
0x1d9: {  	s3 =	sand.u32 $0xFFFFF80, s6  }
0x1da: {  	s3 =	sadd.s32 s2, s3  }
0x1db: {  	[tilespmem:s20], [sflag:$0x8] =	stream.strided.gather [hbm4b:s3+s11], $0x1000, s12, s11, $0x38;
	[tilespmem:$0xC080] =	vst v63  }
0x1dc: {  	s3 =	simm.s32 $0x280  }
.LBB2_4:
0x1dd: {  	_ =	swait.ge [sflag:s21], $0x1000  }
0x1de: {  	[sflag:s21] =	ssyncset.done $0x0  }
0x1df: {  	s4 =	sand.u32 $0x70, s0;
	[sflag:s21] =	ssyncadd.s32 $0xFFFFF000  }
0x1e0: {  	v3 =	vld [tilespmem:s4+$0x0];
	_ =	sdelay $0x1  }
0x1e1: {  	s5 =	sand.u32 $0x8, s0  }
0x1e2: {  	v4 =	vmov s5  }
0x1e3: {  	vm8 =	veq.s32 v4, v0  }
0x1e4: {  	v3 =	vnsel vm8, $0x0, v3  }
0x1e5: {  	(xrf0) =	vadd.scan.msk.s32 $0xffff, v3;
	_ =	sdelay $0x5  }
0x1e6: {  	v3, _, _ =	vpop (xrf0)  }
0x1e7: {  	(v2sf) =	vpush v3, $0xF;
	_ =	sdelay $0xe  }
0x1e8: {  	s6 =	spop (v2sf)  }
0x1e9: {  	s5 =	sand.u32 $0x7F, s6  }
0x1ea: {  	v3 =	vor.u32 s5, v1;
	_ =	sdelay $0x4  }
0x1eb: {  	v3 =	vld.idx.msk [tilespmem:v3+s13+$0x0], $0xffff  }
0x1ec: {  	v41 =	vor.u32 s5, v2;
	_ =	sdelay $0x3  }
0x1ed: {  	[tilespmem:s3+$0xFFFFFE00] =	vst v3  }
0x1ee: {  	v3 =	vld.idx.msk [tilespmem:v41+s13+$0x0], $0xffff;
	_ =	sdelay $0x2  }
0x1ef: {  	s6 =	smin.u32 s0, $0x77  }
0x1f0: {  	s5 =	sadd.s32 $0x8, s6  }
0x1f1: {  	s6 =	sand.u32 $0xF0, s5;
	[tilespmem:s3+$0xFFFFFE10] =	vst v3  }
0x1f2: {  	v3 =	vld [tilespmem:s6+$0x0];
	_ =	sdelay $0x1  }
0x1f3: {  	s5 =	sand.u32 $0xF, s5  }
0x1f4: {  	v42 =	vmov s5  }
0x1f5: {  	vm8 =	veq.s32 v42, v0  }
0x1f6: {  	v3 =	vnsel vm8, $0x0, v3  }
0x1f7: {  	(xrf0) =	vadd.scan.msk.s32 $0xffff, v3;
	_ =	sdelay $0x5  }
0x1f8: {  	v3, _, _ =	vpop (xrf0)  }
0x1f9: {  	(v2sf) =	vpush v3, $0xF;
	_ =	sdelay $0xe  }
0x1fa: {  	s6 =	spop (v2sf)  }
0x1fb: {  	s5 =	sand.u32 $0xFFFFF80, s6  }
0x1fc: {  	s5 =	sadd.s32 s2, s5  }
0x1fd: {  	[tilespmem:s13], [sflag:$0x1] =	stream.strided.gather [hbm4b:s5+s11], $0x1000, s12, s11, $0x38;
	[tilespmem:$0xC080] =	vst v63  }
0x1fe: {  	_ =	swait.ge [sflag:s22], $0x1000  }
0x1ff: {  	[sflag:s22] =	ssyncset.done $0x0  }
0x200: {  	[sflag:s22] =	ssyncadd.s32 $0xFFFFF000  }
0x201: {  	v3 =	vld [tilespmem:s4+$0x0]  }
0x202: {  	s6 =	sadd.s32 $0x1, s0  }
0x203: {  	s5 =	sand.u32 $0x9, s6  }
0x204: {  	v43 =	vmov s5  }
0x205: {  	vm8 =	veq.s32 v43, v0  }
0x206: {  	v3 =	vnsel vm8, $0x0, v3  }
0x207: {  	(xrf0) =	vadd.scan.msk.s32 $0xffff, v3;
	_ =	sdelay $0x5  }
0x208: {  	v3, _, _ =	vpop (xrf0)  }
0x209: {  	(v2sf) =	vpush v3, $0xF;
	_ =	sdelay $0xe  }
0x20a: {  	s6 =	spop (v2sf)  }
0x20b: {  	s5 =	sand.u32 $0x7F, s6  }
0x20c: {  	v3 =	vor.u32 s5, v1;
	_ =	sdelay $0x4  }
0x20d: {  	v3 =	vld.idx.msk [tilespmem:v3+s14+$0x0], $0xffff  }
0x20e: {  	v44 =	vor.u32 s5, v2;
	_ =	sdelay $0x3  }
0x20f: {  	[tilespmem:s3+$0xFFFFFE80] =	vst v3  }
0x210: {  	v3 =	vld.idx.msk [tilespmem:v44+s14+$0x0], $0xffff;
	_ =	sdelay $0x2  }
0x211: {  	s6 =	smin.u32 s0, $0x76  }
0x212: {  	s5 =	sadd.s32 $0x9, s6  }
0x213: {  	s6 =	sand.u32 $0xF0, s5;
	[tilespmem:s3+$0xFFFFFE90] =	vst v3  }
0x214: {  	v3 =	vld [tilespmem:s6+$0x0];
	_ =	sdelay $0x1  }
0x215: {  	s5 =	sand.u32 $0xF, s5  }
0x216: {  	v45 =	vmov s5  }
0x217: {  	vm8 =	veq.s32 v45, v0  }
0x218: {  	v3 =	vnsel vm8, $0x0, v3  }
0x219: {  	(xrf0) =	vadd.scan.msk.s32 $0xffff, v3;
	_ =	sdelay $0x5  }
0x21a: {  	v3, _, _ =	vpop (xrf0)  }
0x21b: {  	(v2sf) =	vpush v3, $0xF;
	_ =	sdelay $0xe  }
0x21c: {  	s6 =	spop (v2sf)  }
0x21d: {  	s5 =	sand.u32 $0xFFFFF80, s6  }
0x21e: {  	s5 =	sadd.s32 s2, s5  }
0x21f: {  	[tilespmem:s14], [sflag:$0x2] =	stream.strided.gather [hbm4b:s5+s11], $0x1000, s12, s11, $0x38;
	[tilespmem:$0xC080] =	vst v63  }
0x220: {  	_ =	swait.ge [sflag:s23], $0x1000  }
0x221: {  	[sflag:s23] =	ssyncset.done $0x0  }
0x222: {  	[sflag:s23] =	ssyncadd.s32 $0xFFFFF000  }
0x223: {  	v3 =	vld [tilespmem:s4+$0x0]  }
0x224: {  	s6 =	sadd.s32 $0x2, s0  }
0x225: {  	s5 =	sand.u32 $0xA, s6  }
0x226: {  	v46 =	vmov s5  }
0x227: {  	vm8 =	veq.s32 v46, v0  }
0x228: {  	v3 =	vnsel vm8, $0x0, v3  }
0x229: {  	(xrf0) =	vadd.scan.msk.s32 $0xffff, v3;
	_ =	sdelay $0x5  }
0x22a: {  	v3, _, _ =	vpop (xrf0)  }
0x22b: {  	(v2sf) =	vpush v3, $0xF;
	_ =	sdelay $0xe  }
0x22c: {  	s6 =	spop (v2sf)  }
0x22d: {  	s5 =	sand.u32 $0x7F, s6  }
0x22e: {  	v3 =	vor.u32 s5, v1;
	_ =	sdelay $0x4  }
0x22f: {  	v3 =	vld.idx.msk [tilespmem:v3+s15+$0x0], $0xffff  }
0x230: {  	v47 =	vor.u32 s5, v2;
	_ =	sdelay $0x3  }
0x231: {  	[tilespmem:s3+$0xFFFFFF00] =	vst v3  }
0x232: {  	v3 =	vld.idx.msk [tilespmem:v47+s15+$0x0], $0xffff;
	_ =	sdelay $0x2  }
0x233: {  	s6 =	smin.u32 s0, $0x75  }
0x234: {  	s5 =	sadd.s32 $0xA, s6  }
0x235: {  	s6 =	sand.u32 $0xF0, s5;
	[tilespmem:s3+$0xFFFFFF10] =	vst v3  }
0x236: {  	v3 =	vld [tilespmem:s6+$0x0];
	_ =	sdelay $0x1  }
0x237: {  	s5 =	sand.u32 $0xF, s5  }
0x238: {  	v48 =	vmov s5  }
0x239: {  	vm8 =	veq.s32 v48, v0  }
0x23a: {  	v3 =	vnsel vm8, $0x0, v3  }
0x23b: {  	(xrf0) =	vadd.scan.msk.s32 $0xffff, v3;
	_ =	sdelay $0x5  }
0x23c: {  	v3, _, _ =	vpop (xrf0)  }
0x23d: {  	(v2sf) =	vpush v3, $0xF;
	_ =	sdelay $0xe  }
0x23e: {  	s6 =	spop (v2sf)  }
0x23f: {  	s5 =	sand.u32 $0xFFFFF80, s6  }
0x240: {  	s5 =	sadd.s32 s2, s5  }
0x241: {  	[tilespmem:s15], [sflag:$0x3] =	stream.strided.gather [hbm4b:s5+s11], $0x1000, s12, s11, $0x38;
	[tilespmem:$0xC080] =	vst v63  }
0x242: {  	_ =	swait.ge [sflag:s24], $0x1000  }
0x243: {  	[sflag:s24] =	ssyncset.done $0x0  }
0x244: {  	[sflag:s24] =	ssyncadd.s32 $0xFFFFF000  }
0x245: {  	v3 =	vld [tilespmem:s4+$0x0]  }
0x246: {  	s6 =	sadd.s32 $0x3, s0  }
0x247: {  	s5 =	sand.u32 $0xB, s6  }
0x248: {  	v49 =	vmov s5  }
0x249: {  	vm8 =	veq.s32 v49, v0  }
0x24a: {  	v3 =	vnsel vm8, $0x0, v3  }
0x24b: {  	(xrf0) =	vadd.scan.msk.s32 $0xffff, v3;
	_ =	sdelay $0x5  }
0x24c: {  	v3, _, _ =	vpop (xrf0)  }
0x24d: {  	(v2sf) =	vpush v3, $0xF;
	_ =	sdelay $0xe  }
0x24e: {  	s6 =	spop (v2sf)  }
0x24f: {  	s5 =	sand.u32 $0x7F, s6  }
0x250: {  	v3 =	vor.u32 s5, v1;
	_ =	sdelay $0x4  }
0x251: {  	v3 =	vld.idx.msk [tilespmem:v3+s16+$0x0], $0xffff  }
0x252: {  	v50 =	vor.u32 s5, v2;
	_ =	sdelay $0x3  }
0x253: {  	[tilespmem:s3+$0xFFFFFF80] =	vst v3  }
0x254: {  	v3 =	vld.idx.msk [tilespmem:v50+s16+$0x0], $0xffff;
	_ =	sdelay $0x2  }
0x255: {  	s6 =	smin.u32 s0, $0x74  }
0x256: {  	s5 =	sadd.s32 $0xB, s6  }
0x257: {  	s6 =	sand.u32 $0xF0, s5;
	[tilespmem:s3+$0xFFFFFF90] =	vst v3  }
0x258: {  	v3 =	vld [tilespmem:s6+$0x0];
	_ =	sdelay $0x1  }
0x259: {  	s5 =	sand.u32 $0xF, s5  }
0x25a: {  	v51 =	vmov s5  }
0x25b: {  	vm8 =	veq.s32 v51, v0  }
0x25c: {  	v3 =	vnsel vm8, $0x0, v3  }
0x25d: {  	(xrf0) =	vadd.scan.msk.s32 $0xffff, v3;
	_ =	sdelay $0x5  }
0x25e: {  	v3, _, _ =	vpop (xrf0)  }
0x25f: {  	(v2sf) =	vpush v3, $0xF;
	_ =	sdelay $0xe  }
0x260: {  	s6 =	spop (v2sf)  }
0x261: {  	s5 =	sand.u32 $0xFFFFF80, s6  }
0x262: {  	s5 =	sadd.s32 s2, s5  }
0x263: {  	[tilespmem:s16], [sflag:$0x4] =	stream.strided.gather [hbm4b:s5+s11], $0x1000, s12, s11, $0x38;
	[tilespmem:$0xC080] =	vst v63  }
0x264: {  	_ =	swait.ge [sflag:s25], $0x1000  }
0x265: {  	[sflag:s25] =	ssyncset.done $0x0  }
0x266: {  	[sflag:s25] =	ssyncadd.s32 $0xFFFFF000  }
0x267: {  	v3 =	vld [tilespmem:s4+$0x0]  }
0x268: {  	s6 =	sadd.s32 $0x4, s0  }
0x269: {  	s5 =	sand.u32 $0xC, s6  }
0x26a: {  	v52 =	vmov s5  }
0x26b: {  	vm8 =	veq.s32 v52, v0  }
0x26c: {  	v3 =	vnsel vm8, $0x0, v3  }
0x26d: {  	(xrf0) =	vadd.scan.msk.s32 $0xffff, v3;
	_ =	sdelay $0x5  }
0x26e: {  	v3, _, _ =	vpop (xrf0)  }
0x26f: {  	(v2sf) =	vpush v3, $0xF;
	_ =	sdelay $0xe  }
0x270: {  	s6 =	spop (v2sf)  }
0x271: {  	s5 =	sand.u32 $0x7F, s6  }
0x272: {  	v3 =	vor.u32 s5, v1;
	_ =	sdelay $0x4  }
0x273: {  	v3 =	vld.idx.msk [tilespmem:v3+s17+$0x0], $0xffff  }
0x274: {  	v53 =	vor.u32 s5, v2;
	_ =	sdelay $0x3  }
0x275: {  	[tilespmem:s3+$0x0] =	vst v3  }
0x276: {  	v3 =	vld.idx.msk [tilespmem:v53+s17+$0x0], $0xffff;
	_ =	sdelay $0x2  }
0x277: {  	s6 =	smin.u32 s0, $0x73  }
0x278: {  	s5 =	sadd.s32 $0xC, s6  }
0x279: {  	s6 =	sand.u32 $0xF0, s5;
	[tilespmem:s3+$0x10] =	vst v3  }
0x27a: {  	v3 =	vld [tilespmem:s6+$0x0];
	_ =	sdelay $0x1  }
0x27b: {  	s5 =	sand.u32 $0xF, s5  }
0x27c: {  	v54 =	vmov s5  }
0x27d: {  	vm8 =	veq.s32 v54, v0  }
0x27e: {  	v3 =	vnsel vm8, $0x0, v3  }
0x27f: {  	(xrf0) =	vadd.scan.msk.s32 $0xffff, v3;
	_ =	sdelay $0x5  }
0x280: {  	v3, _, _ =	vpop (xrf0)  }
0x281: {  	(v2sf) =	vpush v3, $0xF;
	_ =	sdelay $0xe  }
0x282: {  	s6 =	spop (v2sf)  }
0x283: {  	s5 =	sand.u32 $0xFFFFF80, s6  }
0x284: {  	s5 =	sadd.s32 s2, s5  }
0x285: {  	[tilespmem:s17], [sflag:$0x5] =	stream.strided.gather [hbm4b:s5+s11], $0x1000, s12, s11, $0x38;
	[tilespmem:$0xC080] =	vst v63  }
0x286: {  	_ =	swait.ge [sflag:s26], $0x1000  }
0x287: {  	[sflag:s26] =	ssyncset.done $0x0  }
0x288: {  	[sflag:s26] =	ssyncadd.s32 $0xFFFFF000  }
0x289: {  	v3 =	vld [tilespmem:s4+$0x0]  }
0x28a: {  	s6 =	sadd.s32 $0x5, s0  }
0x28b: {  	s5 =	sand.u32 $0xD, s6  }
0x28c: {  	v55 =	vmov s5  }
0x28d: {  	vm8 =	veq.s32 v55, v0  }
0x28e: {  	v3 =	vnsel vm8, $0x0, v3  }
0x28f: {  	(xrf0) =	vadd.scan.msk.s32 $0xffff, v3;
	_ =	sdelay $0x5  }
0x290: {  	v3, _, _ =	vpop (xrf0)  }
0x291: {  	(v2sf) =	vpush v3, $0xF;
	_ =	sdelay $0xe  }
0x292: {  	s6 =	spop (v2sf)  }
0x293: {  	s5 =	sand.u32 $0x7F, s6  }
0x294: {  	v3 =	vor.u32 s5, v1;
	_ =	sdelay $0x4  }
0x295: {  	v3 =	vld.idx.msk [tilespmem:v3+s18+$0x0], $0xffff  }
0x296: {  	v56 =	vor.u32 s5, v2;
	_ =	sdelay $0x3  }
0x297: {  	[tilespmem:s3+$0x80] =	vst v3  }
0x298: {  	v3 =	vld.idx.msk [tilespmem:v56+s18+$0x0], $0xffff;
	_ =	sdelay $0x2  }
0x299: {  	s6 =	smin.u32 s0, $0x72  }
0x29a: {  	s5 =	sadd.s32 $0xD, s6  }
0x29b: {  	s6 =	sand.u32 $0xF0, s5;
	[tilespmem:s3+$0x90] =	vst v3  }
0x29c: {  	v3 =	vld [tilespmem:s6+$0x0];
	_ =	sdelay $0x1  }
0x29d: {  	s5 =	sand.u32 $0xF, s5  }
0x29e: {  	v57 =	vmov s5  }
0x29f: {  	vm8 =	veq.s32 v57, v0  }
0x2a0: {  	v3 =	vnsel vm8, $0x0, v3  }
0x2a1: {  	(xrf0) =	vadd.scan.msk.s32 $0xffff, v3;
	_ =	sdelay $0x5  }
0x2a2: {  	v3, _, _ =	vpop (xrf0)  }
0x2a3: {  	(v2sf) =	vpush v3, $0xF;
	_ =	sdelay $0xe  }
0x2a4: {  	s6 =	spop (v2sf)  }
0x2a5: {  	s5 =	sand.u32 $0xFFFFF80, s6  }
0x2a6: {  	s5 =	sadd.s32 s2, s5  }
0x2a7: {  	[tilespmem:s18], [sflag:$0x6] =	stream.strided.gather [hbm4b:s5+s11], $0x1000, s12, s11, $0x38;
	[tilespmem:$0xC080] =	vst v63  }
0x2a8: {  	_ =	swait.ge [sflag:s28], $0x1000  }
0x2a9: {  	[sflag:s28] =	ssyncset.done $0x0  }
0x2aa: {  	[sflag:s28] =	ssyncadd.s32 $0xFFFFF000  }
0x2ab: {  	v3 =	vld [tilespmem:s4+$0x0]  }
0x2ac: {  	s6 =	sadd.s32 $0x6, s0  }
0x2ad: {  	s5 =	sand.u32 $0xE, s6  }
0x2ae: {  	v58 =	vmov s5  }
0x2af: {  	vm8 =	veq.s32 v58, v0  }
0x2b0: {  	v3 =	vnsel vm8, $0x0, v3  }
0x2b1: {  	(xrf0) =	vadd.scan.msk.s32 $0xffff, v3;
	_ =	sdelay $0x5  }
0x2b2: {  	v3, _, _ =	vpop (xrf0)  }
0x2b3: {  	(v2sf) =	vpush v3, $0xF;
	_ =	sdelay $0xe  }
0x2b4: {  	s6 =	spop (v2sf)  }
0x2b5: {  	s5 =	sand.u32 $0x7F, s6  }
0x2b6: {  	v3 =	vor.u32 s5, v1;
	_ =	sdelay $0x4  }
0x2b7: {  	v3 =	vld.idx.msk [tilespmem:v3+s19+$0x0], $0xffff  }
0x2b8: {  	v59 =	vor.u32 s5, v2;
	_ =	sdelay $0x3  }
0x2b9: {  	[tilespmem:s3+$0x100] =	vst v3  }
0x2ba: {  	v3 =	vld.idx.msk [tilespmem:v59+s19+$0x0], $0xffff;
	_ =	sdelay $0x2  }
0x2bb: {  	s6 =	smin.u32 s0, $0x71  }
0x2bc: {  	s5 =	sadd.s32 $0xE, s6  }
0x2bd: {  	s6 =	sand.u32 $0xF0, s5;
	[tilespmem:s3+$0x110] =	vst v3  }
0x2be: {  	v3 =	vld [tilespmem:s6+$0x0];
	_ =	sdelay $0x1  }
0x2bf: {  	s5 =	sand.u32 $0xF, s5  }
0x2c0: {  	v60 =	vmov s5  }
0x2c1: {  	vm8 =	veq.s32 v60, v0  }
0x2c2: {  	v3 =	vnsel vm8, $0x0, v3  }
0x2c3: {  	(xrf0) =	vadd.scan.msk.s32 $0xffff, v3;
	_ =	sdelay $0x5  }
0x2c4: {  	v3, _, _ =	vpop (xrf0)  }
0x2c5: {  	(v2sf) =	vpush v3, $0xF;
	_ =	sdelay $0xe  }
0x2c6: {  	s6 =	spop (v2sf)  }
0x2c7: {  	s5 =	sand.u32 $0xFFFFF80, s6  }
0x2c8: {  	s5 =	sadd.s32 s2, s5  }
0x2c9: {  	[tilespmem:s19], [sflag:$0x7] =	stream.strided.gather [hbm4b:s5+s11], $0x1000, s12, s11, $0x38;
	[tilespmem:$0xC080] =	vst v63  }
0x2ca: {  	_ =	swait.ge [sflag:s29], $0x1000  }
0x2cb: {  	[sflag:s29] =	ssyncset.done $0x0  }
0x2cc: {  	[sflag:s29] =	ssyncadd.s32 $0xFFFFF000  }
0x2cd: {  	v3 =	vld [tilespmem:s4+$0x0]  }
0x2ce: {  	s5 =	sadd.s32 $0x7, s0  }
0x2cf: {  	s4 =	sand.u32 $0xF, s5  }
0x2d0: {  	v61 =	vmov s4  }
0x2d1: {  	vm8 =	veq.s32 v61, v0  }
0x2d2: {  	v3 =	vnsel vm8, $0x0, v3  }
0x2d3: {  	(xrf0) =	vadd.scan.msk.s32 $0xffff, v3;
	_ =	sdelay $0x5  }
0x2d4: {  	v3, _, _ =	vpop (xrf0)  }
0x2d5: {  	(v2sf) =	vpush v3, $0xF;
	_ =	sdelay $0xe  }
0x2d6: {  	s6 =	spop (v2sf)  }
0x2d7: {  	s4 =	sand.u32 $0x7F, s6  }
0x2d8: {  	v3 =	vor.u32 s4, v1;
	_ =	sdelay $0x4  }
0x2d9: {  	v3 =	vld.idx.msk [tilespmem:v3+s20+$0x0], $0xffff  }
0x2da: {  	v62 =	vor.u32 s4, v2;
	_ =	sdelay $0x3  }
0x2db: {  	[tilespmem:s3+$0x180] =	vst v3  }
0x2dc: {  	v3 =	vld.idx.msk [tilespmem:v62+s20+$0x0], $0xffff;
	_ =	sdelay $0x2  }
0x2dd: {  	s5 =	smin.u32 s0, $0x70  }
0x2de: {  	s4 =	sadd.s32 $0xF, s5  }
0x2df: {  	s6 =	sand.u32 $0xF0, s4;
	[tilespmem:s3+$0x190] =	vst v3  }
0x2e0: {  	v3 =	vld [tilespmem:s6+$0x0];
	_ =	sdelay $0x1  }
0x2e1: {  	s4 =	sand.u32 $0xF, s4  }
0x2e2: {  	v63 =	vmov s4  }
0x2e3: {  	vm8 =	veq.s32 v63, v0  }
0x2e4: {  	v3 =	vnsel vm8, $0x0, v3  }
0x2e5: {  	(xrf0) =	vadd.scan.msk.s32 $0xffff, v3;
	_ =	sdelay $0x5  }
0x2e6: {  	v3, _, _ =	vpop (xrf0)  }
0x2e7: {  	(v2sf) =	vpush v3, $0xF;
	_ =	sdelay $0xc  }
0x2e8: {  	p0 =	sne.s32 s0, $0x78  }
.Ltmp1:
0x2e9: {  	_ = 	snop;
	(pc) =	sbr.rel @p0 .LBB2_4-.Ltmp1, $4  }
0x2ea: {  	s6 =	spop (v2sf)  }
0x2eb: {  	s4 =	sand.u32 $0xFFFFF80, s6  }
0x2ec: {  	s0 =	sadd.s32 $0x8, s0;
	s3 =	sadd.s32 $0x400, s3;
	s4 =	sadd.s32 s2, s4  }
0x2ed: {  	[tilespmem:s20], [sflag:$0x8] =	stream.strided.gather [hbm4b:s4+s11], $0x1000, s12, s11, $0x38;
	[tilespmem:$0xC080] =	vst v63  }
0x2ee: {  	_ =	swait.ge [sflag:s21], $0x1000  }
0x2ef: {  	[sflag:s21] =	ssyncset.done $0x0  }
0x2f0: {  	[sflag:s21] =	ssyncadd.s32 $0xFFFFF000  }
0x2f1: {  	_ =	swait.ge [sflag:s22], $0x1000  }
0x2f2: {  	[sflag:s22] =	ssyncset.done $0x0  }
0x2f3: {  	[sflag:s22] =	ssyncadd.s32 $0xFFFFF000  }
0x2f4: {  	_ =	swait.ge [sflag:s23], $0x1000  }
0x2f5: {  	[sflag:s23] =	ssyncset.done $0x0  }
0x2f6: {  	[sflag:s23] =	ssyncadd.s32 $0xFFFFF000  }
0x2f7: {  	_ =	swait.ge [sflag:s24], $0x1000  }
0x2f8: {  	[sflag:s24] =	ssyncset.done $0x0  }
0x2f9: {  	[sflag:s24] =	ssyncadd.s32 $0xFFFFF000  }
0x2fa: {  	_ =	swait.ge [sflag:s25], $0x1000  }
0x2fb: {  	[sflag:s25] =	ssyncset.done $0x0  }
0x2fc: {  	[sflag:s25] =	ssyncadd.s32 $0xFFFFF000  }
0x2fd: {  	_ =	swait.ge [sflag:s26], $0x1000  }
0x2fe: {  	[sflag:s26] =	ssyncset.done $0x0  }
0x2ff: {  	[sflag:s26] =	ssyncadd.s32 $0xFFFFF000  }
0x300: {  	_ =	swait.ge [sflag:s28], $0x1000  }
0x301: {  	[sflag:s28] =	ssyncset.done $0x0  }
0x302: {  	[sflag:s28] =	ssyncadd.s32 $0xFFFFF000  }
0x303: {  	s31 =	sadd.s32 $0x1, s31;
	_ =	swait.ge [sflag:s29], $0x1000  }
0x304: {  	p0 =	sne.s32 s31, s9;
	[sflag:s29] =	ssyncset.done $0x0  }
.Ltmp2:
0x305: {  	s0 =	simm.s32 $0x0;
	[sflag:s29] =	ssyncadd.s32 $0xFFFFF000;
	(pc) =	sbr.rel @p0 .LBB2_1-.Ltmp2, $4  }
0x306: {  	[hbm4b:s8+s0] =	stream.linear.scatter [tilespmem:s30], [sflag:$0x9], $0x4000, $0x38;
	[tilespmem:$0xC080] =	vst v63  }
0x307: {  	_ =	swait.ge [sflag:s10], $0x4000  }
0x308: {  	[sflag:s10] =	ssyncset.done $0x0  }
0x309: {  	[sflag:s10] =	ssyncadd.s32 $0xFFFFC000  }
0x30a: {  	_ =	sfence.sel $0x180000  }
0x30b: {  	[bflag:$0x0] =	sbarrier.arrive $0xFFFF  }
0x30c: {  	_ =	strace $0x90000047  }
0x30d: {  	s0 =	stileid.u32;
	[bflag:$0x2] =	sbarrier.arrive $0xFFFF  }
0x30e: {  	p0 =	sne.s32 s0, $0x0;
	s0 =	rddreg [dreg:$0x5]  }
0x30f: {  	s0 =	sadd.s32 @!p0 $0x100000, s0  }
0x310: {  	[sflag:s0] =	ssyncadd.tile.s32 @!p0 $0x1;
	_ =	shalt  }
.Lfunc_end2:
_tile_overlayer_lowered:
.L_overlay_start_2:
0x311: {  	(tag) =	ssettag $0x2  }
0x312: {  	s0 =	rddreg [dreg:$0x0];
	s2 =	stileid.u32  }
0x313: {  	s1 =	rddreg [dreg:$0x1];
	p0 =	sne.s32 s2, $0x0  }
0x314: {  	s3 =	rddreg [dreg:$0x2];
	[bflag:$0x3] =	sbarrier.arrive $0xFFFF;
	s2 =	simm.s32 @!p0 $0x1C09  }
0x315: {  	[timem:s3], [sflag:s2] =	dma.local @!p0 [hbm:s0], s1  }
0x316: {  	s0 =	simm.s32 @!p0 $0x9  }
0x317: {  	_ =	swait.ge @!p0 [sflag:s0], s1  }
0x318: {  	s1 =	ssub.s32 @!p0 $0x0, s1;
	[sflag:s0] =	ssyncset.done @!p0 $0x0  }
0x319: {  	[sflag:s0] =	ssyncadd.s32 @!p0 s1  }
0x31a: {  	[bflag:$0x3] =	sbarrier.arrive $0xFFFF  }
0x31b: {  	_ =	shalt  }

</sc_bundles>
